<compile_context>
chip_gen: v7x
topology: tpu7x:2x2x1
jax: 0.10.2.dev20260603
libtpu: 0.0.44.dev20260713+nightly
codegen_flags: <defaults>
</compile_context>

<pallas_src>
import functools
import math

import jax
import jax.numpy as jnp
from jax import lax
from jax.experimental import pallas as pl
from jax.experimental.pallas import tpu as pltpu
from jax.experimental.pallas import tpu_sc as plsc

D_MODEL = 64
SCALE = math.sqrt(D_MODEL)

_info = plsc.get_sparse_core_info()
NC, NS, L = _info.num_cores, _info.num_subcores, _info.num_lanes
NW = NC * NS

CHUNK = 128
NBUF = 4
LEAD = 2
SBUF = 2


def _make_kernel(B, D):
    assert B % (NW * CHUNK) == 0
    b_per_w = B // NW
    n_chunks = b_per_w // CHUNK
    assert n_chunks % NBUF == 0 and LEAD < NBUF
    mesh = plsc.VectorSubcoreMesh(core_axis_name="c", subcore_axis_name="s")

    @functools.partial(
        pl.kernel,
        out_type=jax.ShapeDtypeStruct((B, D), jnp.float32),
        mesh=mesh,
        scratch_types=[
            pltpu.VMEM((b_per_w,), jnp.int32),
            [pltpu.VMEM((CHUNK, 2 * D), jnp.float32) for _ in range(NBUF)],
            [pltpu.VMEM((CHUNK, D), jnp.float32) for _ in range(SBUF)],
            [pltpu.VMEM((CHUNK,), jnp.int32) for _ in range(NBUF)],
            [pltpu.VMEM((CHUNK + L,), jnp.int32) for _ in range(NBUF)],
            [pltpu.SemaphoreType.DMA for _ in range(NBUF)],
            [pltpu.SemaphoreType.DMA for _ in range(SBUF)],
        ],
        compiler_params=pltpu.CompilerParams(
            use_tc_tiling_on_sc=True, needs_layout_passes=False
        ),
    )
    def k(lut_hbm, idx_hbm, out_hbm, idx_v, gbuf, obuf, ibuf, pbuf, gsem, ssem):
        wid = lax.axis_index("s") * NC + lax.axis_index("c")
        base = wid * b_per_w
        pltpu.sync_copy(idx_hbm.at[pl.ds(base, b_per_w)], idx_v)

        def prep_idx(c, slot):
            for t0 in range(CHUNK // L):
                sl = pl.ds(t0 * L, L)
                raw = idx_v[pl.ds(c * CHUNK + t0 * L, L)]
                ibuf[slot][sl] = lax.shift_right_logical(raw, 1)
                pbuf[slot][sl] = (raw & 1) * D

        def gather_start(slot):
            pltpu.async_copy(lut_hbm.at[ibuf[slot]], gbuf[slot], gsem[slot])

        def gather_wait(slot):
            pltpu.make_async_copy(
                lut_hbm.at[ibuf[slot]], gbuf[slot], gsem[slot]
            ).wait()

        def scatter_start(c, slot):
            pltpu.async_copy(
                obuf[slot],
                out_hbm.at[pl.ds(base + c * CHUNK, CHUNK)],
                ssem[slot],
            )

        def scatter_wait(c, slot):
            pltpu.make_async_copy(
                obuf[slot],
                out_hbm.at[pl.ds(base + c * CHUNK, CHUNK)],
                ssem[slot],
            ).wait()

        def select_scale(gslot, pslot, oslot):
            def t_body(t, carry):
                pv = pbuf[pslot][pl.ds(t, L)]
                par = pv[0]
                for k0 in range(0, D, L):
                    vals = gbuf[gslot][t, pl.ds(par + k0, L)]
                    obuf[oslot][t, pl.ds(k0, L)] = vals * SCALE
                return carry

            lax.fori_loop(0, CHUNK, t_body, 0, unroll=2)

        for b in range(LEAD):
            prep_idx(b, b)
            gather_start(b)

        def group_body(grp, carry):
            for b in range(NBUF):
                c = grp * NBUF + b
                gather_wait(b)
                ts = b % SBUF

                @pl.when(c >= SBUF)
                def _():
                    scatter_wait(c - SBUF, ts)

                select_scale(b, b, ts)
                scatter_start(c, ts)

                h = c + LEAD
                sb = (b + LEAD) % NBUF

                @pl.when(h < n_chunks)
                def _():
                    prep_idx(h, sb)
                    gather_start(sb)

            return carry

        lax.fori_loop(0, n_chunks // NBUF, group_body, 0)

        for c in range(n_chunks - SBUF, n_chunks):
            scatter_wait(c, c % SBUF)

    return k


def kernel(x, lut):
    B = x.shape[0] * x.shape[1]
    lut128 = lut.reshape(lut.shape[0] // 2, 2 * D_MODEL)
    xflat = x.reshape(B).astype(jnp.int32)
    out = _make_kernel(B, D_MODEL)(lut128, xflat)
    return out.reshape(x.shape[0], x.shape[1], D_MODEL)

# --- scband reference (transcript-rebuilt; emitter-appended) ---
"""Pipeline reference for scband-token-embeddings-49606872269526 (READ-ONLY COPY).

The authoritative reference and input builder live on the scoring server;
editing this copy changes nothing except your own understanding.
"""

import jax, jax.numpy as jnp
import numpy as np
import math

D_MODEL = 64
VOCAB = 1000000

def setup_inputs(seed: int = 0) -> dict:
    key = jax.random.key(seed)
    k1, k2 = jax.random.split(key)
    x = jax.random.randint(k1, (4096, 200), 0, VOCAB, dtype=jnp.int64 if jax.config.jax_enable_x64 else jnp.int32)
    lut = jax.random.normal(k2, (VOCAB, D_MODEL), dtype=jnp.float32)
    return {"x": x, "lut": lut}

def reference(x, lut):
    # nn.Embedding lookup followed by scaling by sqrt(d_model)
    emb = jnp.take(lut, x, axis=0)
    return emb * math.sqrt(D_MODEL)

if __name__ == "__main__":
    import jax
    _d = setup_inputs()
    print(jax.jit(kernel)(*tuple(_d.values())))

</pallas_src>

<mosaic_0001>
#map = affine_map<(d0, d1) -> (0, 0)>
#map1 = affine_map<(d0, d1) -> (0)>
module attributes {stable_mosaic.version = 14 : i64} {
  func.func @k(%arg0: i32, %arg1: i32, %arg2: memref<500000x128xf32, #tpu.memory_space<hbm>>, %arg3: memref<819200xi32, #tpu.memory_space<hbm>>, %arg4: memref<819200x64xf32, #tpu.memory_space<hbm>>, %arg5: memref<25600xi32, #tpu.memory_space<vmem>>, %arg6: memref<128x128xf32, #tpu.memory_space<vmem>>, %arg7: memref<128x128xf32, #tpu.memory_space<vmem>>, %arg8: memref<128x128xf32, #tpu.memory_space<vmem>>, %arg9: memref<128x128xf32, #tpu.memory_space<vmem>>, %arg10: memref<128x64xf32, #tpu.memory_space<vmem>>, %arg11: memref<128x64xf32, #tpu.memory_space<vmem>>, %arg12: memref<128xi32, #tpu.memory_space<vmem>>, %arg13: memref<128xi32, #tpu.memory_space<vmem>>, %arg14: memref<128xi32, #tpu.memory_space<vmem>>, %arg15: memref<128xi32, #tpu.memory_space<vmem>>, %arg16: memref<144xi32, #tpu.memory_space<vmem>>, %arg17: memref<144xi32, #tpu.memory_space<vmem>>, %arg18: memref<144xi32, #tpu.memory_space<vmem>>, %arg19: memref<144xi32, #tpu.memory_space<vmem>>, %arg20: memref<!tpu.dma_semaphore, #tpu.memory_space<semaphore_mem>>, %arg21: memref<!tpu.dma_semaphore, #tpu.memory_space<semaphore_mem>>, %arg22: memref<!tpu.dma_semaphore, #tpu.memory_space<semaphore_mem>>, %arg23: memref<!tpu.dma_semaphore, #tpu.memory_space<semaphore_mem>>, %arg24: memref<!tpu.dma_semaphore, #tpu.memory_space<semaphore_mem>>, %arg25: memref<!tpu.dma_semaphore, #tpu.memory_space<semaphore_mem>>) attributes {dimension_semantics = [#tpu.dimension_semantics<core_parallel>, #tpu.dimension_semantics<subcore_parallel>], iteration_bounds = array<i64: 2, 16>, scalar_prefetch = 0 : i64, scratch_operands = 21 : i64, tpu.core_type = #tpu.core_type<sc_vector_subcore>, window_params = [{transform_indices = #map}, {transform_indices = #map1}, {transform_indices = #map}]} {
    %mul3A = arith.constant 2 : i32
    %mul3A_0 = arith.muli %arg1, %mul3A : i32
    %add3A = arith.addi %mul3A_0, %arg0 : i32
    %mul3A_1 = arith.constant 25600 : i32
    %mul3A_2 = arith.muli %add3A, %mul3A_1 : i32
    "tpu.region"() ({
      %run_scoped3A = tpu.sem_alloc : memref<!tpu.dma_semaphore, #tpu.memory_space<semaphore_mem>>
      %dma_start3A_260 = tpu.memref_slice %arg3[%mul3A_2] : memref<819200xi32, #tpu.memory_space<hbm>> -> memref<25600xi32, #tpu.memory_space<hbm>>
      %dma_start3A_261 = tpu.memref_slice %arg3[%mul3A_2] : memref<819200xi32, #tpu.memory_space<hbm>> -> memref<25600xi32, #tpu.memory_space<hbm>>
      tpu.enqueue_dma source(%dma_start3A_261 : memref<25600xi32, #tpu.memory_space<hbm>>) target(%arg5 : memref<25600xi32, #tpu.memory_space<vmem>>) target_semaphore(%run_scoped3A : memref<!tpu.dma_semaphore, #tpu.memory_space<semaphore_mem>>)
      %dma_wait3A_262 = tpu.memref_slice %arg3[%mul3A_2] : memref<819200xi32, #tpu.memory_space<hbm>> -> memref<25600xi32, #tpu.memory_space<hbm>>
      %dma_wait3A_263 = tpu.memref_slice %arg3[%mul3A_2] : memref<819200xi32, #tpu.memory_space<hbm>> -> memref<25600xi32, #tpu.memory_space<hbm>>
      tpu.wait_dma2 semaphore(%run_scoped3A : memref<!tpu.dma_semaphore, #tpu.memory_space<semaphore_mem>>) src(%dma_wait3A_263 : memref<25600xi32, #tpu.memory_space<hbm>>) dst(%arg5 : memref<25600xi32, #tpu.memory_space<vmem>>)
      tpu.yield
    }) : () -> ()
    %get3A = arith.constant 0 : index
    %get3A_3 = tpu.vector_load %arg5[%get3A] {strides = array<i32>} : memref<25600xi32, #tpu.memory_space<vmem>>, vector<16xi32>,
    %shift_right_logical3A = arith.constant 1 : i32
    %shift_right_logical3A_4 = vector.broadcast %shift_right_logical3A : i32 to vector<16xi32>
    %shift_right_logical3A_5 = arith.shrui %get3A_3, %shift_right_logical3A_4 : vector<16xi32>
    %swap3A = arith.constant 0 : index
    %swap3A_6 = tpu.vector_load %arg12[%swap3A] {strides = array<i32>} : memref<128xi32, #tpu.memory_space<vmem>>, vector<16xi32>,
    tpu.vector_store %arg12[%swap3A], %shift_right_logical3A_5 {strides = array<i32>} : memref<128xi32, #tpu.memory_space<vmem>>, vector<16xi32>,
    %and3A = arith.constant 1 : i32
    %and3A_7 = vector.broadcast %and3A : i32 to vector<16xi32>
    %and3A_8 = arith.andi %get3A_3, %and3A_7 : vector<16xi32>
    %mul3A_9 = arith.constant 64 : i32
    %mul3A_10 = vector.broadcast %mul3A_9 : i32 to vector<16xi32>
    %mul3A_11 = arith.muli %and3A_8, %mul3A_10 : vector<16xi32>
    %swap3A_12 = arith.constant 0 : index
    %swap3A_13 = tpu.vector_load %arg16[%swap3A_12] {strides = array<i32>} : memref<144xi32, #tpu.memory_space<vmem>>, vector<16xi32>,
    tpu.vector_store %arg16[%swap3A_12], %mul3A_11 {strides = array<i32>} : memref<144xi32, #tpu.memory_space<vmem>>, vector<16xi32>,
    %get3A_14 = arith.constant 16 : index
    %get3A_15 = tpu.vector_load %arg5[%get3A_14] {strides = array<i32>} : memref<25600xi32, #tpu.memory_space<vmem>>, vector<16xi32>,
    %shift_right_logical3A_16 = arith.constant 1 : i32
    %shift_right_logical3A_17 = vector.broadcast %shift_right_logical3A_16 : i32 to vector<16xi32>
    %shift_right_logical3A_18 = arith.shrui %get3A_15, %shift_right_logical3A_17 : vector<16xi32>
    %swap3A_19 = arith.constant 16 : index
    %swap3A_20 = tpu.vector_load %arg12[%swap3A_19] {strides = array<i32>} : memref<128xi32, #tpu.memory_space<vmem>>, vector<16xi32>,
    tpu.vector_store %arg12[%swap3A_19], %shift_right_logical3A_18 {strides = array<i32>} : memref<128xi32, #tpu.memory_space<vmem>>, vector<16xi32>,
    %and3A_21 = arith.constant 1 : i32
    %and3A_22 = vector.broadcast %and3A_21 : i32 to vector<16xi32>
    %and3A_23 = arith.andi %get3A_15, %and3A_22 : vector<16xi32>
    %mul3A_24 = arith.constant 64 : i32
    %mul3A_25 = vector.broadcast %mul3A_24 : i32 to vector<16xi32>
    %mul3A_26 = arith.muli %and3A_23, %mul3A_25 : vector<16xi32>
    %swap3A_27 = arith.constant 16 : index
    %swap3A_28 = tpu.vector_load %arg16[%swap3A_27] {strides = array<i32>} : memref<144xi32, #tpu.memory_space<vmem>>, vector<16xi32>,
    tpu.vector_store %arg16[%swap3A_27], %mul3A_26 {strides = array<i32>} : memref<144xi32, #tpu.memory_space<vmem>>, vector<16xi32>,
    %get3A_29 = arith.constant 32 : index
    %get3A_30 = tpu.vector_load %arg5[%get3A_29] {strides = array<i32>} : memref<25600xi32, #tpu.memory_space<vmem>>, vector<16xi32>,
    %shift_right_logical3A_31 = arith.constant 1 : i32
    %shift_right_logical3A_32 = vector.broadcast %shift_right_logical3A_31 : i32 to vector<16xi32>
    %shift_right_logical3A_33 = arith.shrui %get3A_30, %shift_right_logical3A_32 : vector<16xi32>
    %swap3A_34 = arith.constant 32 : index
    %swap3A_35 = tpu.vector_load %arg12[%swap3A_34] {strides = array<i32>} : memref<128xi32, #tpu.memory_space<vmem>>, vector<16xi32>,
    tpu.vector_store %arg12[%swap3A_34], %shift_right_logical3A_33 {strides = array<i32>} : memref<128xi32, #tpu.memory_space<vmem>>, vector<16xi32>,
    %and3A_36 = arith.constant 1 : i32
    %and3A_37 = vector.broadcast %and3A_36 : i32 to vector<16xi32>
    %and3A_38 = arith.andi %get3A_30, %and3A_37 : vector<16xi32>
    %mul3A_39 = arith.constant 64 : i32
    %mul3A_40 = vector.broadcast %mul3A_39 : i32 to vector<16xi32>
    %mul3A_41 = arith.muli %and3A_38, %mul3A_40 : vector<16xi32>
    %swap3A_42 = arith.constant 32 : index
    %swap3A_43 = tpu.vector_load %arg16[%swap3A_42] {strides = array<i32>} : memref<144xi32, #tpu.memory_space<vmem>>, vector<16xi32>,
    tpu.vector_store %arg16[%swap3A_42], %mul3A_41 {strides = array<i32>} : memref<144xi32, #tpu.memory_space<vmem>>, vector<16xi32>,
    %get3A_44 = arith.constant 48 : index
    %get3A_45 = tpu.vector_load %arg5[%get3A_44] {strides = array<i32>} : memref<25600xi32, #tpu.memory_space<vmem>>, vector<16xi32>,
    %shift_right_logical3A_46 = arith.constant 1 : i32
    %shift_right_logical3A_47 = vector.broadcast %shift_right_logical3A_46 : i32 to vector<16xi32>
    %shift_right_logical3A_48 = arith.shrui %get3A_45, %shift_right_logical3A_47 : vector<16xi32>
    %swap3A_49 = arith.constant 48 : index
    %swap3A_50 = tpu.vector_load %arg12[%swap3A_49] {strides = array<i32>} : memref<128xi32, #tpu.memory_space<vmem>>, vector<16xi32>,
    tpu.vector_store %arg12[%swap3A_49], %shift_right_logical3A_48 {strides = array<i32>} : memref<128xi32, #tpu.memory_space<vmem>>, vector<16xi32>,
    %and3A_51 = arith.constant 1 : i32
    %and3A_52 = vector.broadcast %and3A_51 : i32 to vector<16xi32>
    %and3A_53 = arith.andi %get3A_45, %and3A_52 : vector<16xi32>
    %mul3A_54 = arith.constant 64 : i32
    %mul3A_55 = vector.broadcast %mul3A_54 : i32 to vector<16xi32>
    %mul3A_56 = arith.muli %and3A_53, %mul3A_55 : vector<16xi32>
    %swap3A_57 = arith.constant 48 : index
    %swap3A_58 = tpu.vector_load %arg16[%swap3A_57] {strides = array<i32>} : memref<144xi32, #tpu.memory_space<vmem>>, vector<16xi32>,
    tpu.vector_store %arg16[%swap3A_57], %mul3A_56 {strides = array<i32>} : memref<144xi32, #tpu.memory_space<vmem>>, vector<16xi32>,
    %get3A_59 = arith.constant 64 : index
    %get3A_60 = tpu.vector_load %arg5[%get3A_59] {strides = array<i32>} : memref<25600xi32, #tpu.memory_space<vmem>>, vector<16xi32>,
    %shift_right_logical3A_61 = arith.constant 1 : i32
    %shift_right_logical3A_62 = vector.broadcast %shift_right_logical3A_61 : i32 to vector<16xi32>
    %shift_right_logical3A_63 = arith.shrui %get3A_60, %shift_right_logical3A_62 : vector<16xi32>
    %swap3A_64 = arith.constant 64 : index
    %swap3A_65 = tpu.vector_load %arg12[%swap3A_64] {strides = array<i32>} : memref<128xi32, #tpu.memory_space<vmem>>, vector<16xi32>,
    tpu.vector_store %arg12[%swap3A_64], %shift_right_logical3A_63 {strides = array<i32>} : memref<128xi32, #tpu.memory_space<vmem>>, vector<16xi32>,
    %and3A_66 = arith.constant 1 : i32
    %and3A_67 = vector.broadcast %and3A_66 : i32 to vector<16xi32>
    %and3A_68 = arith.andi %get3A_60, %and3A_67 : vector<16xi32>
    %mul3A_69 = arith.constant 64 : i32
    %mul3A_70 = vector.broadcast %mul3A_69 : i32 to vector<16xi32>
    %mul3A_71 = arith.muli %and3A_68, %mul3A_70 : vector<16xi32>
    %swap3A_72 = arith.constant 64 : index
    %swap3A_73 = tpu.vector_load %arg16[%swap3A_72] {strides = array<i32>} : memref<144xi32, #tpu.memory_space<vmem>>, vector<16xi32>,
    tpu.vector_store %arg16[%swap3A_72], %mul3A_71 {strides = array<i32>} : memref<144xi32, #tpu.memory_space<vmem>>, vector<16xi32>,
    %get3A_74 = arith.constant 80 : index
    %get3A_75 = tpu.vector_load %arg5[%get3A_74] {strides = array<i32>} : memref<25600xi32, #tpu.memory_space<vmem>>, vector<16xi32>,
    %shift_right_logical3A_76 = arith.constant 1 : i32
    %shift_right_logical3A_77 = vector.broadcast %shift_right_logical3A_76 : i32 to vector<16xi32>
    %shift_right_logical3A_78 = arith.shrui %get3A_75, %shift_right_logical3A_77 : vector<16xi32>
    %swap3A_79 = arith.constant 80 : index
    %swap3A_80 = tpu.vector_load %arg12[%swap3A_79] {strides = array<i32>} : memref<128xi32, #tpu.memory_space<vmem>>, vector<16xi32>,
    tpu.vector_store %arg12[%swap3A_79], %shift_right_logical3A_78 {strides = array<i32>} : memref<128xi32, #tpu.memory_space<vmem>>, vector<16xi32>,
    %and3A_81 = arith.constant 1 : i32
    %and3A_82 = vector.broadcast %and3A_81 : i32 to vector<16xi32>
    %and3A_83 = arith.andi %get3A_75, %and3A_82 : vector<16xi32>
    %mul3A_84 = arith.constant 64 : i32
    %mul3A_85 = vector.broadcast %mul3A_84 : i32 to vector<16xi32>
    %mul3A_86 = arith.muli %and3A_83, %mul3A_85 : vector<16xi32>
    %swap3A_87 = arith.constant 80 : index
    %swap3A_88 = tpu.vector_load %arg16[%swap3A_87] {strides = array<i32>} : memref<144xi32, #tpu.memory_space<vmem>>, vector<16xi32>,
    tpu.vector_store %arg16[%swap3A_87], %mul3A_86 {strides = array<i32>} : memref<144xi32, #tpu.memory_space<vmem>>, vector<16xi32>,
    %get3A_89 = arith.constant 96 : index
    %get3A_90 = tpu.vector_load %arg5[%get3A_89] {strides = array<i32>} : memref<25600xi32, #tpu.memory_space<vmem>>, vector<16xi32>,
    %shift_right_logical3A_91 = arith.constant 1 : i32
    %shift_right_logical3A_92 = vector.broadcast %shift_right_logical3A_91 : i32 to vector<16xi32>
    %shift_right_logical3A_93 = arith.shrui %get3A_90, %shift_right_logical3A_92 : vector<16xi32>
    %swap3A_94 = arith.constant 96 : index
    %swap3A_95 = tpu.vector_load %arg12[%swap3A_94] {strides = array<i32>} : memref<128xi32, #tpu.memory_space<vmem>>, vector<16xi32>,
    tpu.vector_store %arg12[%swap3A_94], %shift_right_logical3A_93 {strides = array<i32>} : memref<128xi32, #tpu.memory_space<vmem>>, vector<16xi32>,
    %and3A_96 = arith.constant 1 : i32
    %and3A_97 = vector.broadcast %and3A_96 : i32 to vector<16xi32>
    %and3A_98 = arith.andi %get3A_90, %and3A_97 : vector<16xi32>
    %mul3A_99 = arith.constant 64 : i32
    %mul3A_100 = vector.broadcast %mul3A_99 : i32 to vector<16xi32>
    %mul3A_101 = arith.muli %and3A_98, %mul3A_100 : vector<16xi32>
    %swap3A_102 = arith.constant 96 : index
    %swap3A_103 = tpu.vector_load %arg16[%swap3A_102] {strides = array<i32>} : memref<144xi32, #tpu.memory_space<vmem>>, vector<16xi32>,
    tpu.vector_store %arg16[%swap3A_102], %mul3A_101 {strides = array<i32>} : memref<144xi32, #tpu.memory_space<vmem>>, vector<16xi32>,
    %get3A_104 = arith.constant 112 : index
    %get3A_105 = tpu.vector_load %arg5[%get3A_104] {strides = array<i32>} : memref<25600xi32, #tpu.memory_space<vmem>>, vector<16xi32>,
    %shift_right_logical3A_106 = arith.constant 1 : i32
    %shift_right_logical3A_107 = vector.broadcast %shift_right_logical3A_106 : i32 to vector<16xi32>
    %shift_right_logical3A_108 = arith.shrui %get3A_105, %shift_right_logical3A_107 : vector<16xi32>
    %swap3A_109 = arith.constant 112 : index
    %swap3A_110 = tpu.vector_load %arg12[%swap3A_109] {strides = array<i32>} : memref<128xi32, #tpu.memory_space<vmem>>, vector<16xi32>,
    tpu.vector_store %arg12[%swap3A_109], %shift_right_logical3A_108 {strides = array<i32>} : memref<128xi32, #tpu.memory_space<vmem>>, vector<16xi32>,
    %and3A_111 = arith.constant 1 : i32
    %and3A_112 = vector.broadcast %and3A_111 : i32 to vector<16xi32>
    %and3A_113 = arith.andi %get3A_105, %and3A_112 : vector<16xi32>
    %mul3A_114 = arith.constant 64 : i32
    %mul3A_115 = vector.broadcast %mul3A_114 : i32 to vector<16xi32>
    %mul3A_116 = arith.muli %and3A_113, %mul3A_115 : vector<16xi32>
    %swap3A_117 = arith.constant 112 : index
    %swap3A_118 = tpu.vector_load %arg16[%swap3A_117] {strides = array<i32>} : memref<144xi32, #tpu.memory_space<vmem>>, vector<16xi32>,
    tpu.vector_store %arg16[%swap3A_117], %mul3A_116 {strides = array<i32>} : memref<144xi32, #tpu.memory_space<vmem>>, vector<16xi32>,
    %dma_start3A = arith.constant 0 : i32
    %dma_start3A_119 = arith.constant 0 : i32
    %dma_start3A_120 = tpu.memref_slice %arg2[%dma_start3A, %dma_start3A_119] : memref<500000x128xf32, #tpu.memory_space<hbm>> -> memref<500000x128xf32, #tpu.memory_space<hbm>>
    tpu.enqueue_indirect_dma source(%dma_start3A_120 : memref<500000x128xf32, #tpu.memory_space<hbm>>) target(%arg6 : memref<128x128xf32, #tpu.memory_space<vmem>>) offsets(%arg12 : memref<128xi32, #tpu.memory_space<vmem>>) semaphore(%arg20 : memref<!tpu.dma_semaphore, #tpu.memory_space<semaphore_mem>>)
    %get3A_121 = arith.constant 128 : index
    %get3A_122 = tpu.vector_load %arg5[%get3A_121] {strides = array<i32>} : memref<25600xi32, #tpu.memory_space<vmem>>, vector<16xi32>,
    %shift_right_logical3A_123 = arith.constant 1 : i32
    %shift_right_logical3A_124 = vector.broadcast %shift_right_logical3A_123 : i32 to vector<16xi32>
    %shift_right_logical3A_125 = arith.shrui %get3A_122, %shift_right_logical3A_124 : vector<16xi32>
    %swap3A_126 = arith.constant 0 : index
    %swap3A_127 = tpu.vector_load %arg13[%swap3A_126] {strides = array<i32>} : memref<128xi32, #tpu.memory_space<vmem>>, vector<16xi32>,
    tpu.vector_store %arg13[%swap3A_126], %shift_right_logical3A_125 {strides = array<i32>} : memref<128xi32, #tpu.memory_space<vmem>>, vector<16xi32>,
    %and3A_128 = arith.constant 1 : i32
    %and3A_129 = vector.broadcast %and3A_128 : i32 to vector<16xi32>
    %and3A_130 = arith.andi %get3A_122, %and3A_129 : vector<16xi32>
    %mul3A_131 = arith.constant 64 : i32
    %mul3A_132 = vector.broadcast %mul3A_131 : i32 to vector<16xi32>
    %mul3A_133 = arith.muli %and3A_130, %mul3A_132 : vector<16xi32>
    %swap3A_134 = arith.constant 0 : index
    %swap3A_135 = tpu.vector_load %arg17[%swap3A_134] {strides = array<i32>} : memref<144xi32, #tpu.memory_space<vmem>>, vector<16xi32>,
    tpu.vector_store %arg17[%swap3A_134], %mul3A_133 {strides = array<i32>} : memref<144xi32, #tpu.memory_space<vmem>>, vector<16xi32>,
    %get3A_136 = arith.constant 144 : index
    %get3A_137 = tpu.vector_load %arg5[%get3A_136] {strides = array<i32>} : memref<25600xi32, #tpu.memory_space<vmem>>, vector<16xi32>,
    %shift_right_logical3A_138 = arith.constant 1 : i32
    %shift_right_logical3A_139 = vector.broadcast %shift_right_logical3A_138 : i32 to vector<16xi32>
    %shift_right_logical3A_140 = arith.shrui %get3A_137, %shift_right_logical3A_139 : vector<16xi32>
    %swap3A_141 = arith.constant 16 : index
    %swap3A_142 = tpu.vector_load %arg13[%swap3A_141] {strides = array<i32>} : memref<128xi32, #tpu.memory_space<vmem>>, vector<16xi32>,
    tpu.vector_store %arg13[%swap3A_141], %shift_right_logical3A_140 {strides = array<i32>} : memref<128xi32, #tpu.memory_space<vmem>>, vector<16xi32>,
    %and3A_143 = arith.constant 1 : i32
    %and3A_144 = vector.broadcast %and3A_143 : i32 to vector<16xi32>
    %and3A_145 = arith.andi %get3A_137, %and3A_144 : vector<16xi32>
    %mul3A_146 = arith.constant 64 : i32
    %mul3A_147 = vector.broadcast %mul3A_146 : i32 to vector<16xi32>
    %mul3A_148 = arith.muli %and3A_145, %mul3A_147 : vector<16xi32>
    %swap3A_149 = arith.constant 16 : index
    %swap3A_150 = tpu.vector_load %arg17[%swap3A_149] {strides = array<i32>} : memref<144xi32, #tpu.memory_space<vmem>>, vector<16xi32>,
    tpu.vector_store %arg17[%swap3A_149], %mul3A_148 {strides = array<i32>} : memref<144xi32, #tpu.memory_space<vmem>>, vector<16xi32>,
    %get3A_151 = arith.constant 160 : index
    %get3A_152 = tpu.vector_load %arg5[%get3A_151] {strides = array<i32>} : memref<25600xi32, #tpu.memory_space<vmem>>, vector<16xi32>,
    %shift_right_logical3A_153 = arith.constant 1 : i32
    %shift_right_logical3A_154 = vector.broadcast %shift_right_logical3A_153 : i32 to vector<16xi32>
    %shift_right_logical3A_155 = arith.shrui %get3A_152, %shift_right_logical3A_154 : vector<16xi32>
    %swap3A_156 = arith.constant 32 : index
    %swap3A_157 = tpu.vector_load %arg13[%swap3A_156] {strides = array<i32>} : memref<128xi32, #tpu.memory_space<vmem>>, vector<16xi32>,
    tpu.vector_store %arg13[%swap3A_156], %shift_right_logical3A_155 {strides = array<i32>} : memref<128xi32, #tpu.memory_space<vmem>>, vector<16xi32>,
    %and3A_158 = arith.constant 1 : i32
    %and3A_159 = vector.broadcast %and3A_158 : i32 to vector<16xi32>
    %and3A_160 = arith.andi %get3A_152, %and3A_159 : vector<16xi32>
    %mul3A_161 = arith.constant 64 : i32
    %mul3A_162 = vector.broadcast %mul3A_161 : i32 to vector<16xi32>
    %mul3A_163 = arith.muli %and3A_160, %mul3A_162 : vector<16xi32>
    %swap3A_164 = arith.constant 32 : index
    %swap3A_165 = tpu.vector_load %arg17[%swap3A_164] {strides = array<i32>} : memref<144xi32, #tpu.memory_space<vmem>>, vector<16xi32>,
    tpu.vector_store %arg17[%swap3A_164], %mul3A_163 {strides = array<i32>} : memref<144xi32, #tpu.memory_space<vmem>>, vector<16xi32>,
    %get3A_166 = arith.constant 176 : index
    %get3A_167 = tpu.vector_load %arg5[%get3A_166] {strides = array<i32>} : memref<25600xi32, #tpu.memory_space<vmem>>, vector<16xi32>,
    %shift_right_logical3A_168 = arith.constant 1 : i32
    %shift_right_logical3A_169 = vector.broadcast %shift_right_logical3A_168 : i32 to vector<16xi32>
    %shift_right_logical3A_170 = arith.shrui %get3A_167, %shift_right_logical3A_169 : vector<16xi32>
    %swap3A_171 = arith.constant 48 : index
    %swap3A_172 = tpu.vector_load %arg13[%swap3A_171] {strides = array<i32>} : memref<128xi32, #tpu.memory_space<vmem>>, vector<16xi32>,
    tpu.vector_store %arg13[%swap3A_171], %shift_right_logical3A_170 {strides = array<i32>} : memref<128xi32, #tpu.memory_space<vmem>>, vector<16xi32>,
    %and3A_173 = arith.constant 1 : i32
    %and3A_174 = vector.broadcast %and3A_173 : i32 to vector<16xi32>
    %and3A_175 = arith.andi %get3A_167, %and3A_174 : vector<16xi32>
    %mul3A_176 = arith.constant 64 : i32
    %mul3A_177 = vector.broadcast %mul3A_176 : i32 to vector<16xi32>
    %mul3A_178 = arith.muli %and3A_175, %mul3A_177 : vector<16xi32>
    %swap3A_179 = arith.constant 48 : index
    %swap3A_180 = tpu.vector_load %arg17[%swap3A_179] {strides = array<i32>} : memref<144xi32, #tpu.memory_space<vmem>>, vector<16xi32>,
    tpu.vector_store %arg17[%swap3A_179], %mul3A_178 {strides = array<i32>} : memref<144xi32, #tpu.memory_space<vmem>>, vector<16xi32>,
    %get3A_181 = arith.constant 192 : index
    %get3A_182 = tpu.vector_load %arg5[%get3A_181] {strides = array<i32>} : memref<25600xi32, #tpu.memory_space<vmem>>, vector<16xi32>,
    %shift_right_logical3A_183 = arith.constant 1 : i32
    %shift_right_logical3A_184 = vector.broadcast %shift_right_logical3A_183 : i32 to vector<16xi32>
    %shift_right_logical3A_185 = arith.shrui %get3A_182, %shift_right_logical3A_184 : vector<16xi32>
    %swap3A_186 = arith.constant 64 : index
    %swap3A_187 = tpu.vector_load %arg13[%swap3A_186] {strides = array<i32>} : memref<128xi32, #tpu.memory_space<vmem>>, vector<16xi32>,
    tpu.vector_store %arg13[%swap3A_186], %shift_right_logical3A_185 {strides = array<i32>} : memref<128xi32, #tpu.memory_space<vmem>>, vector<16xi32>,
    %and3A_188 = arith.constant 1 : i32
    %and3A_189 = vector.broadcast %and3A_188 : i32 to vector<16xi32>
    %and3A_190 = arith.andi %get3A_182, %and3A_189 : vector<16xi32>
    %mul3A_191 = arith.constant 64 : i32
    %mul3A_192 = vector.broadcast %mul3A_191 : i32 to vector<16xi32>
    %mul3A_193 = arith.muli %and3A_190, %mul3A_192 : vector<16xi32>
    %swap3A_194 = arith.constant 64 : index
    %swap3A_195 = tpu.vector_load %arg17[%swap3A_194] {strides = array<i32>} : memref<144xi32, #tpu.memory_space<vmem>>, vector<16xi32>,
    tpu.vector_store %arg17[%swap3A_194], %mul3A_193 {strides = array<i32>} : memref<144xi32, #tpu.memory_space<vmem>>, vector<16xi32>,
    %get3A_196 = arith.constant 208 : index
    %get3A_197 = tpu.vector_load %arg5[%get3A_196] {strides = array<i32>} : memref<25600xi32, #tpu.memory_space<vmem>>, vector<16xi32>,
    %shift_right_logical3A_198 = arith.constant 1 : i32
    %shift_right_logical3A_199 = vector.broadcast %shift_right_logical3A_198 : i32 to vector<16xi32>
    %shift_right_logical3A_200 = arith.shrui %get3A_197, %shift_right_logical3A_199 : vector<16xi32>
    %swap3A_201 = arith.constant 80 : index
    %swap3A_202 = tpu.vector_load %arg13[%swap3A_201] {strides = array<i32>} : memref<128xi32, #tpu.memory_space<vmem>>, vector<16xi32>,
    tpu.vector_store %arg13[%swap3A_201], %shift_right_logical3A_200 {strides = array<i32>} : memref<128xi32, #tpu.memory_space<vmem>>, vector<16xi32>,
    %and3A_203 = arith.constant 1 : i32
    %and3A_204 = vector.broadcast %and3A_203 : i32 to vector<16xi32>
    %and3A_205 = arith.andi %get3A_197, %and3A_204 : vector<16xi32>
    %mul3A_206 = arith.constant 64 : i32
    %mul3A_207 = vector.broadcast %mul3A_206 : i32 to vector<16xi32>
    %mul3A_208 = arith.muli %and3A_205, %mul3A_207 : vector<16xi32>
    %swap3A_209 = arith.constant 80 : index
    %swap3A_210 = tpu.vector_load %arg17[%swap3A_209] {strides = array<i32>} : memref<144xi32, #tpu.memory_space<vmem>>, vector<16xi32>,
    tpu.vector_store %arg17[%swap3A_209], %mul3A_208 {strides = array<i32>} : memref<144xi32, #tpu.memory_space<vmem>>, vector<16xi32>,
    %get3A_211 = arith.constant 224 : index
    %get3A_212 = tpu.vector_load %arg5[%get3A_211] {strides = array<i32>} : memref<25600xi32, #tpu.memory_space<vmem>>, vector<16xi32>,
    %shift_right_logical3A_213 = arith.constant 1 : i32
    %shift_right_logical3A_214 = vector.broadcast %shift_right_logical3A_213 : i32 to vector<16xi32>
    %shift_right_logical3A_215 = arith.shrui %get3A_212, %shift_right_logical3A_214 : vector<16xi32>
    %swap3A_216 = arith.constant 96 : index
    %swap3A_217 = tpu.vector_load %arg13[%swap3A_216] {strides = array<i32>} : memref<128xi32, #tpu.memory_space<vmem>>, vector<16xi32>,
    tpu.vector_store %arg13[%swap3A_216], %shift_right_logical3A_215 {strides = array<i32>} : memref<128xi32, #tpu.memory_space<vmem>>, vector<16xi32>,
    %and3A_218 = arith.constant 1 : i32
    %and3A_219 = vector.broadcast %and3A_218 : i32 to vector<16xi32>
    %and3A_220 = arith.andi %get3A_212, %and3A_219 : vector<16xi32>
    %mul3A_221 = arith.constant 64 : i32
    %mul3A_222 = vector.broadcast %mul3A_221 : i32 to vector<16xi32>
    %mul3A_223 = arith.muli %and3A_220, %mul3A_222 : vector<16xi32>
    %swap3A_224 = arith.constant 96 : index
    %swap3A_225 = tpu.vector_load %arg17[%swap3A_224] {strides = array<i32>} : memref<144xi32, #tpu.memory_space<vmem>>, vector<16xi32>,
    tpu.vector_store %arg17[%swap3A_224], %mul3A_223 {strides = array<i32>} : memref<144xi32, #tpu.memory_space<vmem>>, vector<16xi32>,
    %get3A_226 = arith.constant 240 : index
    %get3A_227 = tpu.vector_load %arg5[%get3A_226] {strides = array<i32>} : memref<25600xi32, #tpu.memory_space<vmem>>, vector<16xi32>,
    %shift_right_logical3A_228 = arith.constant 1 : i32
    %shift_right_logical3A_229 = vector.broadcast %shift_right_logical3A_228 : i32 to vector<16xi32>
    %shift_right_logical3A_230 = arith.shrui %get3A_227, %shift_right_logical3A_229 : vector<16xi32>
    %swap3A_231 = arith.constant 112 : index
    %swap3A_232 = tpu.vector_load %arg13[%swap3A_231] {strides = array<i32>} : memref<128xi32, #tpu.memory_space<vmem>>, vector<16xi32>,
    tpu.vector_store %arg13[%swap3A_231], %shift_right_logical3A_230 {strides = array<i32>} : memref<128xi32, #tpu.memory_space<vmem>>, vector<16xi32>,
    %and3A_233 = arith.constant 1 : i32
    %and3A_234 = vector.broadcast %and3A_233 : i32 to vector<16xi32>
    %and3A_235 = arith.andi %get3A_227, %and3A_234 : vector<16xi32>
    %mul3A_236 = arith.constant 64 : i32
    %mul3A_237 = vector.broadcast %mul3A_236 : i32 to vector<16xi32>
    %mul3A_238 = arith.muli %and3A_235, %mul3A_237 : vector<16xi32>
    %swap3A_239 = arith.constant 112 : index
    %swap3A_240 = tpu.vector_load %arg17[%swap3A_239] {strides = array<i32>} : memref<144xi32, #tpu.memory_space<vmem>>, vector<16xi32>,
    tpu.vector_store %arg17[%swap3A_239], %mul3A_238 {strides = array<i32>} : memref<144xi32, #tpu.memory_space<vmem>>, vector<16xi32>,
    %dma_start3A_241 = arith.constant 0 : i32
    %dma_start3A_242 = arith.constant 0 : i32
    %dma_start3A_243 = tpu.memref_slice %arg2[%dma_start3A_241, %dma_start3A_242] : memref<500000x128xf32, #tpu.memory_space<hbm>> -> memref<500000x128xf32, #tpu.memory_space<hbm>>
    tpu.enqueue_indirect_dma source(%dma_start3A_243 : memref<500000x128xf32, #tpu.memory_space<hbm>>) target(%arg7 : memref<128x128xf32, #tpu.memory_space<vmem>>) offsets(%arg13 : memref<128xi32, #tpu.memory_space<vmem>>) semaphore(%arg21 : memref<!tpu.dma_semaphore, #tpu.memory_space<semaphore_mem>>)
    %scan3A = arith.constant 0 : i32
    %scan3A_244 = arith.constant 0 : i32
    %scan3A_245 = arith.constant 50 : i32
    %scan3A_246 = arith.addi %scan3A_244, %scan3A_245 : i32
    %scan3A_247 = arith.constant 1 : i32
    scf.for %scan3A_260 = %scan3A_244 to %scan3A_246 step %scan3A_247  : i32 {
      %mul3A_261 = arith.constant 4 : i32
      %mul3A_262 = arith.muli %scan3A_260, %mul3A_261 : i32
      %add3A_263 = arith.constant 0 : i32
      %add3A_264 = arith.addi %mul3A_262, %add3A_263 : i32
      %dma_wait3A_265 = arith.constant 0 : i32
      %dma_wait3A_266 = arith.constant 0 : i32
      %dma_wait3A_267 = tpu.memref_slice %arg2[%dma_wait3A_265, %dma_wait3A_266] : memref<500000x128xf32, #tpu.memory_space<hbm>> -> memref<500000x128xf32, #tpu.memory_space<hbm>>
      tpu.wait_indirect_dma semaphore(%arg20 : memref<!tpu.dma_semaphore, #tpu.memory_space<semaphore_mem>>) src(%dma_wait3A_267 : memref<500000x128xf32, #tpu.memory_space<hbm>>) dst(%arg6 : memref<128x128xf32, #tpu.memory_space<vmem>>)
      %ge3A = arith.constant 2 : i32
      %ge3A_268 = arith.cmpi sge, %add3A_264, %ge3A : i32
      %convert_element_type3A = arith.extui %ge3A_268 : i1 to i32
      %cond3A = arith.constant 0 : i32
      %cond3A_269 = arith.cmpi ne, %convert_element_type3A, %cond3A : i32
      scf.if %cond3A_269 {
        %sub3A = arith.constant 2 : i32
        %sub3A_385 = arith.subi %add3A_264, %sub3A : i32
        %mul3A_386 = arith.constant 128 : i32
        %mul3A_387 = arith.muli %sub3A_385, %mul3A_386 : i32
        %add3A_388 = arith.addi %mul3A_2, %mul3A_387 : i32
        %dma_wait3A_389 = arith.constant 0 : i32
        %dma_wait3A_390 = tpu.memref_slice %arg4[%add3A_388, %dma_wait3A_389] : memref<819200x64xf32, #tpu.memory_space<hbm>> -> memref<128x64xf32, #tpu.memory_space<hbm>>
        %dma_wait3A_391 = arith.constant 0 : i32
        %dma_wait3A_392 = tpu.memref_slice %arg4[%add3A_388, %dma_wait3A_391] : memref<819200x64xf32, #tpu.memory_space<hbm>> -> memref<128x64xf32, #tpu.memory_space<hbm>>
        tpu.wait_dma2 semaphore(%arg24 : memref<!tpu.dma_semaphore, #tpu.memory_space<semaphore_mem>>) src(%arg10 : memref<128x64xf32, #tpu.memory_space<vmem>>) dst(%dma_wait3A_392 : memref<128x64xf32, #tpu.memory_space<hbm>>)
      } else {
      }
      %scan3A_270 = arith.constant 0 : i32
      %scan3A_271 = arith.constant 0 : i32
      %scan3A_272 = arith.constant 128 : i32
      %scan3A_273 = arith.addi %scan3A_271, %scan3A_272 : i32
      %scan3A_274 = arith.constant 2 : i32
      scf.for %scan3A_385 = %scan3A_271 to %scan3A_273 step %scan3A_274  : i32 {
        %get3A_386 = arith.index_cast %scan3A_385 : i32 to index
        %get3A_387 = tpu.vector_load %arg16[%get3A_386] {strides = array<i32>} : memref<144xi32, #tpu.memory_space<vmem>>, vector<16xi32>,
        %slice3A = vector.extract_strided_slice %get3A_387 {offsets = [0], sizes = [1], strides = [1]} : vector<16xi32> to vector<1xi32>
        %squeeze3A = vector.extract %slice3A[0] : i32 from vector<1xi32>
        %add3A_388 = arith.constant 0 : i32
        %add3A_389 = arith.addi %squeeze3A, %add3A_388 : i32
        %get3A_390 = arith.index_cast %scan3A_385 : i32 to index
        %get3A_391 = arith.index_cast %add3A_389 : i32 to index
        %get3A_392 = tpu.vector_load %arg6[%get3A_390, %get3A_391] {strides = array<i32>} : memref<128x128xf32, #tpu.memory_space<vmem>>, vector<16xf32>,
        %mul3A_393 = arith.constant 8.000000e+00 : f32
        %mul3A_394 = vector.broadcast %mul3A_393 : f32 to vector<16xf32>
        %mul3A_395 = arith.mulf %get3A_392, %mul3A_394 : vector<16xf32>
        %swap3A_396 = arith.index_cast %scan3A_385 : i32 to index
        %swap3A_397 = arith.constant 0 : index
        %swap3A_398 = tpu.vector_load %arg10[%swap3A_396, %swap3A_397] {strides = array<i32>} : memref<128x64xf32, #tpu.memory_space<vmem>>, vector<16xf32>,
        tpu.vector_store %arg10[%swap3A_396, %swap3A_397], %mul3A_395 {strides = array<i32>} : memref<128x64xf32, #tpu.memory_space<vmem>>, vector<16xf32>,
        %add3A_399 = arith.constant 16 : i32
        %add3A_400 = arith.addi %squeeze3A, %add3A_399 : i32
        %get3A_401 = arith.index_cast %scan3A_385 : i32 to index
        %get3A_402 = arith.index_cast %add3A_400 : i32 to index
        %get3A_403 = tpu.vector_load %arg6[%get3A_401, %get3A_402] {strides = array<i32>} : memref<128x128xf32, #tpu.memory_space<vmem>>, vector<16xf32>,
        %mul3A_404 = arith.constant 8.000000e+00 : f32
        %mul3A_405 = vector.broadcast %mul3A_404 : f32 to vector<16xf32>
        %mul3A_406 = arith.mulf %get3A_403, %mul3A_405 : vector<16xf32>
        %swap3A_407 = arith.index_cast %scan3A_385 : i32 to index
        %swap3A_408 = arith.constant 16 : index
        %swap3A_409 = tpu.vector_load %arg10[%swap3A_407, %swap3A_408] {strides = array<i32>} : memref<128x64xf32, #tpu.memory_space<vmem>>, vector<16xf32>,
        tpu.vector_store %arg10[%swap3A_407, %swap3A_408], %mul3A_406 {strides = array<i32>} : memref<128x64xf32, #tpu.memory_space<vmem>>, vector<16xf32>,
        %add3A_410 = arith.constant 32 : i32
        %add3A_411 = arith.addi %squeeze3A, %add3A_410 : i32
        %get3A_412 = arith.index_cast %scan3A_385 : i32 to index
        %get3A_413 = arith.index_cast %add3A_411 : i32 to index
        %get3A_414 = tpu.vector_load %arg6[%get3A_412, %get3A_413] {strides = array<i32>} : memref<128x128xf32, #tpu.memory_space<vmem>>, vector<16xf32>,
        %mul3A_415 = arith.constant 8.000000e+00 : f32
        %mul3A_416 = vector.broadcast %mul3A_415 : f32 to vector<16xf32>
        %mul3A_417 = arith.mulf %get3A_414, %mul3A_416 : vector<16xf32>
        %swap3A_418 = arith.index_cast %scan3A_385 : i32 to index
        %swap3A_419 = arith.constant 32 : index
        %swap3A_420 = tpu.vector_load %arg10[%swap3A_418, %swap3A_419] {strides = array<i32>} : memref<128x64xf32, #tpu.memory_space<vmem>>, vector<16xf32>,
        tpu.vector_store %arg10[%swap3A_418, %swap3A_419], %mul3A_417 {strides = array<i32>} : memref<128x64xf32, #tpu.memory_space<vmem>>, vector<16xf32>,
        %add3A_421 = arith.constant 48 : i32
        %add3A_422 = arith.addi %squeeze3A, %add3A_421 : i32
        %get3A_423 = arith.index_cast %scan3A_385 : i32 to index
        %get3A_424 = arith.index_cast %add3A_422 : i32 to index
        %get3A_425 = tpu.vector_load %arg6[%get3A_423, %get3A_424] {strides = array<i32>} : memref<128x128xf32, #tpu.memory_space<vmem>>, vector<16xf32>,
        %mul3A_426 = arith.constant 8.000000e+00 : f32
        %mul3A_427 = vector.broadcast %mul3A_426 : f32 to vector<16xf32>
        %mul3A_428 = arith.mulf %get3A_425, %mul3A_427 : vector<16xf32>
        %swap3A_429 = arith.index_cast %scan3A_385 : i32 to index
        %swap3A_430 = arith.constant 48 : index
        %swap3A_431 = tpu.vector_load %arg10[%swap3A_429, %swap3A_430] {strides = array<i32>} : memref<128x64xf32, #tpu.memory_space<vmem>>, vector<16xf32>,
        tpu.vector_store %arg10[%swap3A_429, %swap3A_430], %mul3A_428 {strides = array<i32>} : memref<128x64xf32, #tpu.memory_space<vmem>>, vector<16xf32>,
        %scan3A_432 = arith.constant 1 : i32
        %scan3A_433 = arith.addi %scan3A_385, %scan3A_432 : i32
        %get3A_434 = arith.index_cast %scan3A_433 : i32 to index
        %get3A_435 = tpu.vector_load %arg16[%get3A_434] {strides = array<i32>} : memref<144xi32, #tpu.memory_space<vmem>>, vector<16xi32>,
        %slice3A_436 = vector.extract_strided_slice %get3A_435 {offsets = [0], sizes = [1], strides = [1]} : vector<16xi32> to vector<1xi32>
        %squeeze3A_437 = vector.extract %slice3A_436[0] : i32 from vector<1xi32>
        %add3A_438 = arith.constant 0 : i32
        %add3A_439 = arith.addi %squeeze3A_437, %add3A_438 : i32
        %get3A_440 = arith.index_cast %scan3A_433 : i32 to index
        %get3A_441 = arith.index_cast %add3A_439 : i32 to index
        %get3A_442 = tpu.vector_load %arg6[%get3A_440, %get3A_441] {strides = array<i32>} : memref<128x128xf32, #tpu.memory_space<vmem>>, vector<16xf32>,
        %mul3A_443 = arith.constant 8.000000e+00 : f32
        %mul3A_444 = vector.broadcast %mul3A_443 : f32 to vector<16xf32>
        %mul3A_445 = arith.mulf %get3A_442, %mul3A_444 : vector<16xf32>
        %swap3A_446 = arith.index_cast %scan3A_433 : i32 to index
        %swap3A_447 = arith.constant 0 : index
        %swap3A_448 = tpu.vector_load %arg10[%swap3A_446, %swap3A_447] {strides = array<i32>} : memref<128x64xf32, #tpu.memory_space<vmem>>, vector<16xf32>,
        tpu.vector_store %arg10[%swap3A_446, %swap3A_447], %mul3A_445 {strides = array<i32>} : memref<128x64xf32, #tpu.memory_space<vmem>>, vector<16xf32>,
        %add3A_449 = arith.constant 16 : i32
        %add3A_450 = arith.addi %squeeze3A_437, %add3A_449 : i32
        %get3A_451 = arith.index_cast %scan3A_433 : i32 to index
        %get3A_452 = arith.index_cast %add3A_450 : i32 to index
        %get3A_453 = tpu.vector_load %arg6[%get3A_451, %get3A_452] {strides = array<i32>} : memref<128x128xf32, #tpu.memory_space<vmem>>, vector<16xf32>,
        %mul3A_454 = arith.constant 8.000000e+00 : f32
        %mul3A_455 = vector.broadcast %mul3A_454 : f32 to vector<16xf32>
        %mul3A_456 = arith.mulf %get3A_453, %mul3A_455 : vector<16xf32>
        %swap3A_457 = arith.index_cast %scan3A_433 : i32 to index
        %swap3A_458 = arith.constant 16 : index
        %swap3A_459 = tpu.vector_load %arg10[%swap3A_457, %swap3A_458] {strides = array<i32>} : memref<128x64xf32, #tpu.memory_space<vmem>>, vector<16xf32>,
        tpu.vector_store %arg10[%swap3A_457, %swap3A_458], %mul3A_456 {strides = array<i32>} : memref<128x64xf32, #tpu.memory_space<vmem>>, vector<16xf32>,
        %add3A_460 = arith.constant 32 : i32
        %add3A_461 = arith.addi %squeeze3A_437, %add3A_460 : i32
        %get3A_462 = arith.index_cast %scan3A_433 : i32 to index
        %get3A_463 = arith.index_cast %add3A_461 : i32 to index
        %get3A_464 = tpu.vector_load %arg6[%get3A_462, %get3A_463] {strides = array<i32>} : memref<128x128xf32, #tpu.memory_space<vmem>>, vector<16xf32>,
        %mul3A_465 = arith.constant 8.000000e+00 : f32
        %mul3A_466 = vector.broadcast %mul3A_465 : f32 to vector<16xf32>
        %mul3A_467 = arith.mulf %get3A_464, %mul3A_466 : vector<16xf32>
        %swap3A_468 = arith.index_cast %scan3A_433 : i32 to index
        %swap3A_469 = arith.constant 32 : index
        %swap3A_470 = tpu.vector_load %arg10[%swap3A_468, %swap3A_469] {strides = array<i32>} : memref<128x64xf32, #tpu.memory_space<vmem>>, vector<16xf32>,
        tpu.vector_store %arg10[%swap3A_468, %swap3A_469], %mul3A_467 {strides = array<i32>} : memref<128x64xf32, #tpu.memory_space<vmem>>, vector<16xf32>,
        %add3A_471 = arith.constant 48 : i32
        %add3A_472 = arith.addi %squeeze3A_437, %add3A_471 : i32
        %get3A_473 = arith.index_cast %scan3A_433 : i32 to index
        %get3A_474 = arith.index_cast %add3A_472 : i32 to index
        %get3A_475 = tpu.vector_load %arg6[%get3A_473, %get3A_474] {strides = array<i32>} : memref<128x128xf32, #tpu.memory_space<vmem>>, vector<16xf32>,
        %mul3A_476 = arith.constant 8.000000e+00 : f32
        %mul3A_477 = vector.broadcast %mul3A_476 : f32 to vector<16xf32>
        %mul3A_478 = arith.mulf %get3A_475, %mul3A_477 : vector<16xf32>
        %swap3A_479 = arith.index_cast %scan3A_433 : i32 to index
        %swap3A_480 = arith.constant 48 : index
        %swap3A_481 = tpu.vector_load %arg10[%swap3A_479, %swap3A_480] {strides = array<i32>} : memref<128x64xf32, #tpu.memory_space<vmem>>, vector<16xf32>,
        tpu.vector_store %arg10[%swap3A_479, %swap3A_480], %mul3A_478 {strides = array<i32>} : memref<128x64xf32, #tpu.memory_space<vmem>>, vector<16xf32>,
      }
      %scan3A_275 = arith.constant 128 : i32
      %mul3A_276 = arith.constant 128 : i32
      %mul3A_277 = arith.muli %add3A_264, %mul3A_276 : i32
      %add3A_278 = arith.addi %mul3A_2, %mul3A_277 : i32
      %dma_start3A_279 = arith.constant 0 : i32
      %dma_start3A_280 = tpu.memref_slice %arg4[%add3A_278, %dma_start3A_279] : memref<819200x64xf32, #tpu.memory_space<hbm>> -> memref<128x64xf32, #tpu.memory_space<hbm>>
      %dma_start3A_281 = arith.constant 0 : i32
      %dma_start3A_282 = tpu.memref_slice %arg4[%add3A_278, %dma_start3A_281] : memref<819200x64xf32, #tpu.memory_space<hbm>> -> memref<128x64xf32, #tpu.memory_space<hbm>>
      tpu.enqueue_dma source(%arg10 : memref<128x64xf32, #tpu.memory_space<vmem>>) target(%dma_start3A_282 : memref<128x64xf32, #tpu.memory_space<hbm>>) target_semaphore(%arg24 : memref<!tpu.dma_semaphore, #tpu.memory_space<semaphore_mem>>)
      %add3A_283 = arith.constant 2 : i32
      %add3A_284 = arith.addi %add3A_264, %add3A_283 : i32
      %lt3A = arith.constant 200 : i32
      %lt3A_285 = arith.cmpi slt, %add3A_284, %lt3A : i32
      %convert_element_type3A_286 = arith.extui %lt3A_285 : i1 to i32
      %cond3A_287 = arith.constant 0 : i32
      %cond3A_288 = arith.cmpi ne, %convert_element_type3A_286, %cond3A_287 : i32
      scf.if %cond3A_288 {
        %mul3A_385 = arith.constant 128 : i32
        %mul3A_386 = arith.muli %add3A_284, %mul3A_385 : i32
        %add3A_387 = arith.constant 0 : i32
        %add3A_388 = arith.addi %mul3A_386, %add3A_387 : i32
        %get3A_389 = arith.index_cast %add3A_388 : i32 to index
        %get3A_390 = tpu.vector_load %arg5[%get3A_389] {strides = array<i32>} : memref<25600xi32, #tpu.memory_space<vmem>>, vector<16xi32>,
        %shift_right_logical3A_391 = arith.constant 1 : i32
        %shift_right_logical3A_392 = vector.broadcast %shift_right_logical3A_391 : i32 to vector<16xi32>
        %shift_right_logical3A_393 = arith.shrui %get3A_390, %shift_right_logical3A_392 : vector<16xi32>
        %swap3A_394 = arith.constant 0 : index
        %swap3A_395 = tpu.vector_load %arg14[%swap3A_394] {strides = array<i32>} : memref<128xi32, #tpu.memory_space<vmem>>, vector<16xi32>,
        tpu.vector_store %arg14[%swap3A_394], %shift_right_logical3A_393 {strides = array<i32>} : memref<128xi32, #tpu.memory_space<vmem>>, vector<16xi32>,
        %and3A_396 = arith.constant 1 : i32
        %and3A_397 = vector.broadcast %and3A_396 : i32 to vector<16xi32>
        %and3A_398 = arith.andi %get3A_390, %and3A_397 : vector<16xi32>
        %mul3A_399 = arith.constant 64 : i32
        %mul3A_400 = vector.broadcast %mul3A_399 : i32 to vector<16xi32>
        %mul3A_401 = arith.muli %and3A_398, %mul3A_400 : vector<16xi32>
        %swap3A_402 = arith.constant 0 : index
        %swap3A_403 = tpu.vector_load %arg18[%swap3A_402] {strides = array<i32>} : memref<144xi32, #tpu.memory_space<vmem>>, vector<16xi32>,
        tpu.vector_store %arg18[%swap3A_402], %mul3A_401 {strides = array<i32>} : memref<144xi32, #tpu.memory_space<vmem>>, vector<16xi32>,
        %mul3A_404 = arith.constant 128 : i32
        %mul3A_405 = arith.muli %add3A_284, %mul3A_404 : i32
        %add3A_406 = arith.constant 16 : i32
        %add3A_407 = arith.addi %mul3A_405, %add3A_406 : i32
        %get3A_408 = arith.index_cast %add3A_407 : i32 to index
        %get3A_409 = tpu.vector_load %arg5[%get3A_408] {strides = array<i32>} : memref<25600xi32, #tpu.memory_space<vmem>>, vector<16xi32>,
        %shift_right_logical3A_410 = arith.constant 1 : i32
        %shift_right_logical3A_411 = vector.broadcast %shift_right_logical3A_410 : i32 to vector<16xi32>
        %shift_right_logical3A_412 = arith.shrui %get3A_409, %shift_right_logical3A_411 : vector<16xi32>
        %swap3A_413 = arith.constant 16 : index
        %swap3A_414 = tpu.vector_load %arg14[%swap3A_413] {strides = array<i32>} : memref<128xi32, #tpu.memory_space<vmem>>, vector<16xi32>,
        tpu.vector_store %arg14[%swap3A_413], %shift_right_logical3A_412 {strides = array<i32>} : memref<128xi32, #tpu.memory_space<vmem>>, vector<16xi32>,
        %and3A_415 = arith.constant 1 : i32
        %and3A_416 = vector.broadcast %and3A_415 : i32 to vector<16xi32>
        %and3A_417 = arith.andi %get3A_409, %and3A_416 : vector<16xi32>
        %mul3A_418 = arith.constant 64 : i32
        %mul3A_419 = vector.broadcast %mul3A_418 : i32 to vector<16xi32>
        %mul3A_420 = arith.muli %and3A_417, %mul3A_419 : vector<16xi32>
        %swap3A_421 = arith.constant 16 : index
        %swap3A_422 = tpu.vector_load %arg18[%swap3A_421] {strides = array<i32>} : memref<144xi32, #tpu.memory_space<vmem>>, vector<16xi32>,
        tpu.vector_store %arg18[%swap3A_421], %mul3A_420 {strides = array<i32>} : memref<144xi32, #tpu.memory_space<vmem>>, vector<16xi32>,
        %mul3A_423 = arith.constant 128 : i32
        %mul3A_424 = arith.muli %add3A_284, %mul3A_423 : i32
        %add3A_425 = arith.constant 32 : i32
        %add3A_426 = arith.addi %mul3A_424, %add3A_425 : i32
        %get3A_427 = arith.index_cast %add3A_426 : i32 to index
        %get3A_428 = tpu.vector_load %arg5[%get3A_427] {strides = array<i32>} : memref<25600xi32, #tpu.memory_space<vmem>>, vector<16xi32>,
        %shift_right_logical3A_429 = arith.constant 1 : i32
        %shift_right_logical3A_430 = vector.broadcast %shift_right_logical3A_429 : i32 to vector<16xi32>
        %shift_right_logical3A_431 = arith.shrui %get3A_428, %shift_right_logical3A_430 : vector<16xi32>
        %swap3A_432 = arith.constant 32 : index
        %swap3A_433 = tpu.vector_load %arg14[%swap3A_432] {strides = array<i32>} : memref<128xi32, #tpu.memory_space<vmem>>, vector<16xi32>,
        tpu.vector_store %arg14[%swap3A_432], %shift_right_logical3A_431 {strides = array<i32>} : memref<128xi32, #tpu.memory_space<vmem>>, vector<16xi32>,
        %and3A_434 = arith.constant 1 : i32
        %and3A_435 = vector.broadcast %and3A_434 : i32 to vector<16xi32>
        %and3A_436 = arith.andi %get3A_428, %and3A_435 : vector<16xi32>
        %mul3A_437 = arith.constant 64 : i32
        %mul3A_438 = vector.broadcast %mul3A_437 : i32 to vector<16xi32>
        %mul3A_439 = arith.muli %and3A_436, %mul3A_438 : vector<16xi32>
        %swap3A_440 = arith.constant 32 : index
        %swap3A_441 = tpu.vector_load %arg18[%swap3A_440] {strides = array<i32>} : memref<144xi32, #tpu.memory_space<vmem>>, vector<16xi32>,
        tpu.vector_store %arg18[%swap3A_440], %mul3A_439 {strides = array<i32>} : memref<144xi32, #tpu.memory_space<vmem>>, vector<16xi32>,
        %mul3A_442 = arith.constant 128 : i32
        %mul3A_443 = arith.muli %add3A_284, %mul3A_442 : i32
        %add3A_444 = arith.constant 48 : i32
        %add3A_445 = arith.addi %mul3A_443, %add3A_444 : i32
        %get3A_446 = arith.index_cast %add3A_445 : i32 to index
        %get3A_447 = tpu.vector_load %arg5[%get3A_446] {strides = array<i32>} : memref<25600xi32, #tpu.memory_space<vmem>>, vector<16xi32>,
        %shift_right_logical3A_448 = arith.constant 1 : i32
        %shift_right_logical3A_449 = vector.broadcast %shift_right_logical3A_448 : i32 to vector<16xi32>
        %shift_right_logical3A_450 = arith.shrui %get3A_447, %shift_right_logical3A_449 : vector<16xi32>
        %swap3A_451 = arith.constant 48 : index
        %swap3A_452 = tpu.vector_load %arg14[%swap3A_451] {strides = array<i32>} : memref<128xi32, #tpu.memory_space<vmem>>, vector<16xi32>,
        tpu.vector_store %arg14[%swap3A_451], %shift_right_logical3A_450 {strides = array<i32>} : memref<128xi32, #tpu.memory_space<vmem>>, vector<16xi32>,
        %and3A_453 = arith.constant 1 : i32
        %and3A_454 = vector.broadcast %and3A_453 : i32 to vector<16xi32>
        %and3A_455 = arith.andi %get3A_447, %and3A_454 : vector<16xi32>
        %mul3A_456 = arith.constant 64 : i32
        %mul3A_457 = vector.broadcast %mul3A_456 : i32 to vector<16xi32>
        %mul3A_458 = arith.muli %and3A_455, %mul3A_457 : vector<16xi32>
        %swap3A_459 = arith.constant 48 : index
        %swap3A_460 = tpu.vector_load %arg18[%swap3A_459] {strides = array<i32>} : memref<144xi32, #tpu.memory_space<vmem>>, vector<16xi32>,
        tpu.vector_store %arg18[%swap3A_459], %mul3A_458 {strides = array<i32>} : memref<144xi32, #tpu.memory_space<vmem>>, vector<16xi32>,
        %mul3A_461 = arith.constant 128 : i32
        %mul3A_462 = arith.muli %add3A_284, %mul3A_461 : i32
        %add3A_463 = arith.constant 64 : i32
        %add3A_464 = arith.addi %mul3A_462, %add3A_463 : i32
        %get3A_465 = arith.index_cast %add3A_464 : i32 to index
        %get3A_466 = tpu.vector_load %arg5[%get3A_465] {strides = array<i32>} : memref<25600xi32, #tpu.memory_space<vmem>>, vector<16xi32>,
        %shift_right_logical3A_467 = arith.constant 1 : i32
        %shift_right_logical3A_468 = vector.broadcast %shift_right_logical3A_467 : i32 to vector<16xi32>
        %shift_right_logical3A_469 = arith.shrui %get3A_466, %shift_right_logical3A_468 : vector<16xi32>
        %swap3A_470 = arith.constant 64 : index
        %swap3A_471 = tpu.vector_load %arg14[%swap3A_470] {strides = array<i32>} : memref<128xi32, #tpu.memory_space<vmem>>, vector<16xi32>,
        tpu.vector_store %arg14[%swap3A_470], %shift_right_logical3A_469 {strides = array<i32>} : memref<128xi32, #tpu.memory_space<vmem>>, vector<16xi32>,
        %and3A_472 = arith.constant 1 : i32
        %and3A_473 = vector.broadcast %and3A_472 : i32 to vector<16xi32>
        %and3A_474 = arith.andi %get3A_466, %and3A_473 : vector<16xi32>
        %mul3A_475 = arith.constant 64 : i32
        %mul3A_476 = vector.broadcast %mul3A_475 : i32 to vector<16xi32>
        %mul3A_477 = arith.muli %and3A_474, %mul3A_476 : vector<16xi32>
        %swap3A_478 = arith.constant 64 : index
        %swap3A_479 = tpu.vector_load %arg18[%swap3A_478] {strides = array<i32>} : memref<144xi32, #tpu.memory_space<vmem>>, vector<16xi32>,
        tpu.vector_store %arg18[%swap3A_478], %mul3A_477 {strides = array<i32>} : memref<144xi32, #tpu.memory_space<vmem>>, vector<16xi32>,
        %mul3A_480 = arith.constant 128 : i32
        %mul3A_481 = arith.muli %add3A_284, %mul3A_480 : i32
        %add3A_482 = arith.constant 80 : i32
        %add3A_483 = arith.addi %mul3A_481, %add3A_482 : i32
        %get3A_484 = arith.index_cast %add3A_483 : i32 to index
        %get3A_485 = tpu.vector_load %arg5[%get3A_484] {strides = array<i32>} : memref<25600xi32, #tpu.memory_space<vmem>>, vector<16xi32>,
        %shift_right_logical3A_486 = arith.constant 1 : i32
        %shift_right_logical3A_487 = vector.broadcast %shift_right_logical3A_486 : i32 to vector<16xi32>
        %shift_right_logical3A_488 = arith.shrui %get3A_485, %shift_right_logical3A_487 : vector<16xi32>
        %swap3A_489 = arith.constant 80 : index
        %swap3A_490 = tpu.vector_load %arg14[%swap3A_489] {strides = array<i32>} : memref<128xi32, #tpu.memory_space<vmem>>, vector<16xi32>,
        tpu.vector_store %arg14[%swap3A_489], %shift_right_logical3A_488 {strides = array<i32>} : memref<128xi32, #tpu.memory_space<vmem>>, vector<16xi32>,
        %and3A_491 = arith.constant 1 : i32
        %and3A_492 = vector.broadcast %and3A_491 : i32 to vector<16xi32>
        %and3A_493 = arith.andi %get3A_485, %and3A_492 : vector<16xi32>
        %mul3A_494 = arith.constant 64 : i32
        %mul3A_495 = vector.broadcast %mul3A_494 : i32 to vector<16xi32>
        %mul3A_496 = arith.muli %and3A_493, %mul3A_495 : vector<16xi32>
        %swap3A_497 = arith.constant 80 : index
        %swap3A_498 = tpu.vector_load %arg18[%swap3A_497] {strides = array<i32>} : memref<144xi32, #tpu.memory_space<vmem>>, vector<16xi32>,
        tpu.vector_store %arg18[%swap3A_497], %mul3A_496 {strides = array<i32>} : memref<144xi32, #tpu.memory_space<vmem>>, vector<16xi32>,
        %mul3A_499 = arith.constant 128 : i32
        %mul3A_500 = arith.muli %add3A_284, %mul3A_499 : i32
        %add3A_501 = arith.constant 96 : i32
        %add3A_502 = arith.addi %mul3A_500, %add3A_501 : i32
        %get3A_503 = arith.index_cast %add3A_502 : i32 to index
        %get3A_504 = tpu.vector_load %arg5[%get3A_503] {strides = array<i32>} : memref<25600xi32, #tpu.memory_space<vmem>>, vector<16xi32>,
        %shift_right_logical3A_505 = arith.constant 1 : i32
        %shift_right_logical3A_506 = vector.broadcast %shift_right_logical3A_505 : i32 to vector<16xi32>
        %shift_right_logical3A_507 = arith.shrui %get3A_504, %shift_right_logical3A_506 : vector<16xi32>
        %swap3A_508 = arith.constant 96 : index
        %swap3A_509 = tpu.vector_load %arg14[%swap3A_508] {strides = array<i32>} : memref<128xi32, #tpu.memory_space<vmem>>, vector<16xi32>,
        tpu.vector_store %arg14[%swap3A_508], %shift_right_logical3A_507 {strides = array<i32>} : memref<128xi32, #tpu.memory_space<vmem>>, vector<16xi32>,
        %and3A_510 = arith.constant 1 : i32
        %and3A_511 = vector.broadcast %and3A_510 : i32 to vector<16xi32>
        %and3A_512 = arith.andi %get3A_504, %and3A_511 : vector<16xi32>
        %mul3A_513 = arith.constant 64 : i32
        %mul3A_514 = vector.broadcast %mul3A_513 : i32 to vector<16xi32>
        %mul3A_515 = arith.muli %and3A_512, %mul3A_514 : vector<16xi32>
        %swap3A_516 = arith.constant 96 : index
        %swap3A_517 = tpu.vector_load %arg18[%swap3A_516] {strides = array<i32>} : memref<144xi32, #tpu.memory_space<vmem>>, vector<16xi32>,
        tpu.vector_store %arg18[%swap3A_516], %mul3A_515 {strides = array<i32>} : memref<144xi32, #tpu.memory_space<vmem>>, vector<16xi32>,
        %mul3A_518 = arith.constant 128 : i32
        %mul3A_519 = arith.muli %add3A_284, %mul3A_518 : i32
        %add3A_520 = arith.constant 112 : i32
        %add3A_521 = arith.addi %mul3A_519, %add3A_520 : i32
        %get3A_522 = arith.index_cast %add3A_521 : i32 to index
        %get3A_523 = tpu.vector_load %arg5[%get3A_522] {strides = array<i32>} : memref<25600xi32, #tpu.memory_space<vmem>>, vector<16xi32>,
        %shift_right_logical3A_524 = arith.constant 1 : i32
        %shift_right_logical3A_525 = vector.broadcast %shift_right_logical3A_524 : i32 to vector<16xi32>
        %shift_right_logical3A_526 = arith.shrui %get3A_523, %shift_right_logical3A_525 : vector<16xi32>
        %swap3A_527 = arith.constant 112 : index
        %swap3A_528 = tpu.vector_load %arg14[%swap3A_527] {strides = array<i32>} : memref<128xi32, #tpu.memory_space<vmem>>, vector<16xi32>,
        tpu.vector_store %arg14[%swap3A_527], %shift_right_logical3A_526 {strides = array<i32>} : memref<128xi32, #tpu.memory_space<vmem>>, vector<16xi32>,
        %and3A_529 = arith.constant 1 : i32
        %and3A_530 = vector.broadcast %and3A_529 : i32 to vector<16xi32>
        %and3A_531 = arith.andi %get3A_523, %and3A_530 : vector<16xi32>
        %mul3A_532 = arith.constant 64 : i32
        %mul3A_533 = vector.broadcast %mul3A_532 : i32 to vector<16xi32>
        %mul3A_534 = arith.muli %and3A_531, %mul3A_533 : vector<16xi32>
        %swap3A_535 = arith.constant 112 : index
        %swap3A_536 = tpu.vector_load %arg18[%swap3A_535] {strides = array<i32>} : memref<144xi32, #tpu.memory_space<vmem>>, vector<16xi32>,
        tpu.vector_store %arg18[%swap3A_535], %mul3A_534 {strides = array<i32>} : memref<144xi32, #tpu.memory_space<vmem>>, vector<16xi32>,
        %dma_start3A_537 = arith.constant 0 : i32
        %dma_start3A_538 = arith.constant 0 : i32
        %dma_start3A_539 = tpu.memref_slice %arg2[%dma_start3A_537, %dma_start3A_538] : memref<500000x128xf32, #tpu.memory_space<hbm>> -> memref<500000x128xf32, #tpu.memory_space<hbm>>
        tpu.enqueue_indirect_dma source(%dma_start3A_539 : memref<500000x128xf32, #tpu.memory_space<hbm>>) target(%arg8 : memref<128x128xf32, #tpu.memory_space<vmem>>) offsets(%arg14 : memref<128xi32, #tpu.memory_space<vmem>>) semaphore(%arg22 : memref<!tpu.dma_semaphore, #tpu.memory_space<semaphore_mem>>)
      } else {
      }
      %mul3A_289 = arith.constant 4 : i32
      %mul3A_290 = arith.muli %scan3A_260, %mul3A_289 : i32
      %add3A_291 = arith.constant 1 : i32
      %add3A_292 = arith.addi %mul3A_290, %add3A_291 : i32
      %dma_wait3A_293 = arith.constant 0 : i32
      %dma_wait3A_294 = arith.constant 0 : i32
      %dma_wait3A_295 = tpu.memref_slice %arg2[%dma_wait3A_293, %dma_wait3A_294] : memref<500000x128xf32, #tpu.memory_space<hbm>> -> memref<500000x128xf32, #tpu.memory_space<hbm>>
      tpu.wait_indirect_dma semaphore(%arg21 : memref<!tpu.dma_semaphore, #tpu.memory_space<semaphore_mem>>) src(%dma_wait3A_295 : memref<500000x128xf32, #tpu.memory_space<hbm>>) dst(%arg7 : memref<128x128xf32, #tpu.memory_space<vmem>>)
      %ge3A_296 = arith.constant 2 : i32
      %ge3A_297 = arith.cmpi sge, %add3A_292, %ge3A_296 : i32
      %convert_element_type3A_298 = arith.extui %ge3A_297 : i1 to i32
      %cond3A_299 = arith.constant 0 : i32
      %cond3A_300 = arith.cmpi ne, %convert_element_type3A_298, %cond3A_299 : i32
      scf.if %cond3A_300 {
        %sub3A = arith.constant 2 : i32
        %sub3A_385 = arith.subi %add3A_292, %sub3A : i32
        %mul3A_386 = arith.constant 128 : i32
        %mul3A_387 = arith.muli %sub3A_385, %mul3A_386 : i32
        %add3A_388 = arith.addi %mul3A_2, %mul3A_387 : i32
        %dma_wait3A_389 = arith.constant 0 : i32
        %dma_wait3A_390 = tpu.memref_slice %arg4[%add3A_388, %dma_wait3A_389] : memref<819200x64xf32, #tpu.memory_space<hbm>> -> memref<128x64xf32, #tpu.memory_space<hbm>>
        %dma_wait3A_391 = arith.constant 0 : i32
        %dma_wait3A_392 = tpu.memref_slice %arg4[%add3A_388, %dma_wait3A_391] : memref<819200x64xf32, #tpu.memory_space<hbm>> -> memref<128x64xf32, #tpu.memory_space<hbm>>
        tpu.wait_dma2 semaphore(%arg25 : memref<!tpu.dma_semaphore, #tpu.memory_space<semaphore_mem>>) src(%arg11 : memref<128x64xf32, #tpu.memory_space<vmem>>) dst(%dma_wait3A_392 : memref<128x64xf32, #tpu.memory_space<hbm>>)
      } else {
      }
      %scan3A_301 = arith.constant 0 : i32
      %scan3A_302 = arith.constant 0 : i32
      %scan3A_303 = arith.constant 128 : i32
      %scan3A_304 = arith.addi %scan3A_302, %scan3A_303 : i32
      %scan3A_305 = arith.constant 2 : i32
      scf.for %scan3A_385 = %scan3A_302 to %scan3A_304 step %scan3A_305  : i32 {
        %get3A_386 = arith.index_cast %scan3A_385 : i32 to index
        %get3A_387 = tpu.vector_load %arg17[%get3A_386] {strides = array<i32>} : memref<144xi32, #tpu.memory_space<vmem>>, vector<16xi32>,
        %slice3A = vector.extract_strided_slice %get3A_387 {offsets = [0], sizes = [1], strides = [1]} : vector<16xi32> to vector<1xi32>
        %squeeze3A = vector.extract %slice3A[0] : i32 from vector<1xi32>
        %add3A_388 = arith.constant 0 : i32
        %add3A_389 = arith.addi %squeeze3A, %add3A_388 : i32
        %get3A_390 = arith.index_cast %scan3A_385 : i32 to index
        %get3A_391 = arith.index_cast %add3A_389 : i32 to index
        %get3A_392 = tpu.vector_load %arg7[%get3A_390, %get3A_391] {strides = array<i32>} : memref<128x128xf32, #tpu.memory_space<vmem>>, vector<16xf32>,
        %mul3A_393 = arith.constant 8.000000e+00 : f32
        %mul3A_394 = vector.broadcast %mul3A_393 : f32 to vector<16xf32>
        %mul3A_395 = arith.mulf %get3A_392, %mul3A_394 : vector<16xf32>
        %swap3A_396 = arith.index_cast %scan3A_385 : i32 to index
        %swap3A_397 = arith.constant 0 : index
        %swap3A_398 = tpu.vector_load %arg11[%swap3A_396, %swap3A_397] {strides = array<i32>} : memref<128x64xf32, #tpu.memory_space<vmem>>, vector<16xf32>,
        tpu.vector_store %arg11[%swap3A_396, %swap3A_397], %mul3A_395 {strides = array<i32>} : memref<128x64xf32, #tpu.memory_space<vmem>>, vector<16xf32>,
        %add3A_399 = arith.constant 16 : i32
        %add3A_400 = arith.addi %squeeze3A, %add3A_399 : i32
        %get3A_401 = arith.index_cast %scan3A_385 : i32 to index
        %get3A_402 = arith.index_cast %add3A_400 : i32 to index
        %get3A_403 = tpu.vector_load %arg7[%get3A_401, %get3A_402] {strides = array<i32>} : memref<128x128xf32, #tpu.memory_space<vmem>>, vector<16xf32>,
        %mul3A_404 = arith.constant 8.000000e+00 : f32
        %mul3A_405 = vector.broadcast %mul3A_404 : f32 to vector<16xf32>
        %mul3A_406 = arith.mulf %get3A_403, %mul3A_405 : vector<16xf32>
        %swap3A_407 = arith.index_cast %scan3A_385 : i32 to index
        %swap3A_408 = arith.constant 16 : index
        %swap3A_409 = tpu.vector_load %arg11[%swap3A_407, %swap3A_408] {strides = array<i32>} : memref<128x64xf32, #tpu.memory_space<vmem>>, vector<16xf32>,
        tpu.vector_store %arg11[%swap3A_407, %swap3A_408], %mul3A_406 {strides = array<i32>} : memref<128x64xf32, #tpu.memory_space<vmem>>, vector<16xf32>,
        %add3A_410 = arith.constant 32 : i32
        %add3A_411 = arith.addi %squeeze3A, %add3A_410 : i32
        %get3A_412 = arith.index_cast %scan3A_385 : i32 to index
        %get3A_413 = arith.index_cast %add3A_411 : i32 to index
        %get3A_414 = tpu.vector_load %arg7[%get3A_412, %get3A_413] {strides = array<i32>} : memref<128x128xf32, #tpu.memory_space<vmem>>, vector<16xf32>,
        %mul3A_415 = arith.constant 8.000000e+00 : f32
        %mul3A_416 = vector.broadcast %mul3A_415 : f32 to vector<16xf32>
        %mul3A_417 = arith.mulf %get3A_414, %mul3A_416 : vector<16xf32>
        %swap3A_418 = arith.index_cast %scan3A_385 : i32 to index
        %swap3A_419 = arith.constant 32 : index
        %swap3A_420 = tpu.vector_load %arg11[%swap3A_418, %swap3A_419] {strides = array<i32>} : memref<128x64xf32, #tpu.memory_space<vmem>>, vector<16xf32>,
        tpu.vector_store %arg11[%swap3A_418, %swap3A_419], %mul3A_417 {strides = array<i32>} : memref<128x64xf32, #tpu.memory_space<vmem>>, vector<16xf32>,
        %add3A_421 = arith.constant 48 : i32
        %add3A_422 = arith.addi %squeeze3A, %add3A_421 : i32
        %get3A_423 = arith.index_cast %scan3A_385 : i32 to index
        %get3A_424 = arith.index_cast %add3A_422 : i32 to index
        %get3A_425 = tpu.vector_load %arg7[%get3A_423, %get3A_424] {strides = array<i32>} : memref<128x128xf32, #tpu.memory_space<vmem>>, vector<16xf32>,
        %mul3A_426 = arith.constant 8.000000e+00 : f32
        %mul3A_427 = vector.broadcast %mul3A_426 : f32 to vector<16xf32>
        %mul3A_428 = arith.mulf %get3A_425, %mul3A_427 : vector<16xf32>
        %swap3A_429 = arith.index_cast %scan3A_385 : i32 to index
        %swap3A_430 = arith.constant 48 : index
        %swap3A_431 = tpu.vector_load %arg11[%swap3A_429, %swap3A_430] {strides = array<i32>} : memref<128x64xf32, #tpu.memory_space<vmem>>, vector<16xf32>,
        tpu.vector_store %arg11[%swap3A_429, %swap3A_430], %mul3A_428 {strides = array<i32>} : memref<128x64xf32, #tpu.memory_space<vmem>>, vector<16xf32>,
        %scan3A_432 = arith.constant 1 : i32
        %scan3A_433 = arith.addi %scan3A_385, %scan3A_432 : i32
        %get3A_434 = arith.index_cast %scan3A_433 : i32 to index
        %get3A_435 = tpu.vector_load %arg17[%get3A_434] {strides = array<i32>} : memref<144xi32, #tpu.memory_space<vmem>>, vector<16xi32>,
        %slice3A_436 = vector.extract_strided_slice %get3A_435 {offsets = [0], sizes = [1], strides = [1]} : vector<16xi32> to vector<1xi32>
        %squeeze3A_437 = vector.extract %slice3A_436[0] : i32 from vector<1xi32>
        %add3A_438 = arith.constant 0 : i32
        %add3A_439 = arith.addi %squeeze3A_437, %add3A_438 : i32
        %get3A_440 = arith.index_cast %scan3A_433 : i32 to index
        %get3A_441 = arith.index_cast %add3A_439 : i32 to index
        %get3A_442 = tpu.vector_load %arg7[%get3A_440, %get3A_441] {strides = array<i32>} : memref<128x128xf32, #tpu.memory_space<vmem>>, vector<16xf32>,
        %mul3A_443 = arith.constant 8.000000e+00 : f32
        %mul3A_444 = vector.broadcast %mul3A_443 : f32 to vector<16xf32>
        %mul3A_445 = arith.mulf %get3A_442, %mul3A_444 : vector<16xf32>
        %swap3A_446 = arith.index_cast %scan3A_433 : i32 to index
        %swap3A_447 = arith.constant 0 : index
        %swap3A_448 = tpu.vector_load %arg11[%swap3A_446, %swap3A_447] {strides = array<i32>} : memref<128x64xf32, #tpu.memory_space<vmem>>, vector<16xf32>,
        tpu.vector_store %arg11[%swap3A_446, %swap3A_447], %mul3A_445 {strides = array<i32>} : memref<128x64xf32, #tpu.memory_space<vmem>>, vector<16xf32>,
        %add3A_449 = arith.constant 16 : i32
        %add3A_450 = arith.addi %squeeze3A_437, %add3A_449 : i32
        %get3A_451 = arith.index_cast %scan3A_433 : i32 to index
        %get3A_452 = arith.index_cast %add3A_450 : i32 to index
        %get3A_453 = tpu.vector_load %arg7[%get3A_451, %get3A_452] {strides = array<i32>} : memref<128x128xf32, #tpu.memory_space<vmem>>, vector<16xf32>,
        %mul3A_454 = arith.constant 8.000000e+00 : f32
        %mul3A_455 = vector.broadcast %mul3A_454 : f32 to vector<16xf32>
        %mul3A_456 = arith.mulf %get3A_453, %mul3A_455 : vector<16xf32>
        %swap3A_457 = arith.index_cast %scan3A_433 : i32 to index
        %swap3A_458 = arith.constant 16 : index
        %swap3A_459 = tpu.vector_load %arg11[%swap3A_457, %swap3A_458] {strides = array<i32>} : memref<128x64xf32, #tpu.memory_space<vmem>>, vector<16xf32>,
        tpu.vector_store %arg11[%swap3A_457, %swap3A_458], %mul3A_456 {strides = array<i32>} : memref<128x64xf32, #tpu.memory_space<vmem>>, vector<16xf32>,
        %add3A_460 = arith.constant 32 : i32
        %add3A_461 = arith.addi %squeeze3A_437, %add3A_460 : i32
        %get3A_462 = arith.index_cast %scan3A_433 : i32 to index
        %get3A_463 = arith.index_cast %add3A_461 : i32 to index
        %get3A_464 = tpu.vector_load %arg7[%get3A_462, %get3A_463] {strides = array<i32>} : memref<128x128xf32, #tpu.memory_space<vmem>>, vector<16xf32>,
        %mul3A_465 = arith.constant 8.000000e+00 : f32
        %mul3A_466 = vector.broadcast %mul3A_465 : f32 to vector<16xf32>
        %mul3A_467 = arith.mulf %get3A_464, %mul3A_466 : vector<16xf32>
        %swap3A_468 = arith.index_cast %scan3A_433 : i32 to index
        %swap3A_469 = arith.constant 32 : index
        %swap3A_470 = tpu.vector_load %arg11[%swap3A_468, %swap3A_469] {strides = array<i32>} : memref<128x64xf32, #tpu.memory_space<vmem>>, vector<16xf32>,
        tpu.vector_store %arg11[%swap3A_468, %swap3A_469], %mul3A_467 {strides = array<i32>} : memref<128x64xf32, #tpu.memory_space<vmem>>, vector<16xf32>,
        %add3A_471 = arith.constant 48 : i32
        %add3A_472 = arith.addi %squeeze3A_437, %add3A_471 : i32
        %get3A_473 = arith.index_cast %scan3A_433 : i32 to index
        %get3A_474 = arith.index_cast %add3A_472 : i32 to index
        %get3A_475 = tpu.vector_load %arg7[%get3A_473, %get3A_474] {strides = array<i32>} : memref<128x128xf32, #tpu.memory_space<vmem>>, vector<16xf32>,
        %mul3A_476 = arith.constant 8.000000e+00 : f32
        %mul3A_477 = vector.broadcast %mul3A_476 : f32 to vector<16xf32>
        %mul3A_478 = arith.mulf %get3A_475, %mul3A_477 : vector<16xf32>
        %swap3A_479 = arith.index_cast %scan3A_433 : i32 to index
        %swap3A_480 = arith.constant 48 : index
        %swap3A_481 = tpu.vector_load %arg11[%swap3A_479, %swap3A_480] {strides = array<i32>} : memref<128x64xf32, #tpu.memory_space<vmem>>, vector<16xf32>,
        tpu.vector_store %arg11[%swap3A_479, %swap3A_480], %mul3A_478 {strides = array<i32>} : memref<128x64xf32, #tpu.memory_space<vmem>>, vector<16xf32>,
      }
      %scan3A_306 = arith.constant 128 : i32
      %mul3A_307 = arith.constant 128 : i32
      %mul3A_308 = arith.muli %add3A_292, %mul3A_307 : i32
      %add3A_309 = arith.addi %mul3A_2, %mul3A_308 : i32
      %dma_start3A_310 = arith.constant 0 : i32
      %dma_start3A_311 = tpu.memref_slice %arg4[%add3A_309, %dma_start3A_310] : memref<819200x64xf32, #tpu.memory_space<hbm>> -> memref<128x64xf32, #tpu.memory_space<hbm>>
      %dma_start3A_312 = arith.constant 0 : i32
      %dma_start3A_313 = tpu.memref_slice %arg4[%add3A_309, %dma_start3A_312] : memref<819200x64xf32, #tpu.memory_space<hbm>> -> memref<128x64xf32, #tpu.memory_space<hbm>>
      tpu.enqueue_dma source(%arg11 : memref<128x64xf32, #tpu.memory_space<vmem>>) target(%dma_start3A_313 : memref<128x64xf32, #tpu.memory_space<hbm>>) target_semaphore(%arg25 : memref<!tpu.dma_semaphore, #tpu.memory_space<semaphore_mem>>)
      %add3A_314 = arith.constant 2 : i32
      %add3A_315 = arith.addi %add3A_292, %add3A_314 : i32
      %lt3A_316 = arith.constant 200 : i32
      %lt3A_317 = arith.cmpi slt, %add3A_315, %lt3A_316 : i32
      %convert_element_type3A_318 = arith.extui %lt3A_317 : i1 to i32
      %cond3A_319 = arith.constant 0 : i32
      %cond3A_320 = arith.cmpi ne, %convert_element_type3A_318, %cond3A_319 : i32
      scf.if %cond3A_320 {
        %mul3A_385 = arith.constant 128 : i32
        %mul3A_386 = arith.muli %add3A_315, %mul3A_385 : i32
        %add3A_387 = arith.constant 0 : i32
        %add3A_388 = arith.addi %mul3A_386, %add3A_387 : i32
        %get3A_389 = arith.index_cast %add3A_388 : i32 to index
        %get3A_390 = tpu.vector_load %arg5[%get3A_389] {strides = array<i32>} : memref<25600xi32, #tpu.memory_space<vmem>>, vector<16xi32>,
        %shift_right_logical3A_391 = arith.constant 1 : i32
        %shift_right_logical3A_392 = vector.broadcast %shift_right_logical3A_391 : i32 to vector<16xi32>
        %shift_right_logical3A_393 = arith.shrui %get3A_390, %shift_right_logical3A_392 : vector<16xi32>
        %swap3A_394 = arith.constant 0 : index
        %swap3A_395 = tpu.vector_load %arg15[%swap3A_394] {strides = array<i32>} : memref<128xi32, #tpu.memory_space<vmem>>, vector<16xi32>,
        tpu.vector_store %arg15[%swap3A_394], %shift_right_logical3A_393 {strides = array<i32>} : memref<128xi32, #tpu.memory_space<vmem>>, vector<16xi32>,
        %and3A_396 = arith.constant 1 : i32
        %and3A_397 = vector.broadcast %and3A_396 : i32 to vector<16xi32>
        %and3A_398 = arith.andi %get3A_390, %and3A_397 : vector<16xi32>
        %mul3A_399 = arith.constant 64 : i32
        %mul3A_400 = vector.broadcast %mul3A_399 : i32 to vector<16xi32>
        %mul3A_401 = arith.muli %and3A_398, %mul3A_400 : vector<16xi32>
        %swap3A_402 = arith.constant 0 : index
        %swap3A_403 = tpu.vector_load %arg19[%swap3A_402] {strides = array<i32>} : memref<144xi32, #tpu.memory_space<vmem>>, vector<16xi32>,
        tpu.vector_store %arg19[%swap3A_402], %mul3A_401 {strides = array<i32>} : memref<144xi32, #tpu.memory_space<vmem>>, vector<16xi32>,
        %mul3A_404 = arith.constant 128 : i32
        %mul3A_405 = arith.muli %add3A_315, %mul3A_404 : i32
        %add3A_406 = arith.constant 16 : i32
        %add3A_407 = arith.addi %mul3A_405, %add3A_406 : i32
        %get3A_408 = arith.index_cast %add3A_407 : i32 to index
        %get3A_409 = tpu.vector_load %arg5[%get3A_408] {strides = array<i32>} : memref<25600xi32, #tpu.memory_space<vmem>>, vector<16xi32>,
        %shift_right_logical3A_410 = arith.constant 1 : i32
        %shift_right_logical3A_411 = vector.broadcast %shift_right_logical3A_410 : i32 to vector<16xi32>
        %shift_right_logical3A_412 = arith.shrui %get3A_409, %shift_right_logical3A_411 : vector<16xi32>
        %swap3A_413 = arith.constant 16 : index
        %swap3A_414 = tpu.vector_load %arg15[%swap3A_413] {strides = array<i32>} : memref<128xi32, #tpu.memory_space<vmem>>, vector<16xi32>,
        tpu.vector_store %arg15[%swap3A_413], %shift_right_logical3A_412 {strides = array<i32>} : memref<128xi32, #tpu.memory_space<vmem>>, vector<16xi32>,
        %and3A_415 = arith.constant 1 : i32
        %and3A_416 = vector.broadcast %and3A_415 : i32 to vector<16xi32>
        %and3A_417 = arith.andi %get3A_409, %and3A_416 : vector<16xi32>
        %mul3A_418 = arith.constant 64 : i32
        %mul3A_419 = vector.broadcast %mul3A_418 : i32 to vector<16xi32>
        %mul3A_420 = arith.muli %and3A_417, %mul3A_419 : vector<16xi32>
        %swap3A_421 = arith.constant 16 : index
        %swap3A_422 = tpu.vector_load %arg19[%swap3A_421] {strides = array<i32>} : memref<144xi32, #tpu.memory_space<vmem>>, vector<16xi32>,
        tpu.vector_store %arg19[%swap3A_421], %mul3A_420 {strides = array<i32>} : memref<144xi32, #tpu.memory_space<vmem>>, vector<16xi32>,
        %mul3A_423 = arith.constant 128 : i32
        %mul3A_424 = arith.muli %add3A_315, %mul3A_423 : i32
        %add3A_425 = arith.constant 32 : i32
        %add3A_426 = arith.addi %mul3A_424, %add3A_425 : i32
        %get3A_427 = arith.index_cast %add3A_426 : i32 to index
        %get3A_428 = tpu.vector_load %arg5[%get3A_427] {strides = array<i32>} : memref<25600xi32, #tpu.memory_space<vmem>>, vector<16xi32>,
        %shift_right_logical3A_429 = arith.constant 1 : i32
        %shift_right_logical3A_430 = vector.broadcast %shift_right_logical3A_429 : i32 to vector<16xi32>
        %shift_right_logical3A_431 = arith.shrui %get3A_428, %shift_right_logical3A_430 : vector<16xi32>
        %swap3A_432 = arith.constant 32 : index
        %swap3A_433 = tpu.vector_load %arg15[%swap3A_432] {strides = array<i32>} : memref<128xi32, #tpu.memory_space<vmem>>, vector<16xi32>,
        tpu.vector_store %arg15[%swap3A_432], %shift_right_logical3A_431 {strides = array<i32>} : memref<128xi32, #tpu.memory_space<vmem>>, vector<16xi32>,
        %and3A_434 = arith.constant 1 : i32
        %and3A_435 = vector.broadcast %and3A_434 : i32 to vector<16xi32>
        %and3A_436 = arith.andi %get3A_428, %and3A_435 : vector<16xi32>
        %mul3A_437 = arith.constant 64 : i32
        %mul3A_438 = vector.broadcast %mul3A_437 : i32 to vector<16xi32>
        %mul3A_439 = arith.muli %and3A_436, %mul3A_438 : vector<16xi32>
        %swap3A_440 = arith.constant 32 : index
        %swap3A_441 = tpu.vector_load %arg19[%swap3A_440] {strides = array<i32>} : memref<144xi32, #tpu.memory_space<vmem>>, vector<16xi32>,
        tpu.vector_store %arg19[%swap3A_440], %mul3A_439 {strides = array<i32>} : memref<144xi32, #tpu.memory_space<vmem>>, vector<16xi32>,
        %mul3A_442 = arith.constant 128 : i32
        %mul3A_443 = arith.muli %add3A_315, %mul3A_442 : i32
        %add3A_444 = arith.constant 48 : i32
        %add3A_445 = arith.addi %mul3A_443, %add3A_444 : i32
        %get3A_446 = arith.index_cast %add3A_445 : i32 to index
        %get3A_447 = tpu.vector_load %arg5[%get3A_446] {strides = array<i32>} : memref<25600xi32, #tpu.memory_space<vmem>>, vector<16xi32>,
        %shift_right_logical3A_448 = arith.constant 1 : i32
        %shift_right_logical3A_449 = vector.broadcast %shift_right_logical3A_448 : i32 to vector<16xi32>
        %shift_right_logical3A_450 = arith.shrui %get3A_447, %shift_right_logical3A_449 : vector<16xi32>
        %swap3A_451 = arith.constant 48 : index
        %swap3A_452 = tpu.vector_load %arg15[%swap3A_451] {strides = array<i32>} : memref<128xi32, #tpu.memory_space<vmem>>, vector<16xi32>,
        tpu.vector_store %arg15[%swap3A_451], %shift_right_logical3A_450 {strides = array<i32>} : memref<128xi32, #tpu.memory_space<vmem>>, vector<16xi32>,
        %and3A_453 = arith.constant 1 : i32
        %and3A_454 = vector.broadcast %and3A_453 : i32 to vector<16xi32>
        %and3A_455 = arith.andi %get3A_447, %and3A_454 : vector<16xi32>
        %mul3A_456 = arith.constant 64 : i32
        %mul3A_457 = vector.broadcast %mul3A_456 : i32 to vector<16xi32>
        %mul3A_458 = arith.muli %and3A_455, %mul3A_457 : vector<16xi32>
        %swap3A_459 = arith.constant 48 : index
        %swap3A_460 = tpu.vector_load %arg19[%swap3A_459] {strides = array<i32>} : memref<144xi32, #tpu.memory_space<vmem>>, vector<16xi32>,
        tpu.vector_store %arg19[%swap3A_459], %mul3A_458 {strides = array<i32>} : memref<144xi32, #tpu.memory_space<vmem>>, vector<16xi32>,
        %mul3A_461 = arith.constant 128 : i32
        %mul3A_462 = arith.muli %add3A_315, %mul3A_461 : i32
        %add3A_463 = arith.constant 64 : i32
        %add3A_464 = arith.addi %mul3A_462, %add3A_463 : i32
        %get3A_465 = arith.index_cast %add3A_464 : i32 to index
        %get3A_466 = tpu.vector_load %arg5[%get3A_465] {strides = array<i32>} : memref<25600xi32, #tpu.memory_space<vmem>>, vector<16xi32>,
        %shift_right_logical3A_467 = arith.constant 1 : i32
        %shift_right_logical3A_468 = vector.broadcast %shift_right_logical3A_467 : i32 to vector<16xi32>
        %shift_right_logical3A_469 = arith.shrui %get3A_466, %shift_right_logical3A_468 : vector<16xi32>
        %swap3A_470 = arith.constant 64 : index
        %swap3A_471 = tpu.vector_load %arg15[%swap3A_470] {strides = array<i32>} : memref<128xi32, #tpu.memory_space<vmem>>, vector<16xi32>,
        tpu.vector_store %arg15[%swap3A_470], %shift_right_logical3A_469 {strides = array<i32>} : memref<128xi32, #tpu.memory_space<vmem>>, vector<16xi32>,
        %and3A_472 = arith.constant 1 : i32
        %and3A_473 = vector.broadcast %and3A_472 : i32 to vector<16xi32>
        %and3A_474 = arith.andi %get3A_466, %and3A_473 : vector<16xi32>
        %mul3A_475 = arith.constant 64 : i32
        %mul3A_476 = vector.broadcast %mul3A_475 : i32 to vector<16xi32>
        %mul3A_477 = arith.muli %and3A_474, %mul3A_476 : vector<16xi32>
        %swap3A_478 = arith.constant 64 : index
        %swap3A_479 = tpu.vector_load %arg19[%swap3A_478] {strides = array<i32>} : memref<144xi32, #tpu.memory_space<vmem>>, vector<16xi32>,
        tpu.vector_store %arg19[%swap3A_478], %mul3A_477 {strides = array<i32>} : memref<144xi32, #tpu.memory_space<vmem>>, vector<16xi32>,
        %mul3A_480 = arith.constant 128 : i32
        %mul3A_481 = arith.muli %add3A_315, %mul3A_480 : i32
        %add3A_482 = arith.constant 80 : i32
        %add3A_483 = arith.addi %mul3A_481, %add3A_482 : i32
        %get3A_484 = arith.index_cast %add3A_483 : i32 to index
        %get3A_485 = tpu.vector_load %arg5[%get3A_484] {strides = array<i32>} : memref<25600xi32, #tpu.memory_space<vmem>>, vector<16xi32>,
        %shift_right_logical3A_486 = arith.constant 1 : i32
        %shift_right_logical3A_487 = vector.broadcast %shift_right_logical3A_486 : i32 to vector<16xi32>
        %shift_right_logical3A_488 = arith.shrui %get3A_485, %shift_right_logical3A_487 : vector<16xi32>
        %swap3A_489 = arith.constant 80 : index
        %swap3A_490 = tpu.vector_load %arg15[%swap3A_489] {strides = array<i32>} : memref<128xi32, #tpu.memory_space<vmem>>, vector<16xi32>,
        tpu.vector_store %arg15[%swap3A_489], %shift_right_logical3A_488 {strides = array<i32>} : memref<128xi32, #tpu.memory_space<vmem>>, vector<16xi32>,
        %and3A_491 = arith.constant 1 : i32
        %and3A_492 = vector.broadcast %and3A_491 : i32 to vector<16xi32>
        %and3A_493 = arith.andi %get3A_485, %and3A_492 : vector<16xi32>
        %mul3A_494 = arith.constant 64 : i32
        %mul3A_495 = vector.broadcast %mul3A_494 : i32 to vector<16xi32>
        %mul3A_496 = arith.muli %and3A_493, %mul3A_495 : vector<16xi32>
        %swap3A_497 = arith.constant 80 : index
        %swap3A_498 = tpu.vector_load %arg19[%swap3A_497] {strides = array<i32>} : memref<144xi32, #tpu.memory_space<vmem>>, vector<16xi32>,
        tpu.vector_store %arg19[%swap3A_497], %mul3A_496 {strides = array<i32>} : memref<144xi32, #tpu.memory_space<vmem>>, vector<16xi32>,
        %mul3A_499 = arith.constant 128 : i32
        %mul3A_500 = arith.muli %add3A_315, %mul3A_499 : i32
        %add3A_501 = arith.constant 96 : i32
        %add3A_502 = arith.addi %mul3A_500, %add3A_501 : i32
        %get3A_503 = arith.index_cast %add3A_502 : i32 to index
        %get3A_504 = tpu.vector_load %arg5[%get3A_503] {strides = array<i32>} : memref<25600xi32, #tpu.memory_space<vmem>>, vector<16xi32>,
        %shift_right_logical3A_505 = arith.constant 1 : i32
        %shift_right_logical3A_506 = vector.broadcast %shift_right_logical3A_505 : i32 to vector<16xi32>
        %shift_right_logical3A_507 = arith.shrui %get3A_504, %shift_right_logical3A_506 : vector<16xi32>
        %swap3A_508 = arith.constant 96 : index
        %swap3A_509 = tpu.vector_load %arg15[%swap3A_508] {strides = array<i32>} : memref<128xi32, #tpu.memory_space<vmem>>, vector<16xi32>,
        tpu.vector_store %arg15[%swap3A_508], %shift_right_logical3A_507 {strides = array<i32>} : memref<128xi32, #tpu.memory_space<vmem>>, vector<16xi32>,
        %and3A_510 = arith.constant 1 : i32
        %and3A_511 = vector.broadcast %and3A_510 : i32 to vector<16xi32>
        %and3A_512 = arith.andi %get3A_504, %and3A_511 : vector<16xi32>
        %mul3A_513 = arith.constant 64 : i32
        %mul3A_514 = vector.broadcast %mul3A_513 : i32 to vector<16xi32>
        %mul3A_515 = arith.muli %and3A_512, %mul3A_514 : vector<16xi32>
        %swap3A_516 = arith.constant 96 : index
        %swap3A_517 = tpu.vector_load %arg19[%swap3A_516] {strides = array<i32>} : memref<144xi32, #tpu.memory_space<vmem>>, vector<16xi32>,
        tpu.vector_store %arg19[%swap3A_516], %mul3A_515 {strides = array<i32>} : memref<144xi32, #tpu.memory_space<vmem>>, vector<16xi32>,
        %mul3A_518 = arith.constant 128 : i32
        %mul3A_519 = arith.muli %add3A_315, %mul3A_518 : i32
        %add3A_520 = arith.constant 112 : i32
        %add3A_521 = arith.addi %mul3A_519, %add3A_520 : i32
        %get3A_522 = arith.index_cast %add3A_521 : i32 to index
        %get3A_523 = tpu.vector_load %arg5[%get3A_522] {strides = array<i32>} : memref<25600xi32, #tpu.memory_space<vmem>>, vector<16xi32>,
        %shift_right_logical3A_524 = arith.constant 1 : i32
        %shift_right_logical3A_525 = vector.broadcast %shift_right_logical3A_524 : i32 to vector<16xi32>
        %shift_right_logical3A_526 = arith.shrui %get3A_523, %shift_right_logical3A_525 : vector<16xi32>
        %swap3A_527 = arith.constant 112 : index
        %swap3A_528 = tpu.vector_load %arg15[%swap3A_527] {strides = array<i32>} : memref<128xi32, #tpu.memory_space<vmem>>, vector<16xi32>,
        tpu.vector_store %arg15[%swap3A_527], %shift_right_logical3A_526 {strides = array<i32>} : memref<128xi32, #tpu.memory_space<vmem>>, vector<16xi32>,
        %and3A_529 = arith.constant 1 : i32
        %and3A_530 = vector.broadcast %and3A_529 : i32 to vector<16xi32>
        %and3A_531 = arith.andi %get3A_523, %and3A_530 : vector<16xi32>
        %mul3A_532 = arith.constant 64 : i32
        %mul3A_533 = vector.broadcast %mul3A_532 : i32 to vector<16xi32>
        %mul3A_534 = arith.muli %and3A_531, %mul3A_533 : vector<16xi32>
        %swap3A_535 = arith.constant 112 : index
        %swap3A_536 = tpu.vector_load %arg19[%swap3A_535] {strides = array<i32>} : memref<144xi32, #tpu.memory_space<vmem>>, vector<16xi32>,
        tpu.vector_store %arg19[%swap3A_535], %mul3A_534 {strides = array<i32>} : memref<144xi32, #tpu.memory_space<vmem>>, vector<16xi32>,
        %dma_start3A_537 = arith.constant 0 : i32
        %dma_start3A_538 = arith.constant 0 : i32
        %dma_start3A_539 = tpu.memref_slice %arg2[%dma_start3A_537, %dma_start3A_538] : memref<500000x128xf32, #tpu.memory_space<hbm>> -> memref<500000x128xf32, #tpu.memory_space<hbm>>
        tpu.enqueue_indirect_dma source(%dma_start3A_539 : memref<500000x128xf32, #tpu.memory_space<hbm>>) target(%arg9 : memref<128x128xf32, #tpu.memory_space<vmem>>) offsets(%arg15 : memref<128xi32, #tpu.memory_space<vmem>>) semaphore(%arg23 : memref<!tpu.dma_semaphore, #tpu.memory_space<semaphore_mem>>)
      } else {
      }
      %mul3A_321 = arith.constant 4 : i32
      %mul3A_322 = arith.muli %scan3A_260, %mul3A_321 : i32
      %add3A_323 = arith.constant 2 : i32
      %add3A_324 = arith.addi %mul3A_322, %add3A_323 : i32
      %dma_wait3A_325 = arith.constant 0 : i32
      %dma_wait3A_326 = arith.constant 0 : i32
      %dma_wait3A_327 = tpu.memref_slice %arg2[%dma_wait3A_325, %dma_wait3A_326] : memref<500000x128xf32, #tpu.memory_space<hbm>> -> memref<500000x128xf32, #tpu.memory_space<hbm>>
      tpu.wait_indirect_dma semaphore(%arg22 : memref<!tpu.dma_semaphore, #tpu.memory_space<semaphore_mem>>) src(%dma_wait3A_327 : memref<500000x128xf32, #tpu.memory_space<hbm>>) dst(%arg8 : memref<128x128xf32, #tpu.memory_space<vmem>>)
      %ge3A_328 = arith.constant 2 : i32
      %ge3A_329 = arith.cmpi sge, %add3A_324, %ge3A_328 : i32
      %convert_element_type3A_330 = arith.extui %ge3A_329 : i1 to i32
      %cond3A_331 = arith.constant 0 : i32
      %cond3A_332 = arith.cmpi ne, %convert_element_type3A_330, %cond3A_331 : i32
      scf.if %cond3A_332 {
        %sub3A = arith.constant 2 : i32
        %sub3A_385 = arith.subi %add3A_324, %sub3A : i32
        %mul3A_386 = arith.constant 128 : i32
        %mul3A_387 = arith.muli %sub3A_385, %mul3A_386 : i32
        %add3A_388 = arith.addi %mul3A_2, %mul3A_387 : i32
        %dma_wait3A_389 = arith.constant 0 : i32
        %dma_wait3A_390 = tpu.memref_slice %arg4[%add3A_388, %dma_wait3A_389] : memref<819200x64xf32, #tpu.memory_space<hbm>> -> memref<128x64xf32, #tpu.memory_space<hbm>>
        %dma_wait3A_391 = arith.constant 0 : i32
        %dma_wait3A_392 = tpu.memref_slice %arg4[%add3A_388, %dma_wait3A_391] : memref<819200x64xf32, #tpu.memory_space<hbm>> -> memref<128x64xf32, #tpu.memory_space<hbm>>
        tpu.wait_dma2 semaphore(%arg24 : memref<!tpu.dma_semaphore, #tpu.memory_space<semaphore_mem>>) src(%arg10 : memref<128x64xf32, #tpu.memory_space<vmem>>) dst(%dma_wait3A_392 : memref<128x64xf32, #tpu.memory_space<hbm>>)
      } else {
      }
      %scan3A_333 = arith.constant 0 : i32
      %scan3A_334 = arith.constant 0 : i32
      %scan3A_335 = arith.constant 128 : i32
      %scan3A_336 = arith.addi %scan3A_334, %scan3A_335 : i32
      %scan3A_337 = arith.constant 2 : i32
      scf.for %scan3A_385 = %scan3A_334 to %scan3A_336 step %scan3A_337  : i32 {
        %get3A_386 = arith.index_cast %scan3A_385 : i32 to index
        %get3A_387 = tpu.vector_load %arg18[%get3A_386] {strides = array<i32>} : memref<144xi32, #tpu.memory_space<vmem>>, vector<16xi32>,
        %slice3A = vector.extract_strided_slice %get3A_387 {offsets = [0], sizes = [1], strides = [1]} : vector<16xi32> to vector<1xi32>
        %squeeze3A = vector.extract %slice3A[0] : i32 from vector<1xi32>
        %add3A_388 = arith.constant 0 : i32
        %add3A_389 = arith.addi %squeeze3A, %add3A_388 : i32
        %get3A_390 = arith.index_cast %scan3A_385 : i32 to index
        %get3A_391 = arith.index_cast %add3A_389 : i32 to index
        %get3A_392 = tpu.vector_load %arg8[%get3A_390, %get3A_391] {strides = array<i32>} : memref<128x128xf32, #tpu.memory_space<vmem>>, vector<16xf32>,
        %mul3A_393 = arith.constant 8.000000e+00 : f32
        %mul3A_394 = vector.broadcast %mul3A_393 : f32 to vector<16xf32>
        %mul3A_395 = arith.mulf %get3A_392, %mul3A_394 : vector<16xf32>
        %swap3A_396 = arith.index_cast %scan3A_385 : i32 to index
        %swap3A_397 = arith.constant 0 : index
        %swap3A_398 = tpu.vector_load %arg10[%swap3A_396, %swap3A_397] {strides = array<i32>} : memref<128x64xf32, #tpu.memory_space<vmem>>, vector<16xf32>,
        tpu.vector_store %arg10[%swap3A_396, %swap3A_397], %mul3A_395 {strides = array<i32>} : memref<128x64xf32, #tpu.memory_space<vmem>>, vector<16xf32>,
        %add3A_399 = arith.constant 16 : i32
        %add3A_400 = arith.addi %squeeze3A, %add3A_399 : i32
        %get3A_401 = arith.index_cast %scan3A_385 : i32 to index
        %get3A_402 = arith.index_cast %add3A_400 : i32 to index
        %get3A_403 = tpu.vector_load %arg8[%get3A_401, %get3A_402] {strides = array<i32>} : memref<128x128xf32, #tpu.memory_space<vmem>>, vector<16xf32>,
        %mul3A_404 = arith.constant 8.000000e+00 : f32
        %mul3A_405 = vector.broadcast %mul3A_404 : f32 to vector<16xf32>
        %mul3A_406 = arith.mulf %get3A_403, %mul3A_405 : vector<16xf32>
        %swap3A_407 = arith.index_cast %scan3A_385 : i32 to index
        %swap3A_408 = arith.constant 16 : index
        %swap3A_409 = tpu.vector_load %arg10[%swap3A_407, %swap3A_408] {strides = array<i32>} : memref<128x64xf32, #tpu.memory_space<vmem>>, vector<16xf32>,
        tpu.vector_store %arg10[%swap3A_407, %swap3A_408], %mul3A_406 {strides = array<i32>} : memref<128x64xf32, #tpu.memory_space<vmem>>, vector<16xf32>,
        %add3A_410 = arith.constant 32 : i32
        %add3A_411 = arith.addi %squeeze3A, %add3A_410 : i32
        %get3A_412 = arith.index_cast %scan3A_385 : i32 to index
        %get3A_413 = arith.index_cast %add3A_411 : i32 to index
        %get3A_414 = tpu.vector_load %arg8[%get3A_412, %get3A_413] {strides = array<i32>} : memref<128x128xf32, #tpu.memory_space<vmem>>, vector<16xf32>,
        %mul3A_415 = arith.constant 8.000000e+00 : f32
        %mul3A_416 = vector.broadcast %mul3A_415 : f32 to vector<16xf32>
        %mul3A_417 = arith.mulf %get3A_414, %mul3A_416 : vector<16xf32>
        %swap3A_418 = arith.index_cast %scan3A_385 : i32 to index
        %swap3A_419 = arith.constant 32 : index
        %swap3A_420 = tpu.vector_load %arg10[%swap3A_418, %swap3A_419] {strides = array<i32>} : memref<128x64xf32, #tpu.memory_space<vmem>>, vector<16xf32>,
        tpu.vector_store %arg10[%swap3A_418, %swap3A_419], %mul3A_417 {strides = array<i32>} : memref<128x64xf32, #tpu.memory_space<vmem>>, vector<16xf32>,
        %add3A_421 = arith.constant 48 : i32
        %add3A_422 = arith.addi %squeeze3A, %add3A_421 : i32
        %get3A_423 = arith.index_cast %scan3A_385 : i32 to index
        %get3A_424 = arith.index_cast %add3A_422 : i32 to index
        %get3A_425 = tpu.vector_load %arg8[%get3A_423, %get3A_424] {strides = array<i32>} : memref<128x128xf32, #tpu.memory_space<vmem>>, vector<16xf32>,
        %mul3A_426 = arith.constant 8.000000e+00 : f32
        %mul3A_427 = vector.broadcast %mul3A_426 : f32 to vector<16xf32>
        %mul3A_428 = arith.mulf %get3A_425, %mul3A_427 : vector<16xf32>
        %swap3A_429 = arith.index_cast %scan3A_385 : i32 to index
        %swap3A_430 = arith.constant 48 : index
        %swap3A_431 = tpu.vector_load %arg10[%swap3A_429, %swap3A_430] {strides = array<i32>} : memref<128x64xf32, #tpu.memory_space<vmem>>, vector<16xf32>,
        tpu.vector_store %arg10[%swap3A_429, %swap3A_430], %mul3A_428 {strides = array<i32>} : memref<128x64xf32, #tpu.memory_space<vmem>>, vector<16xf32>,
        %scan3A_432 = arith.constant 1 : i32
        %scan3A_433 = arith.addi %scan3A_385, %scan3A_432 : i32
        %get3A_434 = arith.index_cast %scan3A_433 : i32 to index
        %get3A_435 = tpu.vector_load %arg18[%get3A_434] {strides = array<i32>} : memref<144xi32, #tpu.memory_space<vmem>>, vector<16xi32>,
        %slice3A_436 = vector.extract_strided_slice %get3A_435 {offsets = [0], sizes = [1], strides = [1]} : vector<16xi32> to vector<1xi32>
        %squeeze3A_437 = vector.extract %slice3A_436[0] : i32 from vector<1xi32>
        %add3A_438 = arith.constant 0 : i32
        %add3A_439 = arith.addi %squeeze3A_437, %add3A_438 : i32
        %get3A_440 = arith.index_cast %scan3A_433 : i32 to index
        %get3A_441 = arith.index_cast %add3A_439 : i32 to index
        %get3A_442 = tpu.vector_load %arg8[%get3A_440, %get3A_441] {strides = array<i32>} : memref<128x128xf32, #tpu.memory_space<vmem>>, vector<16xf32>,
        %mul3A_443 = arith.constant 8.000000e+00 : f32
        %mul3A_444 = vector.broadcast %mul3A_443 : f32 to vector<16xf32>
        %mul3A_445 = arith.mulf %get3A_442, %mul3A_444 : vector<16xf32>
        %swap3A_446 = arith.index_cast %scan3A_433 : i32 to index
        %swap3A_447 = arith.constant 0 : index
        %swap3A_448 = tpu.vector_load %arg10[%swap3A_446, %swap3A_447] {strides = array<i32>} : memref<128x64xf32, #tpu.memory_space<vmem>>, vector<16xf32>,
        tpu.vector_store %arg10[%swap3A_446, %swap3A_447], %mul3A_445 {strides = array<i32>} : memref<128x64xf32, #tpu.memory_space<vmem>>, vector<16xf32>,
        %add3A_449 = arith.constant 16 : i32
        %add3A_450 = arith.addi %squeeze3A_437, %add3A_449 : i32
        %get3A_451 = arith.index_cast %scan3A_433 : i32 to index
        %get3A_452 = arith.index_cast %add3A_450 : i32 to index
        %get3A_453 = tpu.vector_load %arg8[%get3A_451, %get3A_452] {strides = array<i32>} : memref<128x128xf32, #tpu.memory_space<vmem>>, vector<16xf32>,
        %mul3A_454 = arith.constant 8.000000e+00 : f32
        %mul3A_455 = vector.broadcast %mul3A_454 : f32 to vector<16xf32>
        %mul3A_456 = arith.mulf %get3A_453, %mul3A_455 : vector<16xf32>
        %swap3A_457 = arith.index_cast %scan3A_433 : i32 to index
        %swap3A_458 = arith.constant 16 : index
        %swap3A_459 = tpu.vector_load %arg10[%swap3A_457, %swap3A_458] {strides = array<i32>} : memref<128x64xf32, #tpu.memory_space<vmem>>, vector<16xf32>,
        tpu.vector_store %arg10[%swap3A_457, %swap3A_458], %mul3A_456 {strides = array<i32>} : memref<128x64xf32, #tpu.memory_space<vmem>>, vector<16xf32>,
        %add3A_460 = arith.constant 32 : i32
        %add3A_461 = arith.addi %squeeze3A_437, %add3A_460 : i32
        %get3A_462 = arith.index_cast %scan3A_433 : i32 to index
        %get3A_463 = arith.index_cast %add3A_461 : i32 to index
        %get3A_464 = tpu.vector_load %arg8[%get3A_462, %get3A_463] {strides = array<i32>} : memref<128x128xf32, #tpu.memory_space<vmem>>, vector<16xf32>,
        %mul3A_465 = arith.constant 8.000000e+00 : f32
        %mul3A_466 = vector.broadcast %mul3A_465 : f32 to vector<16xf32>
        %mul3A_467 = arith.mulf %get3A_464, %mul3A_466 : vector<16xf32>
        %swap3A_468 = arith.index_cast %scan3A_433 : i32 to index
        %swap3A_469 = arith.constant 32 : index
        %swap3A_470 = tpu.vector_load %arg10[%swap3A_468, %swap3A_469] {strides = array<i32>} : memref<128x64xf32, #tpu.memory_space<vmem>>, vector<16xf32>,
        tpu.vector_store %arg10[%swap3A_468, %swap3A_469], %mul3A_467 {strides = array<i32>} : memref<128x64xf32, #tpu.memory_space<vmem>>, vector<16xf32>,
        %add3A_471 = arith.constant 48 : i32
        %add3A_472 = arith.addi %squeeze3A_437, %add3A_471 : i32
        %get3A_473 = arith.index_cast %scan3A_433 : i32 to index
        %get3A_474 = arith.index_cast %add3A_472 : i32 to index
        %get3A_475 = tpu.vector_load %arg8[%get3A_473, %get3A_474] {strides = array<i32>} : memref<128x128xf32, #tpu.memory_space<vmem>>, vector<16xf32>,
        %mul3A_476 = arith.constant 8.000000e+00 : f32
        %mul3A_477 = vector.broadcast %mul3A_476 : f32 to vector<16xf32>
        %mul3A_478 = arith.mulf %get3A_475, %mul3A_477 : vector<16xf32>
        %swap3A_479 = arith.index_cast %scan3A_433 : i32 to index
        %swap3A_480 = arith.constant 48 : index
        %swap3A_481 = tpu.vector_load %arg10[%swap3A_479, %swap3A_480] {strides = array<i32>} : memref<128x64xf32, #tpu.memory_space<vmem>>, vector<16xf32>,
        tpu.vector_store %arg10[%swap3A_479, %swap3A_480], %mul3A_478 {strides = array<i32>} : memref<128x64xf32, #tpu.memory_space<vmem>>, vector<16xf32>,
      }
      %scan3A_338 = arith.constant 128 : i32
      %mul3A_339 = arith.constant 128 : i32
      %mul3A_340 = arith.muli %add3A_324, %mul3A_339 : i32
      %add3A_341 = arith.addi %mul3A_2, %mul3A_340 : i32
      %dma_start3A_342 = arith.constant 0 : i32
      %dma_start3A_343 = tpu.memref_slice %arg4[%add3A_341, %dma_start3A_342] : memref<819200x64xf32, #tpu.memory_space<hbm>> -> memref<128x64xf32, #tpu.memory_space<hbm>>
      %dma_start3A_344 = arith.constant 0 : i32
      %dma_start3A_345 = tpu.memref_slice %arg4[%add3A_341, %dma_start3A_344] : memref<819200x64xf32, #tpu.memory_space<hbm>> -> memref<128x64xf32, #tpu.memory_space<hbm>>
      tpu.enqueue_dma source(%arg10 : memref<128x64xf32, #tpu.memory_space<vmem>>) target(%dma_start3A_345 : memref<128x64xf32, #tpu.memory_space<hbm>>) target_semaphore(%arg24 : memref<!tpu.dma_semaphore, #tpu.memory_space<semaphore_mem>>)
      %add3A_346 = arith.constant 2 : i32
      %add3A_347 = arith.addi %add3A_324, %add3A_346 : i32
      %lt3A_348 = arith.constant 200 : i32
      %lt3A_349 = arith.cmpi slt, %add3A_347, %lt3A_348 : i32
      %convert_element_type3A_350 = arith.extui %lt3A_349 : i1 to i32
      %cond3A_351 = arith.constant 0 : i32
      %cond3A_352 = arith.cmpi ne, %convert_element_type3A_350, %cond3A_351 : i32
      scf.if %cond3A_352 {
        %mul3A_385 = arith.constant 128 : i32
        %mul3A_386 = arith.muli %add3A_347, %mul3A_385 : i32
        %add3A_387 = arith.constant 0 : i32
        %add3A_388 = arith.addi %mul3A_386, %add3A_387 : i32
        %get3A_389 = arith.index_cast %add3A_388 : i32 to index
        %get3A_390 = tpu.vector_load %arg5[%get3A_389] {strides = array<i32>} : memref<25600xi32, #tpu.memory_space<vmem>>, vector<16xi32>,
        %shift_right_logical3A_391 = arith.constant 1 : i32
        %shift_right_logical3A_392 = vector.broadcast %shift_right_logical3A_391 : i32 to vector<16xi32>
        %shift_right_logical3A_393 = arith.shrui %get3A_390, %shift_right_logical3A_392 : vector<16xi32>
        %swap3A_394 = arith.constant 0 : index
        %swap3A_395 = tpu.vector_load %arg12[%swap3A_394] {strides = array<i32>} : memref<128xi32, #tpu.memory_space<vmem>>, vector<16xi32>,
        tpu.vector_store %arg12[%swap3A_394], %shift_right_logical3A_393 {strides = array<i32>} : memref<128xi32, #tpu.memory_space<vmem>>, vector<16xi32>,
        %and3A_396 = arith.constant 1 : i32
        %and3A_397 = vector.broadcast %and3A_396 : i32 to vector<16xi32>
        %and3A_398 = arith.andi %get3A_390, %and3A_397 : vector<16xi32>
        %mul3A_399 = arith.constant 64 : i32
        %mul3A_400 = vector.broadcast %mul3A_399 : i32 to vector<16xi32>
        %mul3A_401 = arith.muli %and3A_398, %mul3A_400 : vector<16xi32>
        %swap3A_402 = arith.constant 0 : index
        %swap3A_403 = tpu.vector_load %arg16[%swap3A_402] {strides = array<i32>} : memref<144xi32, #tpu.memory_space<vmem>>, vector<16xi32>,
        tpu.vector_store %arg16[%swap3A_402], %mul3A_401 {strides = array<i32>} : memref<144xi32, #tpu.memory_space<vmem>>, vector<16xi32>,
        %mul3A_404 = arith.constant 128 : i32
        %mul3A_405 = arith.muli %add3A_347, %mul3A_404 : i32
        %add3A_406 = arith.constant 16 : i32
        %add3A_407 = arith.addi %mul3A_405, %add3A_406 : i32
        %get3A_408 = arith.index_cast %add3A_407 : i32 to index
        %get3A_409 = tpu.vector_load %arg5[%get3A_408] {strides = array<i32>} : memref<25600xi32, #tpu.memory_space<vmem>>, vector<16xi32>,
        %shift_right_logical3A_410 = arith.constant 1 : i32
        %shift_right_logical3A_411 = vector.broadcast %shift_right_logical3A_410 : i32 to vector<16xi32>
        %shift_right_logical3A_412 = arith.shrui %get3A_409, %shift_right_logical3A_411 : vector<16xi32>
        %swap3A_413 = arith.constant 16 : index
        %swap3A_414 = tpu.vector_load %arg12[%swap3A_413] {strides = array<i32>} : memref<128xi32, #tpu.memory_space<vmem>>, vector<16xi32>,
        tpu.vector_store %arg12[%swap3A_413], %shift_right_logical3A_412 {strides = array<i32>} : memref<128xi32, #tpu.memory_space<vmem>>, vector<16xi32>,
        %and3A_415 = arith.constant 1 : i32
        %and3A_416 = vector.broadcast %and3A_415 : i32 to vector<16xi32>
        %and3A_417 = arith.andi %get3A_409, %and3A_416 : vector<16xi32>
        %mul3A_418 = arith.constant 64 : i32
        %mul3A_419 = vector.broadcast %mul3A_418 : i32 to vector<16xi32>
        %mul3A_420 = arith.muli %and3A_417, %mul3A_419 : vector<16xi32>
        %swap3A_421 = arith.constant 16 : index
        %swap3A_422 = tpu.vector_load %arg16[%swap3A_421] {strides = array<i32>} : memref<144xi32, #tpu.memory_space<vmem>>, vector<16xi32>,
        tpu.vector_store %arg16[%swap3A_421], %mul3A_420 {strides = array<i32>} : memref<144xi32, #tpu.memory_space<vmem>>, vector<16xi32>,
        %mul3A_423 = arith.constant 128 : i32
        %mul3A_424 = arith.muli %add3A_347, %mul3A_423 : i32
        %add3A_425 = arith.constant 32 : i32
        %add3A_426 = arith.addi %mul3A_424, %add3A_425 : i32
        %get3A_427 = arith.index_cast %add3A_426 : i32 to index
        %get3A_428 = tpu.vector_load %arg5[%get3A_427] {strides = array<i32>} : memref<25600xi32, #tpu.memory_space<vmem>>, vector<16xi32>,
        %shift_right_logical3A_429 = arith.constant 1 : i32
        %shift_right_logical3A_430 = vector.broadcast %shift_right_logical3A_429 : i32 to vector<16xi32>
        %shift_right_logical3A_431 = arith.shrui %get3A_428, %shift_right_logical3A_430 : vector<16xi32>
        %swap3A_432 = arith.constant 32 : index
        %swap3A_433 = tpu.vector_load %arg12[%swap3A_432] {strides = array<i32>} : memref<128xi32, #tpu.memory_space<vmem>>, vector<16xi32>,
        tpu.vector_store %arg12[%swap3A_432], %shift_right_logical3A_431 {strides = array<i32>} : memref<128xi32, #tpu.memory_space<vmem>>, vector<16xi32>,
        %and3A_434 = arith.constant 1 : i32
        %and3A_435 = vector.broadcast %and3A_434 : i32 to vector<16xi32>
        %and3A_436 = arith.andi %get3A_428, %and3A_435 : vector<16xi32>
        %mul3A_437 = arith.constant 64 : i32
        %mul3A_438 = vector.broadcast %mul3A_437 : i32 to vector<16xi32>
        %mul3A_439 = arith.muli %and3A_436, %mul3A_438 : vector<16xi32>
        %swap3A_440 = arith.constant 32 : index
        %swap3A_441 = tpu.vector_load %arg16[%swap3A_440] {strides = array<i32>} : memref<144xi32, #tpu.memory_space<vmem>>, vector<16xi32>,
        tpu.vector_store %arg16[%swap3A_440], %mul3A_439 {strides = array<i32>} : memref<144xi32, #tpu.memory_space<vmem>>, vector<16xi32>,
        %mul3A_442 = arith.constant 128 : i32
        %mul3A_443 = arith.muli %add3A_347, %mul3A_442 : i32
        %add3A_444 = arith.constant 48 : i32
        %add3A_445 = arith.addi %mul3A_443, %add3A_444 : i32
        %get3A_446 = arith.index_cast %add3A_445 : i32 to index
        %get3A_447 = tpu.vector_load %arg5[%get3A_446] {strides = array<i32>} : memref<25600xi32, #tpu.memory_space<vmem>>, vector<16xi32>,
        %shift_right_logical3A_448 = arith.constant 1 : i32
        %shift_right_logical3A_449 = vector.broadcast %shift_right_logical3A_448 : i32 to vector<16xi32>
        %shift_right_logical3A_450 = arith.shrui %get3A_447, %shift_right_logical3A_449 : vector<16xi32>
        %swap3A_451 = arith.constant 48 : index
        %swap3A_452 = tpu.vector_load %arg12[%swap3A_451] {strides = array<i32>} : memref<128xi32, #tpu.memory_space<vmem>>, vector<16xi32>,
        tpu.vector_store %arg12[%swap3A_451], %shift_right_logical3A_450 {strides = array<i32>} : memref<128xi32, #tpu.memory_space<vmem>>, vector<16xi32>,
        %and3A_453 = arith.constant 1 : i32
        %and3A_454 = vector.broadcast %and3A_453 : i32 to vector<16xi32>
        %and3A_455 = arith.andi %get3A_447, %and3A_454 : vector<16xi32>
        %mul3A_456 = arith.constant 64 : i32
        %mul3A_457 = vector.broadcast %mul3A_456 : i32 to vector<16xi32>
        %mul3A_458 = arith.muli %and3A_455, %mul3A_457 : vector<16xi32>
        %swap3A_459 = arith.constant 48 : index
        %swap3A_460 = tpu.vector_load %arg16[%swap3A_459] {strides = array<i32>} : memref<144xi32, #tpu.memory_space<vmem>>, vector<16xi32>,
        tpu.vector_store %arg16[%swap3A_459], %mul3A_458 {strides = array<i32>} : memref<144xi32, #tpu.memory_space<vmem>>, vector<16xi32>,
        %mul3A_461 = arith.constant 128 : i32
        %mul3A_462 = arith.muli %add3A_347, %mul3A_461 : i32
        %add3A_463 = arith.constant 64 : i32
        %add3A_464 = arith.addi %mul3A_462, %add3A_463 : i32
        %get3A_465 = arith.index_cast %add3A_464 : i32 to index
        %get3A_466 = tpu.vector_load %arg5[%get3A_465] {strides = array<i32>} : memref<25600xi32, #tpu.memory_space<vmem>>, vector<16xi32>,
        %shift_right_logical3A_467 = arith.constant 1 : i32
        %shift_right_logical3A_468 = vector.broadcast %shift_right_logical3A_467 : i32 to vector<16xi32>
        %shift_right_logical3A_469 = arith.shrui %get3A_466, %shift_right_logical3A_468 : vector<16xi32>
        %swap3A_470 = arith.constant 64 : index
        %swap3A_471 = tpu.vector_load %arg12[%swap3A_470] {strides = array<i32>} : memref<128xi32, #tpu.memory_space<vmem>>, vector<16xi32>,
        tpu.vector_store %arg12[%swap3A_470], %shift_right_logical3A_469 {strides = array<i32>} : memref<128xi32, #tpu.memory_space<vmem>>, vector<16xi32>,
        %and3A_472 = arith.constant 1 : i32
        %and3A_473 = vector.broadcast %and3A_472 : i32 to vector<16xi32>
        %and3A_474 = arith.andi %get3A_466, %and3A_473 : vector<16xi32>
        %mul3A_475 = arith.constant 64 : i32
        %mul3A_476 = vector.broadcast %mul3A_475 : i32 to vector<16xi32>
        %mul3A_477 = arith.muli %and3A_474, %mul3A_476 : vector<16xi32>
        %swap3A_478 = arith.constant 64 : index
        %swap3A_479 = tpu.vector_load %arg16[%swap3A_478] {strides = array<i32>} : memref<144xi32, #tpu.memory_space<vmem>>, vector<16xi32>,
        tpu.vector_store %arg16[%swap3A_478], %mul3A_477 {strides = array<i32>} : memref<144xi32, #tpu.memory_space<vmem>>, vector<16xi32>,
        %mul3A_480 = arith.constant 128 : i32
        %mul3A_481 = arith.muli %add3A_347, %mul3A_480 : i32
        %add3A_482 = arith.constant 80 : i32
        %add3A_483 = arith.addi %mul3A_481, %add3A_482 : i32
        %get3A_484 = arith.index_cast %add3A_483 : i32 to index
        %get3A_485 = tpu.vector_load %arg5[%get3A_484] {strides = array<i32>} : memref<25600xi32, #tpu.memory_space<vmem>>, vector<16xi32>,
        %shift_right_logical3A_486 = arith.constant 1 : i32
        %shift_right_logical3A_487 = vector.broadcast %shift_right_logical3A_486 : i32 to vector<16xi32>
        %shift_right_logical3A_488 = arith.shrui %get3A_485, %shift_right_logical3A_487 : vector<16xi32>
        %swap3A_489 = arith.constant 80 : index
        %swap3A_490 = tpu.vector_load %arg12[%swap3A_489] {strides = array<i32>} : memref<128xi32, #tpu.memory_space<vmem>>, vector<16xi32>,
        tpu.vector_store %arg12[%swap3A_489], %shift_right_logical3A_488 {strides = array<i32>} : memref<128xi32, #tpu.memory_space<vmem>>, vector<16xi32>,
        %and3A_491 = arith.constant 1 : i32
        %and3A_492 = vector.broadcast %and3A_491 : i32 to vector<16xi32>
        %and3A_493 = arith.andi %get3A_485, %and3A_492 : vector<16xi32>
        %mul3A_494 = arith.constant 64 : i32
        %mul3A_495 = vector.broadcast %mul3A_494 : i32 to vector<16xi32>
        %mul3A_496 = arith.muli %and3A_493, %mul3A_495 : vector<16xi32>
        %swap3A_497 = arith.constant 80 : index
        %swap3A_498 = tpu.vector_load %arg16[%swap3A_497] {strides = array<i32>} : memref<144xi32, #tpu.memory_space<vmem>>, vector<16xi32>,
        tpu.vector_store %arg16[%swap3A_497], %mul3A_496 {strides = array<i32>} : memref<144xi32, #tpu.memory_space<vmem>>, vector<16xi32>,
        %mul3A_499 = arith.constant 128 : i32
        %mul3A_500 = arith.muli %add3A_347, %mul3A_499 : i32
        %add3A_501 = arith.constant 96 : i32
        %add3A_502 = arith.addi %mul3A_500, %add3A_501 : i32
        %get3A_503 = arith.index_cast %add3A_502 : i32 to index
        %get3A_504 = tpu.vector_load %arg5[%get3A_503] {strides = array<i32>} : memref<25600xi32, #tpu.memory_space<vmem>>, vector<16xi32>,
        %shift_right_logical3A_505 = arith.constant 1 : i32
        %shift_right_logical3A_506 = vector.broadcast %shift_right_logical3A_505 : i32 to vector<16xi32>
        %shift_right_logical3A_507 = arith.shrui %get3A_504, %shift_right_logical3A_506 : vector<16xi32>
        %swap3A_508 = arith.constant 96 : index
        %swap3A_509 = tpu.vector_load %arg12[%swap3A_508] {strides = array<i32>} : memref<128xi32, #tpu.memory_space<vmem>>, vector<16xi32>,
        tpu.vector_store %arg12[%swap3A_508], %shift_right_logical3A_507 {strides = array<i32>} : memref<128xi32, #tpu.memory_space<vmem>>, vector<16xi32>,
        %and3A_510 = arith.constant 1 : i32
        %and3A_511 = vector.broadcast %and3A_510 : i32 to vector<16xi32>
        %and3A_512 = arith.andi %get3A_504, %and3A_511 : vector<16xi32>
        %mul3A_513 = arith.constant 64 : i32
        %mul3A_514 = vector.broadcast %mul3A_513 : i32 to vector<16xi32>
        %mul3A_515 = arith.muli %and3A_512, %mul3A_514 : vector<16xi32>
        %swap3A_516 = arith.constant 96 : index
        %swap3A_517 = tpu.vector_load %arg16[%swap3A_516] {strides = array<i32>} : memref<144xi32, #tpu.memory_space<vmem>>, vector<16xi32>,
        tpu.vector_store %arg16[%swap3A_516], %mul3A_515 {strides = array<i32>} : memref<144xi32, #tpu.memory_space<vmem>>, vector<16xi32>,
        %mul3A_518 = arith.constant 128 : i32
        %mul3A_519 = arith.muli %add3A_347, %mul3A_518 : i32
        %add3A_520 = arith.constant 112 : i32
        %add3A_521 = arith.addi %mul3A_519, %add3A_520 : i32
        %get3A_522 = arith.index_cast %add3A_521 : i32 to index
        %get3A_523 = tpu.vector_load %arg5[%get3A_522] {strides = array<i32>} : memref<25600xi32, #tpu.memory_space<vmem>>, vector<16xi32>,
        %shift_right_logical3A_524 = arith.constant 1 : i32
        %shift_right_logical3A_525 = vector.broadcast %shift_right_logical3A_524 : i32 to vector<16xi32>
        %shift_right_logical3A_526 = arith.shrui %get3A_523, %shift_right_logical3A_525 : vector<16xi32>
        %swap3A_527 = arith.constant 112 : index
        %swap3A_528 = tpu.vector_load %arg12[%swap3A_527] {strides = array<i32>} : memref<128xi32, #tpu.memory_space<vmem>>, vector<16xi32>,
        tpu.vector_store %arg12[%swap3A_527], %shift_right_logical3A_526 {strides = array<i32>} : memref<128xi32, #tpu.memory_space<vmem>>, vector<16xi32>,
        %and3A_529 = arith.constant 1 : i32
        %and3A_530 = vector.broadcast %and3A_529 : i32 to vector<16xi32>
        %and3A_531 = arith.andi %get3A_523, %and3A_530 : vector<16xi32>
        %mul3A_532 = arith.constant 64 : i32
        %mul3A_533 = vector.broadcast %mul3A_532 : i32 to vector<16xi32>
        %mul3A_534 = arith.muli %and3A_531, %mul3A_533 : vector<16xi32>
        %swap3A_535 = arith.constant 112 : index
        %swap3A_536 = tpu.vector_load %arg16[%swap3A_535] {strides = array<i32>} : memref<144xi32, #tpu.memory_space<vmem>>, vector<16xi32>,
        tpu.vector_store %arg16[%swap3A_535], %mul3A_534 {strides = array<i32>} : memref<144xi32, #tpu.memory_space<vmem>>, vector<16xi32>,
        %dma_start3A_537 = arith.constant 0 : i32
        %dma_start3A_538 = arith.constant 0 : i32
        %dma_start3A_539 = tpu.memref_slice %arg2[%dma_start3A_537, %dma_start3A_538] : memref<500000x128xf32, #tpu.memory_space<hbm>> -> memref<500000x128xf32, #tpu.memory_space<hbm>>
        tpu.enqueue_indirect_dma source(%dma_start3A_539 : memref<500000x128xf32, #tpu.memory_space<hbm>>) target(%arg6 : memref<128x128xf32, #tpu.memory_space<vmem>>) offsets(%arg12 : memref<128xi32, #tpu.memory_space<vmem>>) semaphore(%arg20 : memref<!tpu.dma_semaphore, #tpu.memory_space<semaphore_mem>>)
      } else {
      }
      %mul3A_353 = arith.constant 4 : i32
      %mul3A_354 = arith.muli %scan3A_260, %mul3A_353 : i32
      %add3A_355 = arith.constant 3 : i32
      %add3A_356 = arith.addi %mul3A_354, %add3A_355 : i32
      %dma_wait3A_357 = arith.constant 0 : i32
      %dma_wait3A_358 = arith.constant 0 : i32
      %dma_wait3A_359 = tpu.memref_slice %arg2[%dma_wait3A_357, %dma_wait3A_358] : memref<500000x128xf32, #tpu.memory_space<hbm>> -> memref<500000x128xf32, #tpu.memory_space<hbm>>
      tpu.wait_indirect_dma semaphore(%arg23 : memref<!tpu.dma_semaphore, #tpu.memory_space<semaphore_mem>>) src(%dma_wait3A_359 : memref<500000x128xf32, #tpu.memory_space<hbm>>) dst(%arg9 : memref<128x128xf32, #tpu.memory_space<vmem>>)
      %ge3A_360 = arith.constant 2 : i32
      %ge3A_361 = arith.cmpi sge, %add3A_356, %ge3A_360 : i32
      %convert_element_type3A_362 = arith.extui %ge3A_361 : i1 to i32
      %cond3A_363 = arith.constant 0 : i32
      %cond3A_364 = arith.cmpi ne, %convert_element_type3A_362, %cond3A_363 : i32
      scf.if %cond3A_364 {
        %sub3A = arith.constant 2 : i32
        %sub3A_385 = arith.subi %add3A_356, %sub3A : i32
        %mul3A_386 = arith.constant 128 : i32
        %mul3A_387 = arith.muli %sub3A_385, %mul3A_386 : i32
        %add3A_388 = arith.addi %mul3A_2, %mul3A_387 : i32
        %dma_wait3A_389 = arith.constant 0 : i32
        %dma_wait3A_390 = tpu.memref_slice %arg4[%add3A_388, %dma_wait3A_389] : memref<819200x64xf32, #tpu.memory_space<hbm>> -> memref<128x64xf32, #tpu.memory_space<hbm>>
        %dma_wait3A_391 = arith.constant 0 : i32
        %dma_wait3A_392 = tpu.memref_slice %arg4[%add3A_388, %dma_wait3A_391] : memref<819200x64xf32, #tpu.memory_space<hbm>> -> memref<128x64xf32, #tpu.memory_space<hbm>>
        tpu.wait_dma2 semaphore(%arg25 : memref<!tpu.dma_semaphore, #tpu.memory_space<semaphore_mem>>) src(%arg11 : memref<128x64xf32, #tpu.memory_space<vmem>>) dst(%dma_wait3A_392 : memref<128x64xf32, #tpu.memory_space<hbm>>)
      } else {
      }
      %scan3A_365 = arith.constant 0 : i32
      %scan3A_366 = arith.constant 0 : i32
      %scan3A_367 = arith.constant 128 : i32
      %scan3A_368 = arith.addi %scan3A_366, %scan3A_367 : i32
      %scan3A_369 = arith.constant 2 : i32
      scf.for %scan3A_385 = %scan3A_366 to %scan3A_368 step %scan3A_369  : i32 {
        %get3A_386 = arith.index_cast %scan3A_385 : i32 to index
        %get3A_387 = tpu.vector_load %arg19[%get3A_386] {strides = array<i32>} : memref<144xi32, #tpu.memory_space<vmem>>, vector<16xi32>,
        %slice3A = vector.extract_strided_slice %get3A_387 {offsets = [0], sizes = [1], strides = [1]} : vector<16xi32> to vector<1xi32>
        %squeeze3A = vector.extract %slice3A[0] : i32 from vector<1xi32>
        %add3A_388 = arith.constant 0 : i32
        %add3A_389 = arith.addi %squeeze3A, %add3A_388 : i32
        %get3A_390 = arith.index_cast %scan3A_385 : i32 to index
        %get3A_391 = arith.index_cast %add3A_389 : i32 to index
        %get3A_392 = tpu.vector_load %arg9[%get3A_390, %get3A_391] {strides = array<i32>} : memref<128x128xf32, #tpu.memory_space<vmem>>, vector<16xf32>,
        %mul3A_393 = arith.constant 8.000000e+00 : f32
        %mul3A_394 = vector.broadcast %mul3A_393 : f32 to vector<16xf32>
        %mul3A_395 = arith.mulf %get3A_392, %mul3A_394 : vector<16xf32>
        %swap3A_396 = arith.index_cast %scan3A_385 : i32 to index
        %swap3A_397 = arith.constant 0 : index
        %swap3A_398 = tpu.vector_load %arg11[%swap3A_396, %swap3A_397] {strides = array<i32>} : memref<128x64xf32, #tpu.memory_space<vmem>>, vector<16xf32>,
        tpu.vector_store %arg11[%swap3A_396, %swap3A_397], %mul3A_395 {strides = array<i32>} : memref<128x64xf32, #tpu.memory_space<vmem>>, vector<16xf32>,
        %add3A_399 = arith.constant 16 : i32
        %add3A_400 = arith.addi %squeeze3A, %add3A_399 : i32
        %get3A_401 = arith.index_cast %scan3A_385 : i32 to index
        %get3A_402 = arith.index_cast %add3A_400 : i32 to index
        %get3A_403 = tpu.vector_load %arg9[%get3A_401, %get3A_402] {strides = array<i32>} : memref<128x128xf32, #tpu.memory_space<vmem>>, vector<16xf32>,
        %mul3A_404 = arith.constant 8.000000e+00 : f32
        %mul3A_405 = vector.broadcast %mul3A_404 : f32 to vector<16xf32>
        %mul3A_406 = arith.mulf %get3A_403, %mul3A_405 : vector<16xf32>
        %swap3A_407 = arith.index_cast %scan3A_385 : i32 to index
        %swap3A_408 = arith.constant 16 : index
        %swap3A_409 = tpu.vector_load %arg11[%swap3A_407, %swap3A_408] {strides = array<i32>} : memref<128x64xf32, #tpu.memory_space<vmem>>, vector<16xf32>,
        tpu.vector_store %arg11[%swap3A_407, %swap3A_408], %mul3A_406 {strides = array<i32>} : memref<128x64xf32, #tpu.memory_space<vmem>>, vector<16xf32>,
        %add3A_410 = arith.constant 32 : i32
        %add3A_411 = arith.addi %squeeze3A, %add3A_410 : i32
        %get3A_412 = arith.index_cast %scan3A_385 : i32 to index
        %get3A_413 = arith.index_cast %add3A_411 : i32 to index
        %get3A_414 = tpu.vector_load %arg9[%get3A_412, %get3A_413] {strides = array<i32>} : memref<128x128xf32, #tpu.memory_space<vmem>>, vector<16xf32>,
        %mul3A_415 = arith.constant 8.000000e+00 : f32
        %mul3A_416 = vector.broadcast %mul3A_415 : f32 to vector<16xf32>
        %mul3A_417 = arith.mulf %get3A_414, %mul3A_416 : vector<16xf32>
        %swap3A_418 = arith.index_cast %scan3A_385 : i32 to index
        %swap3A_419 = arith.constant 32 : index
        %swap3A_420 = tpu.vector_load %arg11[%swap3A_418, %swap3A_419] {strides = array<i32>} : memref<128x64xf32, #tpu.memory_space<vmem>>, vector<16xf32>,
        tpu.vector_store %arg11[%swap3A_418, %swap3A_419], %mul3A_417 {strides = array<i32>} : memref<128x64xf32, #tpu.memory_space<vmem>>, vector<16xf32>,
        %add3A_421 = arith.constant 48 : i32
        %add3A_422 = arith.addi %squeeze3A, %add3A_421 : i32
        %get3A_423 = arith.index_cast %scan3A_385 : i32 to index
        %get3A_424 = arith.index_cast %add3A_422 : i32 to index
        %get3A_425 = tpu.vector_load %arg9[%get3A_423, %get3A_424] {strides = array<i32>} : memref<128x128xf32, #tpu.memory_space<vmem>>, vector<16xf32>,
        %mul3A_426 = arith.constant 8.000000e+00 : f32
        %mul3A_427 = vector.broadcast %mul3A_426 : f32 to vector<16xf32>
        %mul3A_428 = arith.mulf %get3A_425, %mul3A_427 : vector<16xf32>
        %swap3A_429 = arith.index_cast %scan3A_385 : i32 to index
        %swap3A_430 = arith.constant 48 : index
        %swap3A_431 = tpu.vector_load %arg11[%swap3A_429, %swap3A_430] {strides = array<i32>} : memref<128x64xf32, #tpu.memory_space<vmem>>, vector<16xf32>,
        tpu.vector_store %arg11[%swap3A_429, %swap3A_430], %mul3A_428 {strides = array<i32>} : memref<128x64xf32, #tpu.memory_space<vmem>>, vector<16xf32>,
        %scan3A_432 = arith.constant 1 : i32
        %scan3A_433 = arith.addi %scan3A_385, %scan3A_432 : i32
        %get3A_434 = arith.index_cast %scan3A_433 : i32 to index
        %get3A_435 = tpu.vector_load %arg19[%get3A_434] {strides = array<i32>} : memref<144xi32, #tpu.memory_space<vmem>>, vector<16xi32>,
        %slice3A_436 = vector.extract_strided_slice %get3A_435 {offsets = [0], sizes = [1], strides = [1]} : vector<16xi32> to vector<1xi32>
        %squeeze3A_437 = vector.extract %slice3A_436[0] : i32 from vector<1xi32>
        %add3A_438 = arith.constant 0 : i32
        %add3A_439 = arith.addi %squeeze3A_437, %add3A_438 : i32
        %get3A_440 = arith.index_cast %scan3A_433 : i32 to index
        %get3A_441 = arith.index_cast %add3A_439 : i32 to index
        %get3A_442 = tpu.vector_load %arg9[%get3A_440, %get3A_441] {strides = array<i32>} : memref<128x128xf32, #tpu.memory_space<vmem>>, vector<16xf32>,
        %mul3A_443 = arith.constant 8.000000e+00 : f32
        %mul3A_444 = vector.broadcast %mul3A_443 : f32 to vector<16xf32>
        %mul3A_445 = arith.mulf %get3A_442, %mul3A_444 : vector<16xf32>
        %swap3A_446 = arith.index_cast %scan3A_433 : i32 to index
        %swap3A_447 = arith.constant 0 : index
        %swap3A_448 = tpu.vector_load %arg11[%swap3A_446, %swap3A_447] {strides = array<i32>} : memref<128x64xf32, #tpu.memory_space<vmem>>, vector<16xf32>,
        tpu.vector_store %arg11[%swap3A_446, %swap3A_447], %mul3A_445 {strides = array<i32>} : memref<128x64xf32, #tpu.memory_space<vmem>>, vector<16xf32>,
        %add3A_449 = arith.constant 16 : i32
        %add3A_450 = arith.addi %squeeze3A_437, %add3A_449 : i32
        %get3A_451 = arith.index_cast %scan3A_433 : i32 to index
        %get3A_452 = arith.index_cast %add3A_450 : i32 to index
        %get3A_453 = tpu.vector_load %arg9[%get3A_451, %get3A_452] {strides = array<i32>} : memref<128x128xf32, #tpu.memory_space<vmem>>, vector<16xf32>,
        %mul3A_454 = arith.constant 8.000000e+00 : f32
        %mul3A_455 = vector.broadcast %mul3A_454 : f32 to vector<16xf32>
        %mul3A_456 = arith.mulf %get3A_453, %mul3A_455 : vector<16xf32>
        %swap3A_457 = arith.index_cast %scan3A_433 : i32 to index
        %swap3A_458 = arith.constant 16 : index
        %swap3A_459 = tpu.vector_load %arg11[%swap3A_457, %swap3A_458] {strides = array<i32>} : memref<128x64xf32, #tpu.memory_space<vmem>>, vector<16xf32>,
        tpu.vector_store %arg11[%swap3A_457, %swap3A_458], %mul3A_456 {strides = array<i32>} : memref<128x64xf32, #tpu.memory_space<vmem>>, vector<16xf32>,
        %add3A_460 = arith.constant 32 : i32
        %add3A_461 = arith.addi %squeeze3A_437, %add3A_460 : i32
        %get3A_462 = arith.index_cast %scan3A_433 : i32 to index
        %get3A_463 = arith.index_cast %add3A_461 : i32 to index
        %get3A_464 = tpu.vector_load %arg9[%get3A_462, %get3A_463] {strides = array<i32>} : memref<128x128xf32, #tpu.memory_space<vmem>>, vector<16xf32>,
        %mul3A_465 = arith.constant 8.000000e+00 : f32
        %mul3A_466 = vector.broadcast %mul3A_465 : f32 to vector<16xf32>
        %mul3A_467 = arith.mulf %get3A_464, %mul3A_466 : vector<16xf32>
        %swap3A_468 = arith.index_cast %scan3A_433 : i32 to index
        %swap3A_469 = arith.constant 32 : index
        %swap3A_470 = tpu.vector_load %arg11[%swap3A_468, %swap3A_469] {strides = array<i32>} : memref<128x64xf32, #tpu.memory_space<vmem>>, vector<16xf32>,
        tpu.vector_store %arg11[%swap3A_468, %swap3A_469], %mul3A_467 {strides = array<i32>} : memref<128x64xf32, #tpu.memory_space<vmem>>, vector<16xf32>,
        %add3A_471 = arith.constant 48 : i32
        %add3A_472 = arith.addi %squeeze3A_437, %add3A_471 : i32
        %get3A_473 = arith.index_cast %scan3A_433 : i32 to index
        %get3A_474 = arith.index_cast %add3A_472 : i32 to index
        %get3A_475 = tpu.vector_load %arg9[%get3A_473, %get3A_474] {strides = array<i32>} : memref<128x128xf32, #tpu.memory_space<vmem>>, vector<16xf32>,
        %mul3A_476 = arith.constant 8.000000e+00 : f32
        %mul3A_477 = vector.broadcast %mul3A_476 : f32 to vector<16xf32>
        %mul3A_478 = arith.mulf %get3A_475, %mul3A_477 : vector<16xf32>
        %swap3A_479 = arith.index_cast %scan3A_433 : i32 to index
        %swap3A_480 = arith.constant 48 : index
        %swap3A_481 = tpu.vector_load %arg11[%swap3A_479, %swap3A_480] {strides = array<i32>} : memref<128x64xf32, #tpu.memory_space<vmem>>, vector<16xf32>,
        tpu.vector_store %arg11[%swap3A_479, %swap3A_480], %mul3A_478 {strides = array<i32>} : memref<128x64xf32, #tpu.memory_space<vmem>>, vector<16xf32>,
      }
      %scan3A_370 = arith.constant 128 : i32
      %mul3A_371 = arith.constant 128 : i32
      %mul3A_372 = arith.muli %add3A_356, %mul3A_371 : i32
      %add3A_373 = arith.addi %mul3A_2, %mul3A_372 : i32
      %dma_start3A_374 = arith.constant 0 : i32
      %dma_start3A_375 = tpu.memref_slice %arg4[%add3A_373, %dma_start3A_374] : memref<819200x64xf32, #tpu.memory_space<hbm>> -> memref<128x64xf32, #tpu.memory_space<hbm>>
      %dma_start3A_376 = arith.constant 0 : i32
      %dma_start3A_377 = tpu.memref_slice %arg4[%add3A_373, %dma_start3A_376] : memref<819200x64xf32, #tpu.memory_space<hbm>> -> memref<128x64xf32, #tpu.memory_space<hbm>>
      tpu.enqueue_dma source(%arg11 : memref<128x64xf32, #tpu.memory_space<vmem>>) target(%dma_start3A_377 : memref<128x64xf32, #tpu.memory_space<hbm>>) target_semaphore(%arg25 : memref<!tpu.dma_semaphore, #tpu.memory_space<semaphore_mem>>)
      %add3A_378 = arith.constant 2 : i32
      %add3A_379 = arith.addi %add3A_356, %add3A_378 : i32
      %lt3A_380 = arith.constant 200 : i32
      %lt3A_381 = arith.cmpi slt, %add3A_379, %lt3A_380 : i32
      %convert_element_type3A_382 = arith.extui %lt3A_381 : i1 to i32
      %cond3A_383 = arith.constant 0 : i32
      %cond3A_384 = arith.cmpi ne, %convert_element_type3A_382, %cond3A_383 : i32
      scf.if %cond3A_384 {
        %mul3A_385 = arith.constant 128 : i32
        %mul3A_386 = arith.muli %add3A_379, %mul3A_385 : i32
        %add3A_387 = arith.constant 0 : i32
        %add3A_388 = arith.addi %mul3A_386, %add3A_387 : i32
        %get3A_389 = arith.index_cast %add3A_388 : i32 to index
        %get3A_390 = tpu.vector_load %arg5[%get3A_389] {strides = array<i32>} : memref<25600xi32, #tpu.memory_space<vmem>>, vector<16xi32>,
        %shift_right_logical3A_391 = arith.constant 1 : i32
        %shift_right_logical3A_392 = vector.broadcast %shift_right_logical3A_391 : i32 to vector<16xi32>
        %shift_right_logical3A_393 = arith.shrui %get3A_390, %shift_right_logical3A_392 : vector<16xi32>
        %swap3A_394 = arith.constant 0 : index
        %swap3A_395 = tpu.vector_load %arg13[%swap3A_394] {strides = array<i32>} : memref<128xi32, #tpu.memory_space<vmem>>, vector<16xi32>,
        tpu.vector_store %arg13[%swap3A_394], %shift_right_logical3A_393 {strides = array<i32>} : memref<128xi32, #tpu.memory_space<vmem>>, vector<16xi32>,
        %and3A_396 = arith.constant 1 : i32
        %and3A_397 = vector.broadcast %and3A_396 : i32 to vector<16xi32>
        %and3A_398 = arith.andi %get3A_390, %and3A_397 : vector<16xi32>
        %mul3A_399 = arith.constant 64 : i32
        %mul3A_400 = vector.broadcast %mul3A_399 : i32 to vector<16xi32>
        %mul3A_401 = arith.muli %and3A_398, %mul3A_400 : vector<16xi32>
        %swap3A_402 = arith.constant 0 : index
        %swap3A_403 = tpu.vector_load %arg17[%swap3A_402] {strides = array<i32>} : memref<144xi32, #tpu.memory_space<vmem>>, vector<16xi32>,
        tpu.vector_store %arg17[%swap3A_402], %mul3A_401 {strides = array<i32>} : memref<144xi32, #tpu.memory_space<vmem>>, vector<16xi32>,
        %mul3A_404 = arith.constant 128 : i32
        %mul3A_405 = arith.muli %add3A_379, %mul3A_404 : i32
        %add3A_406 = arith.constant 16 : i32
        %add3A_407 = arith.addi %mul3A_405, %add3A_406 : i32
        %get3A_408 = arith.index_cast %add3A_407 : i32 to index
        %get3A_409 = tpu.vector_load %arg5[%get3A_408] {strides = array<i32>} : memref<25600xi32, #tpu.memory_space<vmem>>, vector<16xi32>,
        %shift_right_logical3A_410 = arith.constant 1 : i32
        %shift_right_logical3A_411 = vector.broadcast %shift_right_logical3A_410 : i32 to vector<16xi32>
        %shift_right_logical3A_412 = arith.shrui %get3A_409, %shift_right_logical3A_411 : vector<16xi32>
        %swap3A_413 = arith.constant 16 : index
        %swap3A_414 = tpu.vector_load %arg13[%swap3A_413] {strides = array<i32>} : memref<128xi32, #tpu.memory_space<vmem>>, vector<16xi32>,
        tpu.vector_store %arg13[%swap3A_413], %shift_right_logical3A_412 {strides = array<i32>} : memref<128xi32, #tpu.memory_space<vmem>>, vector<16xi32>,
        %and3A_415 = arith.constant 1 : i32
        %and3A_416 = vector.broadcast %and3A_415 : i32 to vector<16xi32>
        %and3A_417 = arith.andi %get3A_409, %and3A_416 : vector<16xi32>
        %mul3A_418 = arith.constant 64 : i32
        %mul3A_419 = vector.broadcast %mul3A_418 : i32 to vector<16xi32>
        %mul3A_420 = arith.muli %and3A_417, %mul3A_419 : vector<16xi32>
        %swap3A_421 = arith.constant 16 : index
        %swap3A_422 = tpu.vector_load %arg17[%swap3A_421] {strides = array<i32>} : memref<144xi32, #tpu.memory_space<vmem>>, vector<16xi32>,
        tpu.vector_store %arg17[%swap3A_421], %mul3A_420 {strides = array<i32>} : memref<144xi32, #tpu.memory_space<vmem>>, vector<16xi32>,
        %mul3A_423 = arith.constant 128 : i32
        %mul3A_424 = arith.muli %add3A_379, %mul3A_423 : i32
        %add3A_425 = arith.constant 32 : i32
        %add3A_426 = arith.addi %mul3A_424, %add3A_425 : i32
        %get3A_427 = arith.index_cast %add3A_426 : i32 to index
        %get3A_428 = tpu.vector_load %arg5[%get3A_427] {strides = array<i32>} : memref<25600xi32, #tpu.memory_space<vmem>>, vector<16xi32>,
        %shift_right_logical3A_429 = arith.constant 1 : i32
        %shift_right_logical3A_430 = vector.broadcast %shift_right_logical3A_429 : i32 to vector<16xi32>
        %shift_right_logical3A_431 = arith.shrui %get3A_428, %shift_right_logical3A_430 : vector<16xi32>
        %swap3A_432 = arith.constant 32 : index
        %swap3A_433 = tpu.vector_load %arg13[%swap3A_432] {strides = array<i32>} : memref<128xi32, #tpu.memory_space<vmem>>, vector<16xi32>,
        tpu.vector_store %arg13[%swap3A_432], %shift_right_logical3A_431 {strides = array<i32>} : memref<128xi32, #tpu.memory_space<vmem>>, vector<16xi32>,
        %and3A_434 = arith.constant 1 : i32
        %and3A_435 = vector.broadcast %and3A_434 : i32 to vector<16xi32>
        %and3A_436 = arith.andi %get3A_428, %and3A_435 : vector<16xi32>
        %mul3A_437 = arith.constant 64 : i32
        %mul3A_438 = vector.broadcast %mul3A_437 : i32 to vector<16xi32>
        %mul3A_439 = arith.muli %and3A_436, %mul3A_438 : vector<16xi32>
        %swap3A_440 = arith.constant 32 : index
        %swap3A_441 = tpu.vector_load %arg17[%swap3A_440] {strides = array<i32>} : memref<144xi32, #tpu.memory_space<vmem>>, vector<16xi32>,
        tpu.vector_store %arg17[%swap3A_440], %mul3A_439 {strides = array<i32>} : memref<144xi32, #tpu.memory_space<vmem>>, vector<16xi32>,
        %mul3A_442 = arith.constant 128 : i32
        %mul3A_443 = arith.muli %add3A_379, %mul3A_442 : i32
        %add3A_444 = arith.constant 48 : i32
        %add3A_445 = arith.addi %mul3A_443, %add3A_444 : i32
        %get3A_446 = arith.index_cast %add3A_445 : i32 to index
        %get3A_447 = tpu.vector_load %arg5[%get3A_446] {strides = array<i32>} : memref<25600xi32, #tpu.memory_space<vmem>>, vector<16xi32>,
        %shift_right_logical3A_448 = arith.constant 1 : i32
        %shift_right_logical3A_449 = vector.broadcast %shift_right_logical3A_448 : i32 to vector<16xi32>
        %shift_right_logical3A_450 = arith.shrui %get3A_447, %shift_right_logical3A_449 : vector<16xi32>
        %swap3A_451 = arith.constant 48 : index
        %swap3A_452 = tpu.vector_load %arg13[%swap3A_451] {strides = array<i32>} : memref<128xi32, #tpu.memory_space<vmem>>, vector<16xi32>,
        tpu.vector_store %arg13[%swap3A_451], %shift_right_logical3A_450 {strides = array<i32>} : memref<128xi32, #tpu.memory_space<vmem>>, vector<16xi32>,
        %and3A_453 = arith.constant 1 : i32
        %and3A_454 = vector.broadcast %and3A_453 : i32 to vector<16xi32>
        %and3A_455 = arith.andi %get3A_447, %and3A_454 : vector<16xi32>
        %mul3A_456 = arith.constant 64 : i32
        %mul3A_457 = vector.broadcast %mul3A_456 : i32 to vector<16xi32>
        %mul3A_458 = arith.muli %and3A_455, %mul3A_457 : vector<16xi32>
        %swap3A_459 = arith.constant 48 : index
        %swap3A_460 = tpu.vector_load %arg17[%swap3A_459] {strides = array<i32>} : memref<144xi32, #tpu.memory_space<vmem>>, vector<16xi32>,
        tpu.vector_store %arg17[%swap3A_459], %mul3A_458 {strides = array<i32>} : memref<144xi32, #tpu.memory_space<vmem>>, vector<16xi32>,
        %mul3A_461 = arith.constant 128 : i32
        %mul3A_462 = arith.muli %add3A_379, %mul3A_461 : i32
        %add3A_463 = arith.constant 64 : i32
        %add3A_464 = arith.addi %mul3A_462, %add3A_463 : i32
        %get3A_465 = arith.index_cast %add3A_464 : i32 to index
        %get3A_466 = tpu.vector_load %arg5[%get3A_465] {strides = array<i32>} : memref<25600xi32, #tpu.memory_space<vmem>>, vector<16xi32>,
        %shift_right_logical3A_467 = arith.constant 1 : i32
        %shift_right_logical3A_468 = vector.broadcast %shift_right_logical3A_467 : i32 to vector<16xi32>
        %shift_right_logical3A_469 = arith.shrui %get3A_466, %shift_right_logical3A_468 : vector<16xi32>
        %swap3A_470 = arith.constant 64 : index
        %swap3A_471 = tpu.vector_load %arg13[%swap3A_470] {strides = array<i32>} : memref<128xi32, #tpu.memory_space<vmem>>, vector<16xi32>,
        tpu.vector_store %arg13[%swap3A_470], %shift_right_logical3A_469 {strides = array<i32>} : memref<128xi32, #tpu.memory_space<vmem>>, vector<16xi32>,
        %and3A_472 = arith.constant 1 : i32
        %and3A_473 = vector.broadcast %and3A_472 : i32 to vector<16xi32>
        %and3A_474 = arith.andi %get3A_466, %and3A_473 : vector<16xi32>
        %mul3A_475 = arith.constant 64 : i32
        %mul3A_476 = vector.broadcast %mul3A_475 : i32 to vector<16xi32>
        %mul3A_477 = arith.muli %and3A_474, %mul3A_476 : vector<16xi32>
        %swap3A_478 = arith.constant 64 : index
        %swap3A_479 = tpu.vector_load %arg17[%swap3A_478] {strides = array<i32>} : memref<144xi32, #tpu.memory_space<vmem>>, vector<16xi32>,
        tpu.vector_store %arg17[%swap3A_478], %mul3A_477 {strides = array<i32>} : memref<144xi32, #tpu.memory_space<vmem>>, vector<16xi32>,
        %mul3A_480 = arith.constant 128 : i32
        %mul3A_481 = arith.muli %add3A_379, %mul3A_480 : i32
        %add3A_482 = arith.constant 80 : i32
        %add3A_483 = arith.addi %mul3A_481, %add3A_482 : i32
        %get3A_484 = arith.index_cast %add3A_483 : i32 to index
        %get3A_485 = tpu.vector_load %arg5[%get3A_484] {strides = array<i32>} : memref<25600xi32, #tpu.memory_space<vmem>>, vector<16xi32>,
        %shift_right_logical3A_486 = arith.constant 1 : i32
        %shift_right_logical3A_487 = vector.broadcast %shift_right_logical3A_486 : i32 to vector<16xi32>
        %shift_right_logical3A_488 = arith.shrui %get3A_485, %shift_right_logical3A_487 : vector<16xi32>
        %swap3A_489 = arith.constant 80 : index
        %swap3A_490 = tpu.vector_load %arg13[%swap3A_489] {strides = array<i32>} : memref<128xi32, #tpu.memory_space<vmem>>, vector<16xi32>,
        tpu.vector_store %arg13[%swap3A_489], %shift_right_logical3A_488 {strides = array<i32>} : memref<128xi32, #tpu.memory_space<vmem>>, vector<16xi32>,
        %and3A_491 = arith.constant 1 : i32
        %and3A_492 = vector.broadcast %and3A_491 : i32 to vector<16xi32>
        %and3A_493 = arith.andi %get3A_485, %and3A_492 : vector<16xi32>
        %mul3A_494 = arith.constant 64 : i32
        %mul3A_495 = vector.broadcast %mul3A_494 : i32 to vector<16xi32>
        %mul3A_496 = arith.muli %and3A_493, %mul3A_495 : vector<16xi32>
        %swap3A_497 = arith.constant 80 : index
        %swap3A_498 = tpu.vector_load %arg17[%swap3A_497] {strides = array<i32>} : memref<144xi32, #tpu.memory_space<vmem>>, vector<16xi32>,
        tpu.vector_store %arg17[%swap3A_497], %mul3A_496 {strides = array<i32>} : memref<144xi32, #tpu.memory_space<vmem>>, vector<16xi32>,
        %mul3A_499 = arith.constant 128 : i32
        %mul3A_500 = arith.muli %add3A_379, %mul3A_499 : i32
        %add3A_501 = arith.constant 96 : i32
        %add3A_502 = arith.addi %mul3A_500, %add3A_501 : i32
        %get3A_503 = arith.index_cast %add3A_502 : i32 to index
        %get3A_504 = tpu.vector_load %arg5[%get3A_503] {strides = array<i32>} : memref<25600xi32, #tpu.memory_space<vmem>>, vector<16xi32>,
        %shift_right_logical3A_505 = arith.constant 1 : i32
        %shift_right_logical3A_506 = vector.broadcast %shift_right_logical3A_505 : i32 to vector<16xi32>
        %shift_right_logical3A_507 = arith.shrui %get3A_504, %shift_right_logical3A_506 : vector<16xi32>
        %swap3A_508 = arith.constant 96 : index
        %swap3A_509 = tpu.vector_load %arg13[%swap3A_508] {strides = array<i32>} : memref<128xi32, #tpu.memory_space<vmem>>, vector<16xi32>,
        tpu.vector_store %arg13[%swap3A_508], %shift_right_logical3A_507 {strides = array<i32>} : memref<128xi32, #tpu.memory_space<vmem>>, vector<16xi32>,
        %and3A_510 = arith.constant 1 : i32
        %and3A_511 = vector.broadcast %and3A_510 : i32 to vector<16xi32>
        %and3A_512 = arith.andi %get3A_504, %and3A_511 : vector<16xi32>
        %mul3A_513 = arith.constant 64 : i32
        %mul3A_514 = vector.broadcast %mul3A_513 : i32 to vector<16xi32>
        %mul3A_515 = arith.muli %and3A_512, %mul3A_514 : vector<16xi32>
        %swap3A_516 = arith.constant 96 : index
        %swap3A_517 = tpu.vector_load %arg17[%swap3A_516] {strides = array<i32>} : memref<144xi32, #tpu.memory_space<vmem>>, vector<16xi32>,
        tpu.vector_store %arg17[%swap3A_516], %mul3A_515 {strides = array<i32>} : memref<144xi32, #tpu.memory_space<vmem>>, vector<16xi32>,
        %mul3A_518 = arith.constant 128 : i32
        %mul3A_519 = arith.muli %add3A_379, %mul3A_518 : i32
        %add3A_520 = arith.constant 112 : i32
        %add3A_521 = arith.addi %mul3A_519, %add3A_520 : i32
        %get3A_522 = arith.index_cast %add3A_521 : i32 to index
        %get3A_523 = tpu.vector_load %arg5[%get3A_522] {strides = array<i32>} : memref<25600xi32, #tpu.memory_space<vmem>>, vector<16xi32>,
        %shift_right_logical3A_524 = arith.constant 1 : i32
        %shift_right_logical3A_525 = vector.broadcast %shift_right_logical3A_524 : i32 to vector<16xi32>
        %shift_right_logical3A_526 = arith.shrui %get3A_523, %shift_right_logical3A_525 : vector<16xi32>
        %swap3A_527 = arith.constant 112 : index
        %swap3A_528 = tpu.vector_load %arg13[%swap3A_527] {strides = array<i32>} : memref<128xi32, #tpu.memory_space<vmem>>, vector<16xi32>,
        tpu.vector_store %arg13[%swap3A_527], %shift_right_logical3A_526 {strides = array<i32>} : memref<128xi32, #tpu.memory_space<vmem>>, vector<16xi32>,
        %and3A_529 = arith.constant 1 : i32
        %and3A_530 = vector.broadcast %and3A_529 : i32 to vector<16xi32>
        %and3A_531 = arith.andi %get3A_523, %and3A_530 : vector<16xi32>
        %mul3A_532 = arith.constant 64 : i32
        %mul3A_533 = vector.broadcast %mul3A_532 : i32 to vector<16xi32>
        %mul3A_534 = arith.muli %and3A_531, %mul3A_533 : vector<16xi32>
        %swap3A_535 = arith.constant 112 : index
        %swap3A_536 = tpu.vector_load %arg17[%swap3A_535] {strides = array<i32>} : memref<144xi32, #tpu.memory_space<vmem>>, vector<16xi32>,
        tpu.vector_store %arg17[%swap3A_535], %mul3A_534 {strides = array<i32>} : memref<144xi32, #tpu.memory_space<vmem>>, vector<16xi32>,
        %dma_start3A_537 = arith.constant 0 : i32
        %dma_start3A_538 = arith.constant 0 : i32
        %dma_start3A_539 = tpu.memref_slice %arg2[%dma_start3A_537, %dma_start3A_538] : memref<500000x128xf32, #tpu.memory_space<hbm>> -> memref<500000x128xf32, #tpu.memory_space<hbm>>
        tpu.enqueue_indirect_dma source(%dma_start3A_539 : memref<500000x128xf32, #tpu.memory_space<hbm>>) target(%arg7 : memref<128x128xf32, #tpu.memory_space<vmem>>) offsets(%arg13 : memref<128xi32, #tpu.memory_space<vmem>>) semaphore(%arg21 : memref<!tpu.dma_semaphore, #tpu.memory_space<semaphore_mem>>)
      } else {
      }
    }
    %scan3A_248 = arith.constant 50 : i32
    %add3A_249 = arith.constant 25344 : i32
    %add3A_250 = arith.addi %mul3A_2, %add3A_249 : i32
    %dma_wait3A = arith.constant 0 : i32
    %dma_wait3A_251 = tpu.memref_slice %arg4[%add3A_250, %dma_wait3A] : memref<819200x64xf32, #tpu.memory_space<hbm>> -> memref<128x64xf32, #tpu.memory_space<hbm>>
    %dma_wait3A_252 = arith.constant 0 : i32
    %dma_wait3A_253 = tpu.memref_slice %arg4[%add3A_250, %dma_wait3A_252] : memref<819200x64xf32, #tpu.memory_space<hbm>> -> memref<128x64xf32, #tpu.memory_space<hbm>>
    tpu.wait_dma2 semaphore(%arg24 : memref<!tpu.dma_semaphore, #tpu.memory_space<semaphore_mem>>) src(%arg10 : memref<128x64xf32, #tpu.memory_space<vmem>>) dst(%dma_wait3A_253 : memref<128x64xf32, #tpu.memory_space<hbm>>)
    %add3A_254 = arith.constant 25472 : i32
    %add3A_255 = arith.addi %mul3A_2, %add3A_254 : i32
    %dma_wait3A_256 = arith.constant 0 : i32
    %dma_wait3A_257 = tpu.memref_slice %arg4[%add3A_255, %dma_wait3A_256] : memref<819200x64xf32, #tpu.memory_space<hbm>> -> memref<128x64xf32, #tpu.memory_space<hbm>>
    %dma_wait3A_258 = arith.constant 0 : i32
    %dma_wait3A_259 = tpu.memref_slice %arg4[%add3A_255, %dma_wait3A_258] : memref<819200x64xf32, #tpu.memory_space<hbm>> -> memref<128x64xf32, #tpu.memory_space<hbm>>
    tpu.wait_dma2 semaphore(%arg25 : memref<!tpu.dma_semaphore, #tpu.memory_space<semaphore_mem>>) src(%arg11 : memref<128x64xf32, #tpu.memory_space<vmem>>) dst(%dma_wait3A_259 : memref<128x64xf32, #tpu.memory_space<hbm>>)
    return
  }
}

</mosaic_0001>

<sc_bundles>
// kernel: kernel.3.cloned.1.call-start
scs
__scs_entry_jumppad:
0x0: {  	(pc) =	sbr.rel $0x88, $3  }
0x1: {  	(tag) =	ssettag $0x0;
	lr =	simm.s32 $0x1  }
0x2: {  	[smem:$0x3F9F] =	sst lr;
	_ =	strace $0xD0000000  }
0x3: {  	_ = 	snop  }
0x4: {  	_ = 	snop  }
0x5: {  	_ = 	snop  }
0x6: {  	_ = 	snop  }
0x7: {  	_ = 	snop  }
__scs_overlays_trampoline_lowered:
0x8: {  	[smem:$0x3FAE] =	sst s0  }
0x9: {  	[smem:$0x3FAF] =	sst s1  }
0xa: {  	[smem:$0x3FB0] =	sst s2  }
0xb: {  	[smem:$0x3FB1] =	sst s3  }
0xc: {  	[smem:$0x3FB2] =	sst s4  }
0xd: {  	[smem:$0x3FB3] =	sst s5  }
0xe: {  	[smem:$0x3FB4] =	sst s6  }
0xf: {  	[smem:$0x3FB5] =	sst s7  }
0x10: {  	[smem:$0x3FB6] =	sst s8  }
0x11: {  	[smem:$0x3FB7] =	sst s9;
	s0 =	simm.s32 @!p0 $0x0  }
0x12: {  	s1 =	sld [smem:$0x3F9D];
	s0 =	simm.s32 @p0 $0x1  }
0x13: {  	[smem:$0x3FB8] =	sst s0;
	s0 =	simm.s32 @!p1 $0x0  }
0x14: {  	s2 =	sld [smem:$0x3F9C];
	s0 =	simm.s32 @p1 $0x1  }
0x15: {  	[smem:$0x3FB9] =	sst s0;
	s0 =	simm.s32 @!p2 $0x0  }
0x16: {  	s3 =	sld [smem:$0x3FDB];
	s0 =	simm.s32 @p2 $0x1  }
0x17: {  	s4 =	simm.s32 $0x1BF5;
	[smem:$0x3FBB] =	sst s0  }
0x18: {  	s0 =	sld [smem:$0x3F9E];
	_ =	swait.ge [sflag:s4], $0x0  }
0x19: {  	s7 =	sld [smem:$0x3F9F]  }
0x1a: {  	s8 =	sadd.s32 $0xFFFFE003, lr  }
0x1b: {  	s9 =	sadd.s32 $0xFFFFFEF7, lr;
	s5 =	simm.s32 $0xFFFFFFFF;
	p2 =	slt.u32 s8, $0xFFFFF086  }
0x1c: {  	p1 =	slt.u32 s9, $0xF7A;
	s5 =	simm.s32 @!p2 $0x0  }
0x1d: {  	s5 =	simm.s32 @p1 $0x1;
	p0 =	seq.s32 s7, s2  }
0x1e: {  	s7 =	smul.u32 @!p0 $0xF7A, s2;
	p2 =	seq.s32 @!p0 s5, $0x0  }
0x1f: {  	s9 =	smul.u32 $0xF7A, s1;
	s8 =	simm.s32 @!p0 $0x1BF5;
	p2 =	por !p2, p0  }
0x20: {  	[sflag:s8] =	ssyncset.s32 @!p0 $0xFFFFF086;
	s6 =	sadd.s32 @!p0 s3, s7;
	s7 =	simm.s32 @!p0 $0x108  }
0x21: {  	s3 =	sadd.s32 s3, s9;
	s6 =	sadd.s32 @!p0 $0x88, s6;
	s7 =	simm.s32 @p2 $0x1082  }
0x22: {  	[simem:s7], [sflag:s8] =	dma.local @!p0 [hbm:s6], $0xF7A  }
0x23: {  	s9 =	sor.u32 $0xD0000000, s2;
	s6 =	simm.s32 $0x108;
	_ =	swait.ge @!p0 [sflag:s8], $0x0  }
0x24: {  	s3 =	sadd.s32 $0x88, s3;
	s6 =	simm.s32 @!p1 $0x1082;
	[sflag:s4] =	ssyncset.s32 $0xFFFFF086  }
0x25: {  	[simem:s6], [sflag:s4] =	dma.local [hbm:s3], $0xF7A  }
0x26: {  	[smem:$0x3F9F] =	sst s1;
	(tag) =	ssettag s2;
	_ =	strace s9  }
0x27: {  	s1 =	sld [smem:$0x3FAF]  }
0x28: {  	s2 =	sld [smem:$0x3FB0]  }
0x29: {  	s4 =	sld [smem:$0x3FB2]  }
0x2a: {  	p0 =	seq.s32 s5, $0x0;
	s5 =	sld [smem:$0x3FB3]  }
0x2b: {  	s6 =	sld [smem:$0x3FB4]  }
0x2c: {  	s7 =	sld [smem:$0x3FB5]  }
0x2d: {  	s3 =	simm.s32 $0x108;
	s8 =	sld [smem:$0x3FB6]  }
0x2e: {  	s3 =	simm.s32 @!p0 $0x1082;
	s9 =	sld [smem:$0x3FB7]  }
0x2f: {  	lr =	sadd.s32 s0, s3;
	s0 =	sld [smem:$0x3FAE]  }
0x30: {  	s3 =	sld [smem:$0x3FB1]  }
0x31: {  	[smem:$0x3FBA] =	sst s10  }
0x32: {  	s10 =	sld [smem:$0x3FB8];
	_ =	sdelay $0x3  }
0x33: {  	p0 =	seq.s32 s10, $0x1;
	s10 =	sld [smem:$0x3FBA];
	_ =	sdelay $0x3  }
0x34: {  	[smem:$0x3FBA] =	sst s10  }
0x35: {  	s10 =	sld [smem:$0x3FB9];
	_ =	sdelay $0x3  }
0x36: {  	p1 =	seq.s32 s10, $0x1;
	s10 =	sld [smem:$0x3FBA];
	_ =	sdelay $0x3  }
0x37: {  	[smem:$0x3FBA] =	sst s10  }
0x38: {  	s10 =	sld [smem:$0x3FBB]  }
0x39: {  	_ = 	snop;
	(pc) =	sbr.ind lr, $3  }
0x3a: {  	_ = 	snop  }
0x3b: {  	_ = 	snop  }
0x3c: {  	p2 =	seq.s32 s10, $0x1;
	s10 =	sld [smem:$0x3FBA]  }
0x3d: {  	_ =	shalt  }
0x3e: {  	_ =	shalt  }
0x3f: {  	_ =	shalt  }
0x40: {  	_ =	shalt  }
0x41: {  	_ =	shalt  }
0x42: {  	_ =	shalt  }
0x43: {  	_ =	shalt  }
0x44: {  	_ =	shalt  }
0x45: {  	_ =	shalt  }
0x46: {  	_ =	shalt  }
0x47: {  	_ =	shalt  }
0x48: {  	_ =	shalt  }
0x49: {  	_ =	shalt  }
0x4a: {  	_ =	shalt  }
0x4b: {  	_ =	shalt  }
0x4c: {  	_ =	shalt  }
0x4d: {  	_ =	shalt  }
0x4e: {  	_ =	shalt  }
0x4f: {  	_ =	shalt  }
0x50: {  	_ =	shalt  }
0x51: {  	_ =	shalt  }
0x52: {  	_ =	shalt  }
0x53: {  	_ =	shalt  }
0x54: {  	_ =	shalt  }
0x55: {  	_ =	shalt  }
0x56: {  	_ =	shalt  }
0x57: {  	_ =	shalt  }
0x58: {  	_ =	shalt  }
0x59: {  	_ =	shalt  }
0x5a: {  	_ =	shalt  }
0x5b: {  	_ =	shalt  }
0x5c: {  	_ =	shalt  }
0x5d: {  	_ =	shalt  }
0x5e: {  	_ =	shalt  }
0x5f: {  	_ =	shalt  }
0x60: {  	_ =	shalt  }
0x61: {  	_ =	shalt  }
0x62: {  	_ =	shalt  }
0x63: {  	_ =	shalt  }
0x64: {  	_ =	shalt  }
0x65: {  	_ =	shalt  }
0x66: {  	_ =	shalt  }
0x67: {  	_ =	shalt  }
0x68: {  	_ =	shalt  }
0x69: {  	_ =	shalt  }
0x6a: {  	_ =	shalt  }
0x6b: {  	_ =	shalt  }
0x6c: {  	_ =	shalt  }
0x6d: {  	_ =	shalt  }
0x6e: {  	_ =	shalt  }
0x6f: {  	_ =	shalt  }
0x70: {  	_ =	shalt  }
0x71: {  	_ =	shalt  }
0x72: {  	_ =	shalt  }
0x73: {  	_ =	shalt  }
0x74: {  	_ =	shalt  }
0x75: {  	_ =	shalt  }
0x76: {  	_ =	shalt  }
0x77: {  	_ =	shalt  }
0x78: {  	_ =	shalt  }
0x79: {  	_ =	shalt  }
0x7a: {  	_ =	shalt  }
0x7b: {  	_ =	shalt  }
0x7c: {  	_ =	shalt  }
0x7d: {  	_ =	shalt  }
0x7e: {  	_ =	shalt  }
0x7f: {  	_ =	shalt  }
0x80: {  	_ =	shalt  }
0x81: {  	_ =	shalt  }
0x82: {  	_ =	shalt  }
0x83: {  	_ =	shalt  }
0x84: {  	_ =	shalt  }
0x85: {  	_ =	shalt  }
0x86: {  	_ =	shalt  }
0x87: {  	_ =	shalt  }
.Lfunc_end0:
.L_simem_size_0:
called_computation.1_lowered:
.L_overlay_start_0:
0x88: {  	s2 =	sld [smem:$0x3FD9]  }
0x89: {  	s3 =	sld [smem:$0x3FFE];
	_ =	sdelay $0x1  }
0x8a: {  	s1 =	srdreg.scid  }
0x8b: {  	s0 =	sand.u32 $0x1, s1  }
0x8c: {  	s17 =	sshll.u32 s0, $0xA;
	s2 =	sadd.s32 s3, s2  }
0x8d: {  	s2 =	sadd.s32 s2, s17  }
0x8e: {  	[smem:$0x3FC6] =	sst s2  }
0x8f: {  	_ = 	snop  }
0x90: {  	s2 =	sld [smem:$0x3FD0];
	(tm) =	ssettm $0x1  }
0x91: {  	s18 =	sld [smem:$0x3FFB];
	_ =	sdelay $0x3  }
0x92: {  	_ =	strace s18  }
0x93: {  	s3 =	sld [smem:$0x3FFC];
	_ =	sdelay $0x3  }
0x94: {  	_ =	strace s3  }
0x95: {  	s3 =	sld [smem:$0x3FFD];
	_ =	sdelay $0x3  }
0x96: {  	_ =	strace s3  }
0x97: {  	_ =	strace $0x8FFFFFFF  }
0x98: {  	s19 =	sld [smem:$0x3FDB];
	_ =	sdelay $0x1  }
0x99: {  	s4 =	simm.s32 $_scs_section_size  }
0x9a: {  	s5 =	simm.s32 $_size__tile_overlayer_lowered;
	s6 =	simm.s32 $_tile_overlayer_lowered  }
0x9b: {  	s22 =	simm.s32 $0x1BFF;
	s21 =	sshll.u32 s6, $0x1;
	s3 =	sadd.s32 s4, s19  }
0x9c: {  	s7 =	simm.s32 $0x0;
	s20 =	sshll.u32 s5, $0x1;
	s5 =	sadd.s32 s21, s3  }
0x9d: {  	[timem:s7], [sflag:s22] =	dma.local [hbm:s5], s20  }
0x9e: {  	_ =	swait.ge [sflag:s22], s20  }
0x9f: {  	s4 =	ssub.s32 $0x0, s20;
	[sflag:s22] =	ssyncset.done $0x0  }
0xa0: {  	[sflag:s22] =	ssyncadd.s32 s4;
	_ =	sdelay $0x1  }
0xa1: {  	s23 =	simm.s32 $0x1B8B  }
0xa2: {  	_ =	swait.ge [sflag:s23], $0x1  }
0xa3: {  	[sflag:s23] =	ssyncset.done $0x0  }
0xa4: {  	s25 =	simm.s32 $0x1B8E;
	s24 =	sld [smem:$0x3FFE];
	[sflag:s23] =	ssyncadd.s32 $0xFFFFFFFF  }
0xa5: {  	s26 =	simm.s32 $execute0_lowered;
	[smem:$0x3FD2] =	sst s25  }
0xa6: {  	s5 =	sshll.u32 s26, $0x1;
	_ =	strace $0x80000046;
	[dreg:$0x1] =	wrdreg $0xFFFFFFFF  }
0xa7: {  	s28 =	simm.s32 $_size_execute0_lowered;
	s3 =	sadd.s32 s3, s5;
	[dreg:$0x0] =	wrdreg $0x0  }
0xa8: {  	s5 =	sshll.u32 s28, $0x1;
	[dreg:$0x2] =	wrdreg s3  }
0xa9: {  	[dreg:$0x3] =	wrdreg s5  }
0xaa: {  	[dreg:$0x4] =	wrdreg $0xC0  }
0xab: {  	_ =	task [dreg:s7], $0x5FFFF  }
0xac: {  	[dreg:$0x1] =	wrdreg $0xFFFFFFFF  }
0xad: {  	[dreg:$0x0] =	wrdreg $0x60  }
0xae: {  	[dreg:$0x2] =	wrdreg s24  }
0xaf: {  	[dreg:$0x3] =	wrdreg s2  }
0xb0: {  	[dreg:$0x4] =	wrdreg $0x9  }
0xb1: {  	_ =	task.clear_ibuf [dreg:s7], $0x5FFFF;
	_ =	strace $0x90000046  }
0xb2: {  	s29 =	simm.s32 $0x9;
	_ =	strace $0x80000048  }
0xb3: {  	_ =	swait.ge [sflag:s29], $0x1  }
0xb4: {  	[sflag:s29] =	ssyncadd.s32 $0xFFFFFFFF  }
0xb5: {  	_ =	strace $0x90000048  }
0xb6: {  	_ =	sfence  }
0xb7: {  	s30 =	sld [smem:$0x0];
	_ =	sdelay $0x2  }
0xb8: {  	s31 =	sshll.u32 s1, $0xD;
	s1 =	sshrl.u32 s1, $0x2  }
0xb9: {  	s3 =	sand.u32 $0x4000, s31;
	s1 =	sadd.s32 s1, s30  }
0xba: {  	s0 =	sor.u32 s3, s0;
	s1 =	sshll.u32 s1, $0x11  }
0xbb: {  	s0 =	sor.u32 s1, s0  }
0xbc: {  	s0 =	sadd.s32 $0x8F2B, s0  }
0xbd: {  	[sflag:s0] =	ssyncadd.remote.s32 $0x1  }
0xbe: {  	_ =	sfence.sel $0xFFFF  }
0xbf: {  	[dreg:$0x0] =	wrdreg $0xFFFFFFFF;
	(pc) =	sbr.abs _section_cstart, $3  }
0xc0: {  	[dreg:$0x1] =	wrdreg $0xFFFFFFFF  }
0xc1: {  	_ =	task.clear_ibuf [dreg:s7], $0x2FFFF;
	_ =	strace $0x9FFFFFFF  }
0xc2: {  	(tm) =	ssettm $0x7FFFFFFF  }
0xc3: {  	_ =	shalt  }
tec
execute0_lowered:
.L_overlay_start_1:
0x0: {  	(tag) =	ssettag $0x1  }
0x1: {  	s0 =	rddreg [dreg:$0x0]  }
0x2: {  	s1 =	srdreg.scid;
	s2 =	stileid.u32  }
0x3: {  	s5 =	rddreg [dreg:$0x1];
	s10 =	simm.s32 $0x80;
	s15 =	simm.s32 $0x1  }
0x4: {  	s16 =	simm.s32 $0x16400;
	s17 =	simm.s32 $0x1E500;
	s18 =	simm.s32 $0xE400  }
0x5: {  	s19 =	simm.s32 $0x2;
	s20 =	simm.s32 $0x1A400;
	s21 =	simm.s32 $0x1E580  }
0x6: {  	s22 =	simm.s32 $0x12400;
	s23 =	simm.s32 $0x3;
	s24 =	simm.s32 $0x5  }
0x7: {  	s25 =	simm.s32 $0x4;
	s1 =	sand.u32 $0x1, s1;
	s3 =	sshll.u32 s2, $0x1  }
0x8: {  	s26 =	simm.s32 $0x6;
	s2 =	simm.s32 $0x0;
	s6 =	sor.u32 s1, s3  }
0x9: {  	s4 =	sadd.s32 $0xA00, s0;
	[smem:$0x7FF] =	sst s2;
	s7 =	smul.u32 $0xC80, s6  }
.Ltmp0:
0xa: {  	s1 =	ssub.s32 $0x2, s1;
	s3 =	sadd.s32 $0xF42E00, s0;
	(pc) =	sbr.rel .LBB2_1-.Ltmp0, $4  }
0xb: {  	_ =	strace $0x80000047;
	s8 =	sshrl.u32 s1, $0x1;
	s9 =	smul.u32 $0x64000, s6  }
0xc: {  	s6 =	smul.u32 $0x320000, s6;
	s29 =	ssub.s32 s1, s8;
	s30 =	sadd.s32 s5, s7  }
0xd: {  	s31 =	sadd.s32 s9, s4;
	s0 =	smax.u32 s29, $0x1;
	[dreg:$0x3] =	wrdreg s30  }
0xe: {  	s1 =	simm.s32 $0x0;
	[dreg:$0x4] =	wrdreg s0;
	s8 =	sadd.s32 $0x800, s31  }
.LBB2_12:
0xf: {  	_ =	swait.ge [sflag:s24], $0x4000  }
0x10: {  	[sflag:s24] =	ssyncset.done $0x0  }
0x11: {  	[sflag:s24] =	ssyncadd.s32 $0xFFFFC000  }
0x12: {  	_ =	swait.ge [sflag:s26], $0x4000  }
0x13: {  	s1 =	rddreg [dreg:$0x5]  }
0x14: {  	s0 =	rddreg [dreg:$0x4];
	s1 =	sadd.s32 $0x1, s1  }
0x15: {  	p0 =	sne.s32 s1, s0  }
.Ltmp1:
0x16: {  	_ = 	snop;
	(pc) =	sbr.rel @!p0 .LBB2_13-.Ltmp1, $3  }
0x17: {  	_ =	sdelay $0x1  }
0x18: {  	[sflag:s26] =	ssyncset.done $0x0  }
0x19: {  	[sflag:s26] =	ssyncadd.s32 $0xFFFFC000  }
.LBB2_1:
0x1a: {  	[dreg:$0x5] =	wrdreg s1  }
0x1b: {  	s0 =	rddreg [dreg:$0x3];
	s13 =	simm.s32 $0x7  }
0x1c: {  	[tilespmem:s2], [sflag:$0x7] =	stream.linear.gather [hbm4b:s0+s2], $0x6400, $0x38;
	[tilespmem:$0x1EA00] =	vst v63  }
0x1d: {  	_ =	swait.ge [sflag:s13], $0x6400  }
0x1e: {  	[sflag:s13] =	ssyncset.done $0x0  }
0x1f: {  	[sflag:s13] =	ssyncadd.s32 $0xFFFF9C00  }
0x20: {  	v0 =	vld [tilespmem:$0x0]  }
0x21: {  	v1 =	vld [tilespmem:$0x10]  }
0x22: {  	v2 =	vld [tilespmem:$0x20]  }
0x23: {  	v20 =	vld [tilespmem:$0x30]  }
0x24: {  	v23 =	vld [tilespmem:$0x40]  }
0x25: {  	v26 =	vld [tilespmem:$0x50];
	v3 =	vshrl.u32 v0, $0x1  }
0x26: {  	v29 =	vld [tilespmem:$0x60];
	v21 =	vshrl.u32 v1, $0x1;
	[tilespmem:$0x1E400] =	vst v3  }
0x27: {  	v32 =	vld [tilespmem:$0x70];
	v24 =	vshrl.u32 v2, $0x1;
	[tilespmem:$0x1E410] =	vst v21  }
0x28: {  	v27 =	vshrl.u32 v20, $0x1;
	[tilespmem:$0x1E420] =	vst v24  }
0x29: {  	v30 =	vshrl.u32 v23, $0x1;
	[tilespmem:$0x1E430] =	vst v27  }
0x2a: {  	v33 =	vshrl.u32 v26, $0x1;
	[tilespmem:$0x1E440] =	vst v30  }
0x2b: {  	v35 =	vshrl.u32 v29, $0x1;
	[tilespmem:$0x1E450] =	vst v33  }
0x2c: {  	v0 =	vshll.u32 v0, $0x6;
	v38 =	vshrl.u32 v32, $0x1;
	[tilespmem:$0x1E460] =	vst v35  }
0x2d: {  	v1 =	vshll.u32 v1, $0x6;
	v0 =	vand.u32 $0x40, v0;
	[tilespmem:$0x1E470] =	vst v38  }
0x2e: {  	v2 =	vshll.u32 v2, $0x6;
	v22 =	vand.u32 $0x40, v1;
	[tilespmem:$0x1E600] =	vst v0  }
0x2f: {  	v36 =	vshll.u32 v29, $0x6;
	v25 =	vand.u32 $0x40, v2;
	[tilespmem:$0x1E610] =	vst v22  }
0x30: {  	v3 =	vshll.u32 v20, $0x6;
	v37 =	vand.u32 $0x40, v36;
	[tilespmem:$0x1E620] =	vst v25  }
0x31: {  	v1 =	vshll.u32 v23, $0x6;
	v28 =	vand.u32 $0x40, v3;
	[tilespmem:$0x1E660] =	vst v37  }
0x32: {  	v2 =	vshll.u32 v26, $0x6;
	v31 =	vand.u32 $0x40, v1;
	[tilespmem:$0x1E630] =	vst v28  }
0x33: {  	v34 =	vand.u32 $0x40, v2;
	v1 =	vshll.u32 v32, $0x6;
	[tilespmem:$0x1E640] =	vst v31  }
0x34: {  	[tilespmem:$0x1E650] =	vst v34;
	v39 =	vand.u32 $0x40, v1  }
0x35: {  	s14 =	simm.s32 $0x1E400;
	s28 =	simm.s32 $0x6400;
	[tilespmem:$0x1E670] =	vst v39  }
0x36: {  	[tilespmem:s28], [sflag:$0x1] =	stream.indirect.gather [hbm4b:s3+s10], $0x80, s14, s10, $0xb8;
	[tilespmem:$0x1EA00] =	vst v63  }
0x37: {  	v40 =	vld [tilespmem:$0x80]  }
0x38: {  	v41 =	vld [tilespmem:$0x90]  }
0x39: {  	v42 =	vld [tilespmem:$0xA0]  }
0x3a: {  	v44 =	vld [tilespmem:$0xB0]  }
0x3b: {  	v47 =	vld [tilespmem:$0xC0]  }
0x3c: {  	v50 =	vld [tilespmem:$0xD0];
	v43 =	vshrl.u32 v40, $0x1  }
0x3d: {  	v53 =	vld [tilespmem:$0xE0];
	v45 =	vshrl.u32 v41, $0x1;
	[tilespmem:$0x1E480] =	vst v43  }
0x3e: {  	v56 =	vld [tilespmem:$0xF0];
	v48 =	vshrl.u32 v42, $0x1;
	[tilespmem:$0x1E490] =	vst v45  }
0x3f: {  	v51 =	vshrl.u32 v44, $0x1;
	[tilespmem:$0x1E4A0] =	vst v48  }
0x40: {  	v54 =	vshrl.u32 v47, $0x1;
	[tilespmem:$0x1E4B0] =	vst v51  }
0x41: {  	v57 =	vshrl.u32 v50, $0x1;
	[tilespmem:$0x1E4C0] =	vst v54  }
0x42: {  	v59 =	vshrl.u32 v53, $0x1;
	[tilespmem:$0x1E4D0] =	vst v57  }
0x43: {  	v0 =	vshll.u32 v40, $0x6;
	v62 =	vshrl.u32 v56, $0x1;
	[tilespmem:$0x1E4E0] =	vst v59  }
0x44: {  	v1 =	vshll.u32 v41, $0x6;
	v0 =	vand.u32 $0x40, v0;
	[tilespmem:$0x1E4F0] =	vst v62  }
0x45: {  	v2 =	vshll.u32 v42, $0x6;
	v46 =	vand.u32 $0x40, v1;
	[tilespmem:$0x1E700] =	vst v0  }
0x46: {  	v3 =	vshll.u32 v44, $0x6;
	v49 =	vand.u32 $0x40, v2;
	[tilespmem:$0x1E710] =	vst v46  }
0x47: {  	v60 =	vshll.u32 v53, $0x6;
	v52 =	vand.u32 $0x40, v3;
	[tilespmem:$0x1E720] =	vst v49  }
0x48: {  	v1 =	vshll.u32 v47, $0x6;
	v61 =	vand.u32 $0x40, v60;
	[tilespmem:$0x1E730] =	vst v52  }
0x49: {  	v2 =	vshll.u32 v50, $0x6;
	v55 =	vand.u32 $0x40, v1;
	[tilespmem:$0x1E760] =	vst v61  }
0x4a: {  	v58 =	vand.u32 $0x40, v2;
	v1 =	vshll.u32 v56, $0x6;
	[tilespmem:$0x1E740] =	vst v55  }
0x4b: {  	[tilespmem:$0x1E750] =	vst v58;
	v63 =	vand.u32 $0x40, v1  }
0x4c: {  	s30 =	simm.s32 $0x1E480;
	s31 =	simm.s32 $0xA400;
	s29 =	simm.s32 $0x0;
	[tilespmem:$0x1E770] =	vst v63  }
0x4d: {  	[tilespmem:s31], [sflag:$0x2] =	stream.indirect.gather [hbm4b:s3+s10], $0x80, s30, s10, $0xb8;
	[tilespmem:$0x1EA00] =	vst v63  }
.LBB2_2:
0x4e: {  	_ =	swait.ge [sflag:s15], $0x4000  }
0x4f: {  	p0 =	seq.s32 s29, $0x0;
	[sflag:s15] =	ssyncset.done $0x0  }
0x50: {  	s0 =	simm.s32 @!p0 $0x5;
	[sflag:s15] =	ssyncadd.s32 $0xFFFFC000  }
0x51: {  	_ =	swait.ge @!p0 [sflag:s0], $0x4000  }
0x52: {  	[sflag:s0] =	ssyncset.done @!p0 $0x0  }
0x53: {  	s1 =	simm.s32 $0x1E601;
	[sflag:s0] =	ssyncadd.s32 @!p0 $0xFFFFC000  }
0x54: {  	v0 =	vld [tilespmem:s1+$0xFFFFFFFF];
	_ =	sdelay $0x4  }
0x55: {  	(v2sf) =	vpush v0, $0x0;
	_ =	sdelay $0xe  }
0x56: {  	s11 =	spop (v2sf)  }
0x57: {  	s9 =	sand.u32 $0x7F, s11;
	s12 =	sshll.u32 s11, $0x2  }
0x58: {  	s12 =	sand.u32 $0xFFFFFE00, s12;
	s0 =	sshll.u32 s9, $0x2  }
0x59: {  	s0 =	sor.u32 s0, s12  }
0x5a: {  	s0 =	sshra.s32 s0, $0x2  }
0x5b: {  	s0 =	sadd.s32 $0x0, s0  }
0x5c: {  	v0 =	vld [tilespmem:s0+$0x6400];
	_ =	sdelay $0x1  }
0x5d: {  	s13 =	sadd.s32 $0x10, s11  }
0x5e: {  	s14 =	sand.u32 $0x7F, s13;
	s0 =	sshll.u32 s13, $0x2  }
0x5f: {  	s12 =	sshll.u32 s14, $0x2;
	s0 =	sand.u32 $0xFFFFFE00, s0  }
0x60: {  	s12 =	sor.u32 s12, s0;
	v0 =	vmul.f32 $8.000000000e+00, v0  }
0x61: {  	s0 =	simm.s32 $0x0;
	s12 =	sshra.s32 s12, $0x2  }
0x62: {  	s12 =	sadd.s32 $0x0, s12;
	[tilespmem:s0+$0x16400] =	vst v0  }
0x63: {  	v0 =	vld [tilespmem:s12+$0x6400];
	_ =	sdelay $0x1  }
0x64: {  	s28 =	sadd.s32 $0x20, s11  }
0x65: {  	s30 =	sand.u32 $0x7F, s28;
	s12 =	sshll.u32 s28, $0x2  }
0x66: {  	s30 =	sshll.u32 s30, $0x2;
	s12 =	sand.u32 $0xFFFFFE00, s12  }
0x67: {  	s12 =	sor.u32 s30, s12;
	v0 =	vmul.f32 $8.000000000e+00, v0  }
0x68: {  	s12 =	sshra.s32 s12, $0x2  }
0x69: {  	s12 =	sadd.s32 $0x0, s12;
	[tilespmem:s0+$0x16410] =	vst v0  }
0x6a: {  	v0 =	vld [tilespmem:s12+$0x6400];
	_ =	sdelay $0x1  }
0x6b: {  	s11 =	sadd.s32 $0x30, s11  }
0x6c: {  	s5 =	sand.u32 $0x7F, s11;
	s11 =	sshll.u32 s11, $0x2  }
0x6d: {  	s11 =	sand.u32 $0xFFFFFE00, s11;
	s12 =	sshll.u32 s5, $0x2  }
0x6e: {  	s11 =	sor.u32 s12, s11;
	v0 =	vmul.f32 $8.000000000e+00, v0  }
0x6f: {  	s11 =	sshra.s32 s11, $0x2  }
0x70: {  	s11 =	sadd.s32 $0x0, s11;
	[tilespmem:s0+$0x16420] =	vst v0  }
0x71: {  	v0 =	vld [tilespmem:s11+$0x6400];
	_ =	sdelay $0x4  }
0x72: {  	v0 =	vmul.f32 $8.000000000e+00, v0;
	_ =	sdelay $0x1  }
0x73: {  	[tilespmem:s0+$0x16430] =	vst v0  }
0x74: {  	v0 =	vld [tilespmem:s1+$0x0];
	_ =	sdelay $0x4  }
0x75: {  	(v2sf) =	vpush v0, $0x0;
	_ =	sdelay $0xe  }
0x76: {  	s7 =	spop (v2sf)  }
0x77: {  	s9 =	sand.u32 $0x7F, s7;
	s30 =	sshll.u32 s7, $0x2  }
0x78: {  	s30 =	sand.u32 $0xFFFFFE00, s30;
	s12 =	sshll.u32 s9, $0x2  }
0x79: {  	s12 =	sor.u32 s12, s30  }
0x7a: {  	s12 =	sshra.s32 s12, $0x2  }
0x7b: {  	s12 =	sadd.s32 $0x0, s12  }
0x7c: {  	v0 =	vld [tilespmem:s12+$0x6480];
	_ =	sdelay $0x1  }
0x7d: {  	s13 =	sadd.s32 $0x10, s7  }
0x7e: {  	s30 =	sand.u32 $0x7F, s13;
	s12 =	sshll.u32 s13, $0x2  }
0x7f: {  	s30 =	sshll.u32 s30, $0x2;
	s12 =	sand.u32 $0xFFFFFE00, s12  }
0x80: {  	s12 =	sor.u32 s30, s12;
	v0 =	vmul.f32 $8.000000000e+00, v0  }
0x81: {  	s12 =	sshra.s32 s12, $0x2  }
0x82: {  	s12 =	sadd.s32 $0x0, s12;
	[tilespmem:s0+$0x16480] =	vst v0  }
0x83: {  	v0 =	vld [tilespmem:s12+$0x6480];
	_ =	sdelay $0x1  }
0x84: {  	s14 =	sadd.s32 $0x20, s7  }
0x85: {  	s30 =	sand.u32 $0x7F, s14;
	s12 =	sshll.u32 s14, $0x2  }
0x86: {  	s30 =	sshll.u32 s30, $0x2;
	s12 =	sand.u32 $0xFFFFFE00, s12  }
0x87: {  	s12 =	sor.u32 s30, s12;
	v0 =	vmul.f32 $8.000000000e+00, v0  }
0x88: {  	s12 =	sshra.s32 s12, $0x2  }
0x89: {  	s12 =	sadd.s32 $0x0, s12;
	[tilespmem:s0+$0x16490] =	vst v0  }
0x8a: {  	v0 =	vld [tilespmem:s12+$0x6480];
	_ =	sdelay $0x1  }
0x8b: {  	s11 =	sadd.s32 $0x30, s7  }
0x8c: {  	s28 =	sand.u32 $0x7F, s11;
	s11 =	sshll.u32 s11, $0x2  }
0x8d: {  	s11 =	sand.u32 $0xFFFFFE00, s11;
	s12 =	sshll.u32 s28, $0x2  }
0x8e: {  	s11 =	sor.u32 s12, s11;
	v0 =	vmul.f32 $8.000000000e+00, v0  }
0x8f: {  	s11 =	sshra.s32 s11, $0x2  }
0x90: {  	s11 =	sadd.s32 $0x0, s11;
	[tilespmem:s0+$0x164A0] =	vst v0  }
0x91: {  	v0 =	vld [tilespmem:s11+$0x6480];
	_ =	sdelay $0x4  }
0x92: {  	s31 =	simm.s32 $0x0;
	s30 =	sshll.u32 s29, $0x2;
	s11 =	simm.s32 $0x0;
	v0 =	vmul.f32 $8.000000000e+00, v0  }
.LBB2_3:
0x93: {  	_ = 	snop  }
0x94: {  	s31 =	sadd.s32 $0x2, s31;
	s11 =	sadd.s32 $0x400, s11;
	s1 =	sadd.s32 $0x2, s1;
	[tilespmem:s0+$0x164B0] =	vst v0  }
0x95: {  	p1 =	slt.u32 s31, $0x7E;
	v0 =	vld [tilespmem:s1+$0xFFFFFFFF];
	_ =	sdelay $0x4  }
0x96: {  	(v2sf) =	vpush v0, $0x0;
	_ =	sdelay $0xe  }
0x97: {  	s0 =	sshra.s32 s11, $0x2;
	s12 =	spop (v2sf)  }
0x98: {  	s5 =	sand.u32 $0x7F, s12;
	s7 =	sshll.u32 s12, $0x2;
	s9 =	sadd.s32 $0x10, s12  }
0x99: {  	s7 =	sand.u32 $0xFFFFFE00, s7;
	s5 =	sshll.u32 s5, $0x2;
	s28 =	sand.u32 $0x7F, s9  }
0x9a: {  	s5 =	sor.u32 s5, s7;
	s7 =	sshll.u32 s9, $0x2;
	s9 =	sadd.s32 $0x20, s12  }
0x9b: {  	s5 =	sshra.s32 s5, $0x2;
	s7 =	sand.u32 $0xFFFFFE00, s7;
	s13 =	sand.u32 $0x7F, s9  }
0x9c: {  	s28 =	sshll.u32 s28, $0x2;
	s9 =	sshll.u32 s9, $0x2;
	s5 =	sadd.s32 s0, s5  }
0x9d: {  	v0 =	vld [tilespmem:s5+$0x6400];
	s5 =	sor.u32 s28, s7;
	s7 =	sand.u32 $0xFFFFFE00, s9;
	s9 =	sshll.u32 s13, $0x2  }
0x9e: {  	s5 =	sshra.s32 s5, $0x2;
	s7 =	sor.u32 s9, s7;
	s9 =	sadd.s32 $0x30, s12  }
0x9f: {  	s7 =	sshra.s32 s7, $0x2;
	s12 =	sand.u32 $0x7F, s9;
	s9 =	sshll.u32 s9, $0x2  }
0xa0: {  	s9 =	sand.u32 $0xFFFFFE00, s9;
	s12 =	sshll.u32 s12, $0x2  }
0xa1: {  	s9 =	sor.u32 s12, s9  }
0xa2: {  	v0 =	vmul.f32 $8.000000000e+00, v0;
	s9 =	sshra.s32 s9, $0x2;
	_ =	sdelay $0x1  }
0xa3: {  	s5 =	sadd.s32 s0, s5;
	[tilespmem:s0+$0x16400] =	vst v0  }
0xa4: {  	v0 =	vld [tilespmem:s5+$0x6400];
	_ =	sdelay $0x4  }
0xa5: {  	v0 =	vmul.f32 $8.000000000e+00, v0;
	_ =	sdelay $0x1  }
0xa6: {  	s5 =	sadd.s32 s0, s7;
	[tilespmem:s0+$0x16410] =	vst v0  }
0xa7: {  	v0 =	vld [tilespmem:s5+$0x6400];
	_ =	sdelay $0x4  }
0xa8: {  	v0 =	vmul.f32 $8.000000000e+00, v0;
	_ =	sdelay $0x1  }
0xa9: {  	s5 =	sadd.s32 s0, s9;
	[tilespmem:s0+$0x16420] =	vst v0  }
0xaa: {  	v0 =	vld [tilespmem:s5+$0x6400];
	_ =	sdelay $0x4  }
0xab: {  	v0 =	vmul.f32 $8.000000000e+00, v0;
	_ =	sdelay $0x1  }
0xac: {  	[tilespmem:s0+$0x16430] =	vst v0  }
0xad: {  	v0 =	vld [tilespmem:s1+$0x0];
	_ =	sdelay $0x4  }
0xae: {  	(v2sf) =	vpush v0, $0x0;
	_ =	sdelay $0xe  }
0xaf: {  	s5 =	spop (v2sf)  }
0xb0: {  	s7 =	sand.u32 $0x7F, s5;
	s9 =	sshll.u32 s5, $0x2;
	s12 =	sadd.s32 $0x10, s5  }
0xb1: {  	s9 =	sand.u32 $0xFFFFFE00, s9;
	s7 =	sshll.u32 s7, $0x2;
	s13 =	sand.u32 $0x7F, s12  }
0xb2: {  	s7 =	sor.u32 s7, s9;
	s9 =	sshll.u32 s12, $0x2;
	s12 =	sshll.u32 s13, $0x2  }
0xb3: {  	s13 =	sadd.s32 $0x20, s5;
	s7 =	sshra.s32 s7, $0x2;
	s9 =	sand.u32 $0xFFFFFE00, s9  }
0xb4: {  	s7 =	sadd.s32 s0, s7;
	s9 =	sor.u32 s12, s9;
	s12 =	sand.u32 $0x7F, s13  }
0xb5: {  	s5 =	sadd.s32 $0x30, s5;
	v0 =	vld [tilespmem:s7+$0x6480];
	s7 =	sshra.s32 s9, $0x2;
	s9 =	sshll.u32 s13, $0x2  }
0xb6: {  	s12 =	sshll.u32 s12, $0x2;
	s13 =	sand.u32 $0x7F, s5;
	s9 =	sand.u32 $0xFFFFFE00, s9  }
0xb7: {  	s5 =	sshll.u32 s5, $0x2;
	s9 =	sor.u32 s12, s9;
	s12 =	sshll.u32 s13, $0x2  }
0xb8: {  	s5 =	sand.u32 $0xFFFFFE00, s5;
	s9 =	sshra.s32 s9, $0x2  }
0xb9: {  	s5 =	sor.u32 s12, s5  }
0xba: {  	s5 =	sshra.s32 s5, $0x2;
	v0 =	vmul.f32 $8.000000000e+00, v0;
	_ =	sdelay $0x1  }
0xbb: {  	s7 =	sadd.s32 s0, s7;
	[tilespmem:s0+$0x16480] =	vst v0  }
0xbc: {  	v0 =	vld [tilespmem:s7+$0x6480];
	_ =	sdelay $0x4  }
0xbd: {  	v0 =	vmul.f32 $8.000000000e+00, v0;
	_ =	sdelay $0x1  }
0xbe: {  	s7 =	sadd.s32 s0, s9;
	[tilespmem:s0+$0x16490] =	vst v0  }
0xbf: {  	v0 =	vld [tilespmem:s7+$0x6480];
	_ =	sdelay $0x4  }
0xc0: {  	v0 =	vmul.f32 $8.000000000e+00, v0;
	_ =	sdelay $0x1  }
0xc1: {  	s5 =	sadd.s32 s0, s5;
	[tilespmem:s0+$0x164A0] =	vst v0  }
0xc2: {  	v0 =	vld [tilespmem:s5+$0x6480]  }
.Ltmp2:
0xc3: {  	(pc) =	sbr.rel @p1 .LBB2_3-.Ltmp2, $2  }
0xc4: {  	_ =	sdelay $0x2  }
0xc5: {  	v0 =	vmul.f32 $8.000000000e+00, v0  }
0xc6: {  	s1 =	sshll.u32 s29, $0x10  }
0xc7: {  	s31 =	sor.u32 $0x2, s30;
	s1 =	sadd.s32 s6, s1  }
0xc8: {  	s14 =	sshll.u32 s31, $0x7;
	s1 =	sshrl.u32 s1, $0x3  }
0xc9: {  	[tilespmem:s0+$0x164B0] =	vst v0;
	s0 =	sand.u32 $0x3FFFFF80, s14;
	s13 =	sadd.s32 s4, s1  }
0xca: {  	[hbm4b:s13+s2] =	stream.linear.scatter [tilespmem:s16], [sflag:$0x5], $0x4000, $0x38;
	[tilespmem:$0x1EA00] =	vst v63  }
0xcb: {  	v0 =	vld [tilespmem:s0+$0x0];
	_ =	sdelay $0x4  }
0xcc: {  	v1 =	vshrl.u32 v0, $0x1;
	v0 =	vshll.u32 v0, $0x6  }
0xcd: {  	[tilespmem:$0x1E500] =	vst v1;
	v0 =	vand.u32 $0x40, v0  }
0xce: {  	[tilespmem:$0x1E800] =	vst v0  }
0xcf: {  	v0 =	vld [tilespmem:s0+$0x10];
	_ =	sdelay $0x4  }
0xd0: {  	v1 =	vshrl.u32 v0, $0x1;
	v0 =	vshll.u32 v0, $0x6  }
0xd1: {  	[tilespmem:$0x1E510] =	vst v1;
	v0 =	vand.u32 $0x40, v0  }
0xd2: {  	[tilespmem:$0x1E810] =	vst v0  }
0xd3: {  	v0 =	vld [tilespmem:s0+$0x20];
	_ =	sdelay $0x4  }
0xd4: {  	v1 =	vshrl.u32 v0, $0x1;
	v0 =	vshll.u32 v0, $0x6  }
0xd5: {  	[tilespmem:$0x1E520] =	vst v1;
	v0 =	vand.u32 $0x40, v0  }
0xd6: {  	[tilespmem:$0x1E820] =	vst v0  }
0xd7: {  	v0 =	vld [tilespmem:s0+$0x30];
	_ =	sdelay $0x4  }
0xd8: {  	v1 =	vshrl.u32 v0, $0x1;
	v0 =	vshll.u32 v0, $0x6  }
0xd9: {  	[tilespmem:$0x1E530] =	vst v1;
	v0 =	vand.u32 $0x40, v0  }
0xda: {  	[tilespmem:$0x1E830] =	vst v0  }
0xdb: {  	v0 =	vld [tilespmem:s0+$0x40];
	_ =	sdelay $0x4  }
0xdc: {  	v1 =	vshrl.u32 v0, $0x1;
	v0 =	vshll.u32 v0, $0x6  }
0xdd: {  	[tilespmem:$0x1E540] =	vst v1;
	v0 =	vand.u32 $0x40, v0  }
0xde: {  	[tilespmem:$0x1E840] =	vst v0  }
0xdf: {  	v0 =	vld [tilespmem:s0+$0x50];
	_ =	sdelay $0x4  }
0xe0: {  	v1 =	vshrl.u32 v0, $0x1;
	v0 =	vshll.u32 v0, $0x6  }
0xe1: {  	[tilespmem:$0x1E550] =	vst v1;
	v0 =	vand.u32 $0x40, v0  }
0xe2: {  	[tilespmem:$0x1E850] =	vst v0  }
0xe3: {  	v0 =	vld [tilespmem:s0+$0x60];
	_ =	sdelay $0x4  }
0xe4: {  	v1 =	vshrl.u32 v0, $0x1;
	v0 =	vshll.u32 v0, $0x6  }
0xe5: {  	[tilespmem:$0x1E560] =	vst v1;
	v0 =	vand.u32 $0x40, v0  }
0xe6: {  	[tilespmem:$0x1E860] =	vst v0  }
0xe7: {  	v0 =	vld [tilespmem:s0+$0x70];
	_ =	sdelay $0x4  }
0xe8: {  	v1 =	vshrl.u32 v0, $0x1;
	v0 =	vshll.u32 v0, $0x6  }
0xe9: {  	[tilespmem:$0x1E570] =	vst v1;
	v0 =	vand.u32 $0x40, v0  }
0xea: {  	[tilespmem:$0x1E870] =	vst v0  }
0xeb: {  	[tilespmem:s18], [sflag:$0x3] =	stream.indirect.gather [hbm4b:s3+s10], $0x80, s17, s10, $0xb8;
	[tilespmem:$0x1EA00] =	vst v63  }
0xec: {  	_ =	swait.ge [sflag:s19], $0x4000  }
0xed: {  	[sflag:s19] =	ssyncset.done $0x0  }
0xee: {  	s0 =	simm.s32 @!p0 $0x6;
	[sflag:s19] =	ssyncadd.s32 $0xFFFFC000  }
0xef: {  	_ =	swait.ge @!p0 [sflag:s0], $0x4000  }
0xf0: {  	[sflag:s0] =	ssyncset.done @!p0 $0x0  }
0xf1: {  	s1 =	simm.s32 $0x1E701;
	[sflag:s0] =	ssyncadd.s32 @!p0 $0xFFFFC000  }
0xf2: {  	v0 =	vld [tilespmem:s1+$0xFFFFFFFF];
	_ =	sdelay $0x4  }
0xf3: {  	(v2sf) =	vpush v0, $0x0;
	_ =	sdelay $0xe  }
0xf4: {  	s5 =	spop (v2sf)  }
0xf5: {  	s28 =	sand.u32 $0x7F, s5;
	s7 =	sshll.u32 s5, $0x2  }
0xf6: {  	s7 =	sand.u32 $0xFFFFFE00, s7;
	s0 =	sshll.u32 s28, $0x2  }
0xf7: {  	s0 =	sor.u32 s0, s7  }
0xf8: {  	s0 =	sshra.s32 s0, $0x2  }
0xf9: {  	s0 =	sadd.s32 $0x0, s0  }
0xfa: {  	v0 =	vld [tilespmem:s0+$0xA400];
	_ =	sdelay $0x1  }
0xfb: {  	s9 =	sadd.s32 $0x10, s5  }
0xfc: {  	s11 =	sand.u32 $0x7F, s9;
	s0 =	sshll.u32 s9, $0x2  }
0xfd: {  	s7 =	sshll.u32 s11, $0x2;
	s0 =	sand.u32 $0xFFFFFE00, s0  }
0xfe: {  	s7 =	sor.u32 s7, s0;
	v0 =	vmul.f32 $8.000000000e+00, v0  }
0xff: {  	s0 =	simm.s32 $0x0;
	s7 =	sshra.s32 s7, $0x2  }
0x100: {  	s7 =	sadd.s32 $0x0, s7;
	[tilespmem:s0+$0x1A400] =	vst v0  }
0x101: {  	v0 =	vld [tilespmem:s7+$0xA400];
	_ =	sdelay $0x1  }
0x102: {  	s12 =	sadd.s32 $0x20, s5  }
0x103: {  	s9 =	sand.u32 $0x7F, s12;
	s7 =	sshll.u32 s12, $0x2  }
0x104: {  	s9 =	sshll.u32 s9, $0x2;
	s7 =	sand.u32 $0xFFFFFE00, s7  }
0x105: {  	s7 =	sor.u32 s9, s7;
	v0 =	vmul.f32 $8.000000000e+00, v0  }
0x106: {  	s7 =	sshra.s32 s7, $0x2  }
0x107: {  	s7 =	sadd.s32 $0x0, s7;
	[tilespmem:s0+$0x1A410] =	vst v0  }
0x108: {  	v0 =	vld [tilespmem:s7+$0xA400];
	_ =	sdelay $0x1  }
0x109: {  	s5 =	sadd.s32 $0x30, s5  }
0x10a: {  	s13 =	sand.u32 $0x7F, s5;
	s5 =	sshll.u32 s5, $0x2  }
0x10b: {  	s5 =	sand.u32 $0xFFFFFE00, s5;
	s7 =	sshll.u32 s13, $0x2  }
0x10c: {  	s5 =	sor.u32 s7, s5;
	v0 =	vmul.f32 $8.000000000e+00, v0  }
0x10d: {  	s5 =	sshra.s32 s5, $0x2  }
0x10e: {  	s5 =	sadd.s32 $0x0, s5;
	[tilespmem:s0+$0x1A420] =	vst v0  }
0x10f: {  	v0 =	vld [tilespmem:s5+$0xA400];
	_ =	sdelay $0x4  }
0x110: {  	v0 =	vmul.f32 $8.000000000e+00, v0;
	_ =	sdelay $0x1  }
0x111: {  	[tilespmem:s0+$0x1A430] =	vst v0  }
0x112: {  	v0 =	vld [tilespmem:s1+$0x0];
	_ =	sdelay $0x4  }
0x113: {  	(v2sf) =	vpush v0, $0x0;
	_ =	sdelay $0xe  }
0x114: {  	s5 =	spop (v2sf)  }
0x115: {  	s14 =	sand.u32 $0x7F, s5;
	s28 =	sshll.u32 s5, $0x2  }
0x116: {  	s9 =	sand.u32 $0xFFFFFE00, s28;
	s7 =	sshll.u32 s14, $0x2  }
0x117: {  	s7 =	sor.u32 s7, s9  }
0x118: {  	s7 =	sshra.s32 s7, $0x2  }
0x119: {  	s7 =	sadd.s32 $0x0, s7  }
0x11a: {  	v0 =	vld [tilespmem:s7+$0xA480];
	_ =	sdelay $0x1  }
0x11b: {  	s11 =	sadd.s32 $0x10, s5  }
0x11c: {  	s12 =	sand.u32 $0x7F, s11;
	s7 =	sshll.u32 s11, $0x2  }
0x11d: {  	s9 =	sshll.u32 s12, $0x2;
	s7 =	sand.u32 $0xFFFFFE00, s7  }
0x11e: {  	s7 =	sor.u32 s9, s7;
	v0 =	vmul.f32 $8.000000000e+00, v0  }
0x11f: {  	s7 =	sshra.s32 s7, $0x2  }
0x120: {  	s7 =	sadd.s32 $0x0, s7;
	[tilespmem:s0+$0x1A480] =	vst v0  }
0x121: {  	v0 =	vld [tilespmem:s7+$0xA480];
	_ =	sdelay $0x1  }
0x122: {  	s13 =	sadd.s32 $0x20, s5  }
0x123: {  	s14 =	sand.u32 $0x7F, s13;
	s7 =	sshll.u32 s13, $0x2  }
0x124: {  	s9 =	sshll.u32 s14, $0x2;
	s7 =	sand.u32 $0xFFFFFE00, s7  }
0x125: {  	s7 =	sor.u32 s9, s7;
	v0 =	vmul.f32 $8.000000000e+00, v0  }
0x126: {  	s7 =	sshra.s32 s7, $0x2  }
0x127: {  	s7 =	sadd.s32 $0x0, s7;
	[tilespmem:s0+$0x1A490] =	vst v0  }
0x128: {  	v0 =	vld [tilespmem:s7+$0xA480];
	_ =	sdelay $0x1  }
0x129: {  	s5 =	sadd.s32 $0x30, s5  }
0x12a: {  	s28 =	sand.u32 $0x7F, s5;
	s5 =	sshll.u32 s5, $0x2  }
0x12b: {  	s5 =	sand.u32 $0xFFFFFE00, s5;
	s7 =	sshll.u32 s28, $0x2  }
0x12c: {  	s5 =	sor.u32 s7, s5;
	v0 =	vmul.f32 $8.000000000e+00, v0  }
0x12d: {  	s5 =	sshra.s32 s5, $0x2  }
0x12e: {  	s5 =	sadd.s32 $0x0, s5;
	[tilespmem:s0+$0x1A4A0] =	vst v0  }
0x12f: {  	v0 =	vld [tilespmem:s5+$0xA480];
	_ =	sdelay $0x4  }
0x130: {  	s12 =	simm.s32 $0x0;
	s11 =	simm.s32 $0x0;
	v0 =	vmul.f32 $8.000000000e+00, v0  }
.LBB2_5:
0x131: {  	_ = 	snop  }
0x132: {  	s12 =	sadd.s32 $0x2, s12;
	s11 =	sadd.s32 $0x400, s11;
	s1 =	sadd.s32 $0x2, s1;
	[tilespmem:s0+$0x1A4B0] =	vst v0  }
0x133: {  	p0 =	slt.u32 s12, $0x7E;
	v0 =	vld [tilespmem:s1+$0xFFFFFFFF];
	_ =	sdelay $0x4  }
0x134: {  	(v2sf) =	vpush v0, $0x0;
	_ =	sdelay $0xe  }
0x135: {  	s0 =	sshra.s32 s11, $0x2;
	s5 =	spop (v2sf)  }
0x136: {  	s7 =	sand.u32 $0x7F, s5;
	s9 =	sshll.u32 s5, $0x2;
	s13 =	sadd.s32 $0x10, s5  }
0x137: {  	s9 =	sand.u32 $0xFFFFFE00, s9;
	s7 =	sshll.u32 s7, $0x2;
	s28 =	sand.u32 $0x7F, s13  }
0x138: {  	s7 =	sor.u32 s7, s9;
	s9 =	sshll.u32 s13, $0x2;
	s13 =	sadd.s32 $0x20, s5  }
0x139: {  	s7 =	sshra.s32 s7, $0x2;
	s9 =	sand.u32 $0xFFFFFE00, s9;
	s14 =	sand.u32 $0x7F, s13  }
0x13a: {  	s28 =	sshll.u32 s28, $0x2;
	s13 =	sshll.u32 s13, $0x2;
	s7 =	sadd.s32 s0, s7  }
0x13b: {  	v0 =	vld [tilespmem:s7+$0xA400];
	s7 =	sor.u32 s28, s9;
	s9 =	sand.u32 $0xFFFFFE00, s13;
	s13 =	sshll.u32 s14, $0x2  }
0x13c: {  	s5 =	sadd.s32 $0x30, s5;
	s7 =	sshra.s32 s7, $0x2;
	s9 =	sor.u32 s13, s9  }
0x13d: {  	s13 =	sand.u32 $0x7F, s5;
	s5 =	sshll.u32 s5, $0x2;
	s9 =	sshra.s32 s9, $0x2  }
0x13e: {  	s5 =	sand.u32 $0xFFFFFE00, s5;
	s13 =	sshll.u32 s13, $0x2  }
0x13f: {  	s5 =	sor.u32 s13, s5  }
0x140: {  	s5 =	sshra.s32 s5, $0x2;
	v0 =	vmul.f32 $8.000000000e+00, v0;
	_ =	sdelay $0x1  }
0x141: {  	s7 =	sadd.s32 s0, s7;
	[tilespmem:s0+$0x1A400] =	vst v0  }
0x142: {  	v0 =	vld [tilespmem:s7+$0xA400];
	_ =	sdelay $0x4  }
0x143: {  	v0 =	vmul.f32 $8.000000000e+00, v0;
	_ =	sdelay $0x1  }
0x144: {  	s7 =	sadd.s32 s0, s9;
	[tilespmem:s0+$0x1A410] =	vst v0  }
0x145: {  	v0 =	vld [tilespmem:s7+$0xA400];
	_ =	sdelay $0x4  }
0x146: {  	v0 =	vmul.f32 $8.000000000e+00, v0;
	_ =	sdelay $0x1  }
0x147: {  	s5 =	sadd.s32 s0, s5;
	[tilespmem:s0+$0x1A420] =	vst v0  }
0x148: {  	v0 =	vld [tilespmem:s5+$0xA400];
	_ =	sdelay $0x4  }
0x149: {  	v0 =	vmul.f32 $8.000000000e+00, v0;
	_ =	sdelay $0x1  }
0x14a: {  	[tilespmem:s0+$0x1A430] =	vst v0  }
0x14b: {  	v0 =	vld [tilespmem:s1+$0x0];
	_ =	sdelay $0x4  }
0x14c: {  	(v2sf) =	vpush v0, $0x0;
	_ =	sdelay $0xe  }
0x14d: {  	s5 =	spop (v2sf)  }
0x14e: {  	s7 =	sand.u32 $0x7F, s5;
	s9 =	sshll.u32 s5, $0x2;
	s13 =	sadd.s32 $0x10, s5  }
0x14f: {  	s9 =	sand.u32 $0xFFFFFE00, s9;
	s7 =	sshll.u32 s7, $0x2;
	s14 =	sand.u32 $0x7F, s13  }
0x150: {  	s7 =	sor.u32 s7, s9;
	s9 =	sshll.u32 s13, $0x2;
	s13 =	sshll.u32 s14, $0x2  }
0x151: {  	s14 =	sadd.s32 $0x20, s5;
	s7 =	sshra.s32 s7, $0x2;
	s9 =	sand.u32 $0xFFFFFE00, s9  }
0x152: {  	s7 =	sadd.s32 s0, s7;
	s9 =	sor.u32 s13, s9;
	s13 =	sand.u32 $0x7F, s14  }
0x153: {  	s5 =	sadd.s32 $0x30, s5;
	v0 =	vld [tilespmem:s7+$0xA480];
	s7 =	sshra.s32 s9, $0x2;
	s9 =	sshll.u32 s14, $0x2  }
0x154: {  	s13 =	sshll.u32 s13, $0x2;
	s14 =	sand.u32 $0x7F, s5;
	s9 =	sand.u32 $0xFFFFFE00, s9  }
0x155: {  	s5 =	sshll.u32 s5, $0x2;
	s9 =	sor.u32 s13, s9;
	s13 =	sshll.u32 s14, $0x2  }
0x156: {  	s5 =	sand.u32 $0xFFFFFE00, s5;
	s9 =	sshra.s32 s9, $0x2  }
0x157: {  	s5 =	sor.u32 s13, s5  }
0x158: {  	s5 =	sshra.s32 s5, $0x2;
	v0 =	vmul.f32 $8.000000000e+00, v0;
	_ =	sdelay $0x1  }
0x159: {  	s7 =	sadd.s32 s0, s7;
	[tilespmem:s0+$0x1A480] =	vst v0  }
0x15a: {  	v0 =	vld [tilespmem:s7+$0xA480];
	_ =	sdelay $0x4  }
0x15b: {  	v0 =	vmul.f32 $8.000000000e+00, v0;
	_ =	sdelay $0x1  }
0x15c: {  	s7 =	sadd.s32 s0, s9;
	[tilespmem:s0+$0x1A490] =	vst v0  }
0x15d: {  	v0 =	vld [tilespmem:s7+$0xA480];
	_ =	sdelay $0x4  }
0x15e: {  	v0 =	vmul.f32 $8.000000000e+00, v0;
	_ =	sdelay $0x1  }
0x15f: {  	s5 =	sadd.s32 s0, s5;
	[tilespmem:s0+$0x1A4A0] =	vst v0  }
0x160: {  	v0 =	vld [tilespmem:s5+$0xA480]  }
.Ltmp3:
0x161: {  	(pc) =	sbr.rel @p0 .LBB2_5-.Ltmp3, $2  }
0x162: {  	_ =	sdelay $0x2  }
0x163: {  	v0 =	vmul.f32 $8.000000000e+00, v0  }
0x164: {  	s1 =	sshll.u32 s29, $0xD;
	s30 =	sor.u32 $0x3, s30  }
0x165: {  	[tilespmem:s0+$0x1A4B0] =	vst v0;
	s12 =	sadd.s32 s8, s1;
	s1 =	simm.s32 $0x0;
	s13 =	sshll.u32 s30, $0x7  }
0x166: {  	[hbm4b:s12+s1] =	stream.linear.scatter [tilespmem:s20], [sflag:$0x6], $0x4000, $0x38;
	[tilespmem:$0x1EA00] =	vst v63  }
0x167: {  	s0 =	sand.u32 $0x3FFFFF80, s13  }
0x168: {  	v0 =	vld [tilespmem:s0+$0x0];
	_ =	sdelay $0x4  }
0x169: {  	v1 =	vshrl.u32 v0, $0x1;
	v0 =	vshll.u32 v0, $0x6  }
0x16a: {  	[tilespmem:$0x1E580] =	vst v1;
	v0 =	vand.u32 $0x40, v0  }
0x16b: {  	[tilespmem:$0x1E900] =	vst v0  }
0x16c: {  	v0 =	vld [tilespmem:s0+$0x10];
	_ =	sdelay $0x4  }
0x16d: {  	v1 =	vshrl.u32 v0, $0x1;
	v0 =	vshll.u32 v0, $0x6  }
0x16e: {  	[tilespmem:$0x1E590] =	vst v1;
	v0 =	vand.u32 $0x40, v0  }
0x16f: {  	[tilespmem:$0x1E910] =	vst v0  }
0x170: {  	v0 =	vld [tilespmem:s0+$0x20];
	_ =	sdelay $0x4  }
0x171: {  	v1 =	vshrl.u32 v0, $0x1;
	v0 =	vshll.u32 v0, $0x6  }
0x172: {  	[tilespmem:$0x1E5A0] =	vst v1;
	v0 =	vand.u32 $0x40, v0  }
0x173: {  	[tilespmem:$0x1E920] =	vst v0  }
0x174: {  	v0 =	vld [tilespmem:s0+$0x30];
	_ =	sdelay $0x4  }
0x175: {  	v1 =	vshrl.u32 v0, $0x1;
	v0 =	vshll.u32 v0, $0x6  }
0x176: {  	[tilespmem:$0x1E5B0] =	vst v1;
	v0 =	vand.u32 $0x40, v0  }
0x177: {  	[tilespmem:$0x1E930] =	vst v0  }
0x178: {  	v0 =	vld [tilespmem:s0+$0x40];
	_ =	sdelay $0x4  }
0x179: {  	v1 =	vshrl.u32 v0, $0x1;
	v0 =	vshll.u32 v0, $0x6  }
0x17a: {  	[tilespmem:$0x1E5C0] =	vst v1;
	v0 =	vand.u32 $0x40, v0  }
0x17b: {  	[tilespmem:$0x1E940] =	vst v0  }
0x17c: {  	v0 =	vld [tilespmem:s0+$0x50];
	_ =	sdelay $0x4  }
0x17d: {  	v1 =	vshrl.u32 v0, $0x1;
	v0 =	vshll.u32 v0, $0x6  }
0x17e: {  	[tilespmem:$0x1E5D0] =	vst v1;
	v0 =	vand.u32 $0x40, v0  }
0x17f: {  	[tilespmem:$0x1E950] =	vst v0  }
0x180: {  	v0 =	vld [tilespmem:s0+$0x60];
	_ =	sdelay $0x4  }
0x181: {  	v1 =	vshrl.u32 v0, $0x1;
	v0 =	vshll.u32 v0, $0x6  }
0x182: {  	[tilespmem:$0x1E5E0] =	vst v1;
	v0 =	vand.u32 $0x40, v0  }
0x183: {  	[tilespmem:$0x1E960] =	vst v0  }
0x184: {  	v0 =	vld [tilespmem:s0+$0x70];
	_ =	sdelay $0x4  }
0x185: {  	v1 =	vshrl.u32 v0, $0x1;
	v0 =	vshll.u32 v0, $0x6  }
0x186: {  	[tilespmem:$0x1E5F0] =	vst v1;
	v0 =	vand.u32 $0x40, v0  }
0x187: {  	[tilespmem:$0x1E970] =	vst v0  }
0x188: {  	[tilespmem:s22], [sflag:$0x4] =	stream.indirect.gather [hbm4b:s3+s10], $0x80, s21, s10, $0xb8;
	[tilespmem:$0x1EA00] =	vst v63  }
0x189: {  	_ =	swait.ge [sflag:s23], $0x4000  }
0x18a: {  	[sflag:s23] =	ssyncset.done $0x0  }
0x18b: {  	[sflag:s23] =	ssyncadd.s32 $0xFFFFC000  }
0x18c: {  	_ =	swait.ge [sflag:s24], $0x4000  }
0x18d: {  	[sflag:s24] =	ssyncset.done $0x0  }
0x18e: {  	s0 =	simm.s32 $0x1E801;
	[sflag:s24] =	ssyncadd.s32 $0xFFFFC000  }
0x18f: {  	v0 =	vld [tilespmem:s0+$0xFFFFFFFF];
	_ =	sdelay $0x4  }
0x190: {  	(v2sf) =	vpush v0, $0x0;
	_ =	sdelay $0xe  }
0x191: {  	s5 =	spop (v2sf)  }
0x192: {  	s7 =	sand.u32 $0x7F, s5;
	s9 =	sshll.u32 s5, $0x2  }
0x193: {  	s9 =	sand.u32 $0xFFFFFE00, s9;
	s7 =	sshll.u32 s7, $0x2  }
0x194: {  	s7 =	sor.u32 s7, s9  }
0x195: {  	s7 =	sshra.s32 s7, $0x2  }
0x196: {  	s7 =	sadd.s32 $0x0, s7  }
0x197: {  	v0 =	vld [tilespmem:s7+$0xE400];
	_ =	sdelay $0x1  }
0x198: {  	s14 =	sadd.s32 $0x10, s5  }
0x199: {  	s28 =	sand.u32 $0x7F, s14;
	s7 =	sshll.u32 s14, $0x2  }
0x19a: {  	s9 =	sshll.u32 s28, $0x2;
	s7 =	sand.u32 $0xFFFFFE00, s7  }
0x19b: {  	s7 =	sor.u32 s9, s7;
	v0 =	vmul.f32 $8.000000000e+00, v0  }
0x19c: {  	s11 =	simm.s32 $0x0;
	s7 =	sshra.s32 s7, $0x2  }
0x19d: {  	s7 =	sadd.s32 $0x0, s7;
	[tilespmem:s11+$0x16400] =	vst v0  }
0x19e: {  	v0 =	vld [tilespmem:s7+$0xE400];
	_ =	sdelay $0x1  }
0x19f: {  	s9 =	sadd.s32 $0x20, s5  }
0x1a0: {  	s12 =	sand.u32 $0x7F, s9;
	s7 =	sshll.u32 s9, $0x2  }
0x1a1: {  	s9 =	sshll.u32 s12, $0x2;
	s7 =	sand.u32 $0xFFFFFE00, s7  }
0x1a2: {  	s7 =	sor.u32 s9, s7;
	v0 =	vmul.f32 $8.000000000e+00, v0  }
0x1a3: {  	s7 =	sshra.s32 s7, $0x2  }
0x1a4: {  	s7 =	sadd.s32 $0x0, s7;
	[tilespmem:s11+$0x16410] =	vst v0  }
0x1a5: {  	v0 =	vld [tilespmem:s7+$0xE400];
	_ =	sdelay $0x1  }
0x1a6: {  	s5 =	sadd.s32 $0x30, s5  }
0x1a7: {  	s13 =	sand.u32 $0x7F, s5;
	s5 =	sshll.u32 s5, $0x2  }
0x1a8: {  	s5 =	sand.u32 $0xFFFFFE00, s5;
	s7 =	sshll.u32 s13, $0x2  }
0x1a9: {  	s5 =	sor.u32 s7, s5;
	v0 =	vmul.f32 $8.000000000e+00, v0  }
0x1aa: {  	s5 =	sshra.s32 s5, $0x2  }
0x1ab: {  	s5 =	sadd.s32 $0x0, s5;
	[tilespmem:s11+$0x16420] =	vst v0  }
0x1ac: {  	v0 =	vld [tilespmem:s5+$0xE400];
	_ =	sdelay $0x4  }
0x1ad: {  	v0 =	vmul.f32 $8.000000000e+00, v0;
	_ =	sdelay $0x1  }
0x1ae: {  	[tilespmem:s11+$0x16430] =	vst v0  }
0x1af: {  	v0 =	vld [tilespmem:s0+$0x0];
	_ =	sdelay $0x4  }
0x1b0: {  	(v2sf) =	vpush v0, $0x0;
	_ =	sdelay $0xe  }
0x1b1: {  	s5 =	spop (v2sf)  }
0x1b2: {  	s14 =	sand.u32 $0x7F, s5;
	s28 =	sshll.u32 s5, $0x2  }
0x1b3: {  	s9 =	sand.u32 $0xFFFFFE00, s28;
	s7 =	sshll.u32 s14, $0x2  }
0x1b4: {  	s7 =	sor.u32 s7, s9  }
0x1b5: {  	s7 =	sshra.s32 s7, $0x2  }
0x1b6: {  	s7 =	sadd.s32 $0x0, s7  }
0x1b7: {  	v0 =	vld [tilespmem:s7+$0xE480];
	_ =	sdelay $0x1  }
0x1b8: {  	s9 =	sadd.s32 $0x10, s5  }
0x1b9: {  	s12 =	sand.u32 $0x7F, s9;
	s7 =	sshll.u32 s9, $0x2  }
0x1ba: {  	s9 =	sshll.u32 s12, $0x2;
	s7 =	sand.u32 $0xFFFFFE00, s7  }
0x1bb: {  	s7 =	sor.u32 s9, s7;
	v0 =	vmul.f32 $8.000000000e+00, v0  }
0x1bc: {  	s7 =	sshra.s32 s7, $0x2  }
0x1bd: {  	s7 =	sadd.s32 $0x0, s7;
	[tilespmem:s11+$0x16480] =	vst v0  }
0x1be: {  	v0 =	vld [tilespmem:s7+$0xE480];
	_ =	sdelay $0x1  }
0x1bf: {  	s13 =	sadd.s32 $0x20, s5  }
0x1c0: {  	s14 =	sand.u32 $0x7F, s13;
	s7 =	sshll.u32 s13, $0x2  }
0x1c1: {  	s9 =	sshll.u32 s14, $0x2;
	s7 =	sand.u32 $0xFFFFFE00, s7  }
0x1c2: {  	s7 =	sor.u32 s9, s7;
	v0 =	vmul.f32 $8.000000000e+00, v0  }
0x1c3: {  	s7 =	sshra.s32 s7, $0x2  }
0x1c4: {  	s7 =	sadd.s32 $0x0, s7;
	[tilespmem:s11+$0x16490] =	vst v0  }
0x1c5: {  	v0 =	vld [tilespmem:s7+$0xE480];
	_ =	sdelay $0x1  }
0x1c6: {  	s5 =	sadd.s32 $0x30, s5  }
0x1c7: {  	s28 =	sand.u32 $0x7F, s5;
	s5 =	sshll.u32 s5, $0x2  }
0x1c8: {  	s5 =	sand.u32 $0xFFFFFE00, s5;
	s7 =	sshll.u32 s28, $0x2  }
0x1c9: {  	s5 =	sor.u32 s7, s5;
	v0 =	vmul.f32 $8.000000000e+00, v0  }
0x1ca: {  	s5 =	sshra.s32 s5, $0x2  }
0x1cb: {  	s5 =	sadd.s32 $0x0, s5;
	[tilespmem:s11+$0x164A0] =	vst v0  }
0x1cc: {  	v0 =	vld [tilespmem:s5+$0xE480];
	_ =	sdelay $0x4  }
0x1cd: {  	s12 =	simm.s32 $0x0;
	v0 =	vmul.f32 $8.000000000e+00, v0  }
.LBB2_7:
0x1ce: {  	_ = 	snop  }
0x1cf: {  	s12 =	sadd.s32 $0x2, s12;
	s1 =	sadd.s32 $0x400, s1;
	s0 =	sadd.s32 $0x2, s0;
	[tilespmem:s11+$0x164B0] =	vst v0  }
0x1d0: {  	p0 =	slt.u32 s12, $0x7E;
	v0 =	vld [tilespmem:s0+$0xFFFFFFFF];
	_ =	sdelay $0x4  }
0x1d1: {  	(v2sf) =	vpush v0, $0x0;
	_ =	sdelay $0xe  }
0x1d2: {  	s11 =	sshra.s32 s1, $0x2;
	s5 =	spop (v2sf)  }
0x1d3: {  	s7 =	sand.u32 $0x7F, s5;
	s9 =	sshll.u32 s5, $0x2;
	s13 =	sadd.s32 $0x10, s5  }
0x1d4: {  	s9 =	sand.u32 $0xFFFFFE00, s9;
	s7 =	sshll.u32 s7, $0x2;
	s14 =	sand.u32 $0x7F, s13  }
0x1d5: {  	s7 =	sor.u32 s7, s9;
	s9 =	sshll.u32 s13, $0x2;
	s13 =	sadd.s32 $0x20, s5  }
0x1d6: {  	s7 =	sshra.s32 s7, $0x2;
	s9 =	sand.u32 $0xFFFFFE00, s9;
	s28 =	sand.u32 $0x7F, s13  }
0x1d7: {  	s14 =	sshll.u32 s14, $0x2;
	s13 =	sshll.u32 s13, $0x2;
	s7 =	sadd.s32 s11, s7  }
0x1d8: {  	v0 =	vld [tilespmem:s7+$0xE400];
	s7 =	sor.u32 s14, s9;
	s9 =	sand.u32 $0xFFFFFE00, s13;
	s13 =	sshll.u32 s28, $0x2  }
0x1d9: {  	s5 =	sadd.s32 $0x30, s5;
	s7 =	sshra.s32 s7, $0x2;
	s9 =	sor.u32 s13, s9  }
0x1da: {  	s13 =	sand.u32 $0x7F, s5;
	s5 =	sshll.u32 s5, $0x2;
	s9 =	sshra.s32 s9, $0x2  }
0x1db: {  	s5 =	sand.u32 $0xFFFFFE00, s5;
	s13 =	sshll.u32 s13, $0x2  }
0x1dc: {  	s5 =	sor.u32 s13, s5  }
0x1dd: {  	s5 =	sshra.s32 s5, $0x2;
	v0 =	vmul.f32 $8.000000000e+00, v0;
	_ =	sdelay $0x1  }
0x1de: {  	s7 =	sadd.s32 s11, s7;
	[tilespmem:s11+$0x16400] =	vst v0  }
0x1df: {  	v0 =	vld [tilespmem:s7+$0xE400];
	_ =	sdelay $0x4  }
0x1e0: {  	v0 =	vmul.f32 $8.000000000e+00, v0;
	_ =	sdelay $0x1  }
0x1e1: {  	s7 =	sadd.s32 s11, s9;
	[tilespmem:s11+$0x16410] =	vst v0  }
0x1e2: {  	v0 =	vld [tilespmem:s7+$0xE400];
	_ =	sdelay $0x4  }
0x1e3: {  	v0 =	vmul.f32 $8.000000000e+00, v0;
	_ =	sdelay $0x1  }
0x1e4: {  	s5 =	sadd.s32 s11, s5;
	[tilespmem:s11+$0x16420] =	vst v0  }
0x1e5: {  	v0 =	vld [tilespmem:s5+$0xE400];
	_ =	sdelay $0x4  }
0x1e6: {  	v0 =	vmul.f32 $8.000000000e+00, v0;
	_ =	sdelay $0x1  }
0x1e7: {  	[tilespmem:s11+$0x16430] =	vst v0  }
0x1e8: {  	v0 =	vld [tilespmem:s0+$0x0];
	_ =	sdelay $0x4  }
0x1e9: {  	(v2sf) =	vpush v0, $0x0;
	_ =	sdelay $0xe  }
0x1ea: {  	s5 =	spop (v2sf)  }
0x1eb: {  	s7 =	sand.u32 $0x7F, s5;
	s9 =	sshll.u32 s5, $0x2;
	s13 =	sadd.s32 $0x10, s5  }
0x1ec: {  	s9 =	sand.u32 $0xFFFFFE00, s9;
	s7 =	sshll.u32 s7, $0x2;
	s14 =	sand.u32 $0x7F, s13  }
0x1ed: {  	s7 =	sor.u32 s7, s9;
	s9 =	sshll.u32 s13, $0x2;
	s13 =	sshll.u32 s14, $0x2  }
0x1ee: {  	s14 =	sadd.s32 $0x20, s5;
	s7 =	sshra.s32 s7, $0x2;
	s9 =	sand.u32 $0xFFFFFE00, s9  }
0x1ef: {  	s7 =	sadd.s32 s11, s7;
	s9 =	sor.u32 s13, s9;
	s13 =	sand.u32 $0x7F, s14  }
0x1f0: {  	s5 =	sadd.s32 $0x30, s5;
	v0 =	vld [tilespmem:s7+$0xE480];
	s7 =	sshra.s32 s9, $0x2;
	s9 =	sshll.u32 s14, $0x2  }
0x1f1: {  	s13 =	sshll.u32 s13, $0x2;
	s14 =	sand.u32 $0x7F, s5;
	s9 =	sand.u32 $0xFFFFFE00, s9  }
0x1f2: {  	s5 =	sshll.u32 s5, $0x2;
	s9 =	sor.u32 s13, s9;
	s13 =	sshll.u32 s14, $0x2  }
0x1f3: {  	s5 =	sand.u32 $0xFFFFFE00, s5;
	s9 =	sshra.s32 s9, $0x2  }
0x1f4: {  	s5 =	sor.u32 s13, s5  }
0x1f5: {  	s5 =	sshra.s32 s5, $0x2;
	v0 =	vmul.f32 $8.000000000e+00, v0;
	_ =	sdelay $0x1  }
0x1f6: {  	s7 =	sadd.s32 s11, s7;
	[tilespmem:s11+$0x16480] =	vst v0  }
0x1f7: {  	v0 =	vld [tilespmem:s7+$0xE480];
	_ =	sdelay $0x4  }
0x1f8: {  	v0 =	vmul.f32 $8.000000000e+00, v0;
	_ =	sdelay $0x1  }
0x1f9: {  	s7 =	sadd.s32 s11, s9;
	[tilespmem:s11+$0x16490] =	vst v0  }
0x1fa: {  	v0 =	vld [tilespmem:s7+$0xE480];
	_ =	sdelay $0x4  }
0x1fb: {  	v0 =	vmul.f32 $8.000000000e+00, v0;
	_ =	sdelay $0x1  }
0x1fc: {  	s5 =	sadd.s32 s11, s5;
	[tilespmem:s11+$0x164A0] =	vst v0  }
0x1fd: {  	v0 =	vld [tilespmem:s5+$0xE480]  }
.Ltmp4:
0x1fe: {  	(pc) =	sbr.rel @p0 .LBB2_7-.Ltmp4, $2  }
0x1ff: {  	_ =	sdelay $0x2  }
0x200: {  	v0 =	vmul.f32 $8.000000000e+00, v0  }
0x201: {  	s0 =	sshll.u32 s31, $0xE  }
0x202: {  	s0 =	sadd.s32 s6, s0  }
0x203: {  	s0 =	sshrl.u32 s0, $0x3  }
0x204: {  	p0 =	seq.s32 s29, $0x31;
	[tilespmem:s11+$0x164B0] =	vst v0;
	s0 =	sadd.s32 s4, s0  }
0x205: {  	[hbm4b:s0+s2] =	stream.linear.scatter [tilespmem:s16], [sflag:$0x5], $0x4000, $0x38;
	[tilespmem:$0x1EA00] =	vst v63  }
0x206: {  	s0 =	sshll.u32 @!p0 s29, $0x9  }
0x207: {  	s0 =	sand.u32 @!p0 $0x3FFFFE00, s0  }
0x208: {  	v0 =	vld @!p0 [tilespmem:s0+$0x200];
	_ =	sdelay $0x4  }
0x209: {  	v1 =	vshrl.u32 @!p0 v0, $0x1;
	v0 =	vshll.u32 @!p0 v0, $0x6  }
0x20a: {  	[tilespmem:$0x1E400] =	vst @!p0 v1;
	v0 =	vand.u32 @!p0 $0x40, v0  }
0x20b: {  	[tilespmem:$0x1E600] =	vst @!p0 v0  }
0x20c: {  	v0 =	vld @!p0 [tilespmem:s0+$0x210];
	_ =	sdelay $0x4  }
0x20d: {  	v1 =	vshrl.u32 @!p0 v0, $0x1;
	v0 =	vshll.u32 @!p0 v0, $0x6  }
0x20e: {  	[tilespmem:$0x1E410] =	vst @!p0 v1;
	v0 =	vand.u32 @!p0 $0x40, v0  }
0x20f: {  	[tilespmem:$0x1E610] =	vst @!p0 v0  }
0x210: {  	v0 =	vld @!p0 [tilespmem:s0+$0x220];
	_ =	sdelay $0x4  }
0x211: {  	v1 =	vshrl.u32 @!p0 v0, $0x1;
	v0 =	vshll.u32 @!p0 v0, $0x6  }
0x212: {  	[tilespmem:$0x1E420] =	vst @!p0 v1;
	v0 =	vand.u32 @!p0 $0x40, v0  }
0x213: {  	[tilespmem:$0x1E620] =	vst @!p0 v0  }
0x214: {  	v0 =	vld @!p0 [tilespmem:s0+$0x230];
	_ =	sdelay $0x4  }
0x215: {  	v1 =	vshrl.u32 @!p0 v0, $0x1;
	v0 =	vshll.u32 @!p0 v0, $0x6  }
0x216: {  	[tilespmem:$0x1E430] =	vst @!p0 v1;
	v0 =	vand.u32 @!p0 $0x40, v0  }
0x217: {  	[tilespmem:$0x1E630] =	vst @!p0 v0  }
0x218: {  	v0 =	vld @!p0 [tilespmem:s0+$0x240];
	_ =	sdelay $0x4  }
0x219: {  	v1 =	vshrl.u32 @!p0 v0, $0x1;
	v0 =	vshll.u32 @!p0 v0, $0x6  }
0x21a: {  	[tilespmem:$0x1E440] =	vst @!p0 v1;
	v0 =	vand.u32 @!p0 $0x40, v0  }
0x21b: {  	[tilespmem:$0x1E640] =	vst @!p0 v0  }
0x21c: {  	v0 =	vld @!p0 [tilespmem:s0+$0x250];
	_ =	sdelay $0x4  }
0x21d: {  	v1 =	vshrl.u32 @!p0 v0, $0x1;
	v0 =	vshll.u32 @!p0 v0, $0x6  }
0x21e: {  	[tilespmem:$0x1E450] =	vst @!p0 v1;
	v0 =	vand.u32 @!p0 $0x40, v0  }
0x21f: {  	[tilespmem:$0x1E650] =	vst @!p0 v0  }
0x220: {  	v0 =	vld @!p0 [tilespmem:s0+$0x260];
	_ =	sdelay $0x4  }
0x221: {  	v1 =	vshrl.u32 @!p0 v0, $0x1;
	v0 =	vshll.u32 @!p0 v0, $0x6  }
0x222: {  	[tilespmem:$0x1E460] =	vst @!p0 v1;
	v0 =	vand.u32 @!p0 $0x40, v0  }
0x223: {  	[tilespmem:$0x1E660] =	vst @!p0 v0  }
0x224: {  	v0 =	vld @!p0 [tilespmem:s0+$0x270];
	_ =	sdelay $0x4  }
0x225: {  	v1 =	vshrl.u32 @!p0 v0, $0x1;
	v0 =	vshll.u32 @!p0 v0, $0x6  }
0x226: {  	[tilespmem:$0x1E470] =	vst @!p0 v1;
	v0 =	vand.u32 @!p0 $0x40, v0  }
0x227: {  	s1 =	simm.s32 @!p0 $0x1E400;
	s5 =	simm.s32 @!p0 $0x6400;
	s0 =	simm.s32 @!p0 $0x80;
	[tilespmem:$0x1E670] =	vst @!p0 v0  }
0x228: {  	[tilespmem:s5], [sflag:$0x1] =	stream.indirect.gather @!p0 [hbm4b:s3+s0], $0x80, s1, s0, $0xb8;
	[tilespmem:$0x1EA00] =	vst v63  }
0x229: {  	_ =	swait.ge [sflag:s25], $0x4000  }
0x22a: {  	[sflag:s25] =	ssyncset.done $0x0  }
0x22b: {  	[sflag:s25] =	ssyncadd.s32 $0xFFFFC000  }
0x22c: {  	_ =	swait.ge [sflag:s26], $0x4000  }
0x22d: {  	[sflag:s26] =	ssyncset.done $0x0  }
0x22e: {  	s1 =	simm.s32 $0x1E901;
	[sflag:s26] =	ssyncadd.s32 $0xFFFFC000  }
0x22f: {  	v0 =	vld [tilespmem:s1+$0xFFFFFFFF];
	_ =	sdelay $0x4  }
0x230: {  	(v2sf) =	vpush v0, $0x0;
	_ =	sdelay $0xe  }
0x231: {  	s31 =	spop (v2sf)  }
0x232: {  	s11 =	sand.u32 $0x7F, s31;
	s7 =	sshll.u32 s31, $0x2  }
0x233: {  	s7 =	sand.u32 $0xFFFFFE00, s7;
	s0 =	sshll.u32 s11, $0x2  }
0x234: {  	s0 =	sor.u32 s0, s7  }
0x235: {  	s0 =	sshra.s32 s0, $0x2  }
0x236: {  	s0 =	sadd.s32 $0x0, s0  }
0x237: {  	v0 =	vld [tilespmem:s0+$0x12400];
	_ =	sdelay $0x1  }
0x238: {  	s12 =	sadd.s32 $0x10, s31  }
0x239: {  	s13 =	sand.u32 $0x7F, s12;
	s0 =	sshll.u32 s12, $0x2  }
0x23a: {  	s7 =	sshll.u32 s13, $0x2;
	s0 =	sand.u32 $0xFFFFFE00, s0  }
0x23b: {  	s7 =	sor.u32 s7, s0;
	v0 =	vmul.f32 $8.000000000e+00, v0  }
0x23c: {  	s0 =	simm.s32 $0x0;
	s7 =	sshra.s32 s7, $0x2  }
0x23d: {  	s7 =	sadd.s32 $0x0, s7;
	[tilespmem:s0+$0x1A400] =	vst v0  }
0x23e: {  	v0 =	vld [tilespmem:s7+$0x12400];
	_ =	sdelay $0x1  }
0x23f: {  	s14 =	sadd.s32 $0x20, s31  }
0x240: {  	s9 =	sand.u32 $0x7F, s14;
	s7 =	sshll.u32 s14, $0x2  }
0x241: {  	s9 =	sshll.u32 s9, $0x2;
	s7 =	sand.u32 $0xFFFFFE00, s7  }
0x242: {  	s7 =	sor.u32 s9, s7;
	v0 =	vmul.f32 $8.000000000e+00, v0  }
0x243: {  	s7 =	sshra.s32 s7, $0x2  }
0x244: {  	s7 =	sadd.s32 $0x0, s7;
	[tilespmem:s0+$0x1A410] =	vst v0  }
0x245: {  	v0 =	vld [tilespmem:s7+$0x12400];
	_ =	sdelay $0x1  }
0x246: {  	s5 =	sadd.s32 $0x30, s31  }
0x247: {  	s28 =	sand.u32 $0x7F, s5;
	s5 =	sshll.u32 s5, $0x2  }
0x248: {  	s5 =	sand.u32 $0xFFFFFE00, s5;
	s7 =	sshll.u32 s28, $0x2  }
0x249: {  	s5 =	sor.u32 s7, s5;
	v0 =	vmul.f32 $8.000000000e+00, v0  }
0x24a: {  	s5 =	sshra.s32 s5, $0x2  }
0x24b: {  	s5 =	sadd.s32 $0x0, s5;
	[tilespmem:s0+$0x1A420] =	vst v0  }
0x24c: {  	v0 =	vld [tilespmem:s5+$0x12400];
	_ =	sdelay $0x4  }
0x24d: {  	v0 =	vmul.f32 $8.000000000e+00, v0;
	_ =	sdelay $0x1  }
0x24e: {  	[tilespmem:s0+$0x1A430] =	vst v0  }
0x24f: {  	v0 =	vld [tilespmem:s1+$0x0];
	_ =	sdelay $0x4  }
0x250: {  	(v2sf) =	vpush v0, $0x0;
	_ =	sdelay $0xe  }
0x251: {  	s5 =	spop (v2sf)  }
0x252: {  	s31 =	sand.u32 $0x7F, s5;
	s11 =	sshll.u32 s5, $0x2  }
0x253: {  	s9 =	sand.u32 $0xFFFFFE00, s11;
	s7 =	sshll.u32 s31, $0x2  }
0x254: {  	s7 =	sor.u32 s7, s9  }
0x255: {  	s7 =	sshra.s32 s7, $0x2  }
0x256: {  	s7 =	sadd.s32 $0x0, s7  }
0x257: {  	v0 =	vld [tilespmem:s7+$0x12480];
	_ =	sdelay $0x1  }
0x258: {  	s12 =	sadd.s32 $0x10, s5  }
0x259: {  	s13 =	sand.u32 $0x7F, s12;
	s7 =	sshll.u32 s12, $0x2  }
0x25a: {  	s9 =	sshll.u32 s13, $0x2;
	s7 =	sand.u32 $0xFFFFFE00, s7  }
0x25b: {  	s7 =	sor.u32 s9, s7;
	v0 =	vmul.f32 $8.000000000e+00, v0  }
0x25c: {  	s7 =	sshra.s32 s7, $0x2  }
0x25d: {  	s7 =	sadd.s32 $0x0, s7;
	[tilespmem:s0+$0x1A480] =	vst v0  }
0x25e: {  	v0 =	vld [tilespmem:s7+$0x12480];
	_ =	sdelay $0x1  }
0x25f: {  	s14 =	sadd.s32 $0x20, s5  }
0x260: {  	s28 =	sand.u32 $0x7F, s14;
	s7 =	sshll.u32 s14, $0x2  }
0x261: {  	s9 =	sshll.u32 s28, $0x2;
	s7 =	sand.u32 $0xFFFFFE00, s7  }
0x262: {  	s7 =	sor.u32 s9, s7;
	v0 =	vmul.f32 $8.000000000e+00, v0  }
0x263: {  	s7 =	sshra.s32 s7, $0x2  }
0x264: {  	s7 =	sadd.s32 $0x0, s7;
	[tilespmem:s0+$0x1A490] =	vst v0  }
0x265: {  	v0 =	vld [tilespmem:s7+$0x12480];
	_ =	sdelay $0x1  }
0x266: {  	s5 =	sadd.s32 $0x30, s5  }
0x267: {  	s31 =	sand.u32 $0x7F, s5;
	s5 =	sshll.u32 s5, $0x2  }
0x268: {  	s5 =	sand.u32 $0xFFFFFE00, s5;
	s7 =	sshll.u32 s31, $0x2  }
0x269: {  	s5 =	sor.u32 s7, s5;
	v0 =	vmul.f32 $8.000000000e+00, v0  }
0x26a: {  	s5 =	sshra.s32 s5, $0x2  }
0x26b: {  	s5 =	sadd.s32 $0x0, s5;
	[tilespmem:s0+$0x1A4A0] =	vst v0  }
0x26c: {  	v0 =	vld [tilespmem:s5+$0x12480];
	_ =	sdelay $0x4  }
0x26d: {  	s11 =	simm.s32 $0x0;
	s12 =	simm.s32 $0x0;
	v0 =	vmul.f32 $8.000000000e+00, v0  }
.LBB2_9:
0x26e: {  	_ = 	snop  }
0x26f: {  	s12 =	sadd.s32 $0x2, s12;
	s11 =	sadd.s32 $0x400, s11;
	s1 =	sadd.s32 $0x2, s1;
	[tilespmem:s0+$0x1A4B0] =	vst v0  }
0x270: {  	p1 =	slt.u32 s12, $0x7E;
	v0 =	vld [tilespmem:s1+$0xFFFFFFFF];
	_ =	sdelay $0x4  }
0x271: {  	(v2sf) =	vpush v0, $0x0;
	_ =	sdelay $0xe  }
0x272: {  	s0 =	sshra.s32 s11, $0x2;
	s5 =	spop (v2sf)  }
0x273: {  	s7 =	sand.u32 $0x7F, s5;
	s9 =	sshll.u32 s5, $0x2;
	s13 =	sadd.s32 $0x10, s5  }
0x274: {  	s9 =	sand.u32 $0xFFFFFE00, s9;
	s7 =	sshll.u32 s7, $0x2;
	s14 =	sand.u32 $0x7F, s13  }
0x275: {  	s7 =	sor.u32 s7, s9;
	s9 =	sshll.u32 s13, $0x2;
	s13 =	sadd.s32 $0x20, s5  }
0x276: {  	s7 =	sshra.s32 s7, $0x2;
	s9 =	sand.u32 $0xFFFFFE00, s9;
	s28 =	sand.u32 $0x7F, s13  }
0x277: {  	s14 =	sshll.u32 s14, $0x2;
	s13 =	sshll.u32 s13, $0x2;
	s7 =	sadd.s32 s0, s7  }
0x278: {  	v0 =	vld [tilespmem:s7+$0x12400];
	s7 =	sor.u32 s14, s9;
	s9 =	sand.u32 $0xFFFFFE00, s13;
	s13 =	sshll.u32 s28, $0x2  }
0x279: {  	s5 =	sadd.s32 $0x30, s5;
	s7 =	sshra.s32 s7, $0x2;
	s9 =	sor.u32 s13, s9  }
0x27a: {  	s13 =	sand.u32 $0x7F, s5;
	s5 =	sshll.u32 s5, $0x2;
	s9 =	sshra.s32 s9, $0x2  }
0x27b: {  	s5 =	sand.u32 $0xFFFFFE00, s5;
	s13 =	sshll.u32 s13, $0x2  }
0x27c: {  	s5 =	sor.u32 s13, s5  }
0x27d: {  	s5 =	sshra.s32 s5, $0x2;
	v0 =	vmul.f32 $8.000000000e+00, v0;
	_ =	sdelay $0x1  }
0x27e: {  	s7 =	sadd.s32 s0, s7;
	[tilespmem:s0+$0x1A400] =	vst v0  }
0x27f: {  	v0 =	vld [tilespmem:s7+$0x12400];
	_ =	sdelay $0x4  }
0x280: {  	v0 =	vmul.f32 $8.000000000e+00, v0;
	_ =	sdelay $0x1  }
0x281: {  	s7 =	sadd.s32 s0, s9;
	[tilespmem:s0+$0x1A410] =	vst v0  }
0x282: {  	v0 =	vld [tilespmem:s7+$0x12400];
	_ =	sdelay $0x4  }
0x283: {  	v0 =	vmul.f32 $8.000000000e+00, v0;
	_ =	sdelay $0x1  }
0x284: {  	s5 =	sadd.s32 s0, s5;
	[tilespmem:s0+$0x1A420] =	vst v0  }
0x285: {  	v0 =	vld [tilespmem:s5+$0x12400];
	_ =	sdelay $0x4  }
0x286: {  	v0 =	vmul.f32 $8.000000000e+00, v0;
	_ =	sdelay $0x1  }
0x287: {  	[tilespmem:s0+$0x1A430] =	vst v0  }
0x288: {  	v0 =	vld [tilespmem:s1+$0x0];
	_ =	sdelay $0x4  }
0x289: {  	(v2sf) =	vpush v0, $0x0;
	_ =	sdelay $0xe  }
0x28a: {  	s5 =	spop (v2sf)  }
0x28b: {  	s7 =	sand.u32 $0x7F, s5;
	s9 =	sshll.u32 s5, $0x2;
	s13 =	sadd.s32 $0x10, s5  }
0x28c: {  	s9 =	sand.u32 $0xFFFFFE00, s9;
	s7 =	sshll.u32 s7, $0x2;
	s14 =	sand.u32 $0x7F, s13  }
0x28d: {  	s7 =	sor.u32 s7, s9;
	s9 =	sshll.u32 s13, $0x2;
	s13 =	sshll.u32 s14, $0x2  }
0x28e: {  	s14 =	sadd.s32 $0x20, s5;
	s7 =	sshra.s32 s7, $0x2;
	s9 =	sand.u32 $0xFFFFFE00, s9  }
0x28f: {  	s7 =	sadd.s32 s0, s7;
	s9 =	sor.u32 s13, s9;
	s13 =	sand.u32 $0x7F, s14  }
0x290: {  	s5 =	sadd.s32 $0x30, s5;
	v0 =	vld [tilespmem:s7+$0x12480];
	s7 =	sshra.s32 s9, $0x2;
	s9 =	sshll.u32 s14, $0x2  }
0x291: {  	s13 =	sshll.u32 s13, $0x2;
	s14 =	sand.u32 $0x7F, s5;
	s9 =	sand.u32 $0xFFFFFE00, s9  }
0x292: {  	s5 =	sshll.u32 s5, $0x2;
	s9 =	sor.u32 s13, s9;
	s13 =	sshll.u32 s14, $0x2  }
0x293: {  	s5 =	sand.u32 $0xFFFFFE00, s5;
	s9 =	sshra.s32 s9, $0x2  }
0x294: {  	s5 =	sor.u32 s13, s5  }
0x295: {  	s5 =	sshra.s32 s5, $0x2;
	v0 =	vmul.f32 $8.000000000e+00, v0;
	_ =	sdelay $0x1  }
0x296: {  	s7 =	sadd.s32 s0, s7;
	[tilespmem:s0+$0x1A480] =	vst v0  }
0x297: {  	v0 =	vld [tilespmem:s7+$0x12480];
	_ =	sdelay $0x4  }
0x298: {  	v0 =	vmul.f32 $8.000000000e+00, v0;
	_ =	sdelay $0x1  }
0x299: {  	s7 =	sadd.s32 s0, s9;
	[tilespmem:s0+$0x1A490] =	vst v0  }
0x29a: {  	v0 =	vld [tilespmem:s7+$0x12480];
	_ =	sdelay $0x4  }
0x29b: {  	v0 =	vmul.f32 $8.000000000e+00, v0;
	_ =	sdelay $0x1  }
0x29c: {  	s5 =	sadd.s32 s0, s5;
	[tilespmem:s0+$0x1A4A0] =	vst v0  }
0x29d: {  	v0 =	vld [tilespmem:s5+$0x12480]  }
.Ltmp5:
0x29e: {  	(pc) =	sbr.rel @p1 .LBB2_9-.Ltmp5, $2  }
0x29f: {  	_ =	sdelay $0x2  }
0x2a0: {  	v0 =	vmul.f32 $8.000000000e+00, v0  }
.Ltmp6:
0x2a1: {  	s1 =	sshll.u32 s30, $0xE;
	(pc) =	sbr.rel @p0 .LBB2_12-.Ltmp6, $4  }
0x2a2: {  	s1 =	sadd.s32 s6, s1  }
0x2a3: {  	s1 =	sshrl.u32 s1, $0x3  }
0x2a4: {  	[tilespmem:s0+$0x1A4B0] =	vst v0;
	s31 =	sadd.s32 s4, s1  }
0x2a5: {  	[hbm4b:s31+s2] =	stream.linear.scatter [tilespmem:s20], [sflag:$0x6], $0x4000, $0x38;
	[tilespmem:$0x1EA00] =	vst v63  }
0x2a6: {  	s0 =	sshll.u32 s29, $0x9  }
0x2a7: {  	s0 =	sand.u32 $0x3FFFFE00, s0  }
0x2a8: {  	v0 =	vld [tilespmem:s0+$0x280];
	_ =	sdelay $0x4  }
0x2a9: {  	v1 =	vshrl.u32 v0, $0x1;
	v0 =	vshll.u32 v0, $0x6  }
0x2aa: {  	[tilespmem:$0x1E480] =	vst v1;
	v0 =	vand.u32 $0x40, v0  }
0x2ab: {  	[tilespmem:$0x1E700] =	vst v0  }
0x2ac: {  	v0 =	vld [tilespmem:s0+$0x290];
	_ =	sdelay $0x4  }
0x2ad: {  	v57 =	vshrl.u32 v0, $0x1;
	v0 =	vshll.u32 v0, $0x6  }
0x2ae: {  	[tilespmem:$0x1E490] =	vst v57;
	v0 =	vand.u32 $0x40, v0  }
0x2af: {  	[tilespmem:$0x1E710] =	vst v0  }
0x2b0: {  	v0 =	vld [tilespmem:s0+$0x2A0];
	_ =	sdelay $0x4  }
0x2b1: {  	v58 =	vshrl.u32 v0, $0x1;
	v0 =	vshll.u32 v0, $0x6  }
0x2b2: {  	[tilespmem:$0x1E4A0] =	vst v58;
	v0 =	vand.u32 $0x40, v0  }
0x2b3: {  	[tilespmem:$0x1E720] =	vst v0  }
0x2b4: {  	v0 =	vld [tilespmem:s0+$0x2B0];
	_ =	sdelay $0x4  }
0x2b5: {  	v59 =	vshrl.u32 v0, $0x1;
	v0 =	vshll.u32 v0, $0x6  }
0x2b6: {  	[tilespmem:$0x1E4B0] =	vst v59;
	v0 =	vand.u32 $0x40, v0  }
0x2b7: {  	[tilespmem:$0x1E730] =	vst v0  }
0x2b8: {  	v0 =	vld [tilespmem:s0+$0x2C0];
	_ =	sdelay $0x4  }
0x2b9: {  	v60 =	vshrl.u32 v0, $0x1;
	v0 =	vshll.u32 v0, $0x6  }
0x2ba: {  	[tilespmem:$0x1E4C0] =	vst v60;
	v0 =	vand.u32 $0x40, v0  }
0x2bb: {  	[tilespmem:$0x1E740] =	vst v0  }
0x2bc: {  	v0 =	vld [tilespmem:s0+$0x2D0];
	_ =	sdelay $0x4  }
0x2bd: {  	v61 =	vshrl.u32 v0, $0x1;
	v0 =	vshll.u32 v0, $0x6  }
0x2be: {  	[tilespmem:$0x1E4D0] =	vst v61;
	v0 =	vand.u32 $0x40, v0  }
0x2bf: {  	[tilespmem:$0x1E750] =	vst v0  }
0x2c0: {  	v0 =	vld [tilespmem:s0+$0x2E0];
	_ =	sdelay $0x4  }
0x2c1: {  	v62 =	vshrl.u32 v0, $0x1;
	v0 =	vshll.u32 v0, $0x6  }
0x2c2: {  	[tilespmem:$0x1E4E0] =	vst v62;
	v0 =	vand.u32 $0x40, v0  }
0x2c3: {  	[tilespmem:$0x1E760] =	vst v0  }
0x2c4: {  	v0 =	vld [tilespmem:s0+$0x2F0];
	_ =	sdelay $0x3  }
.Ltmp7:
0x2c5: {  	_ = 	snop;
	(pc) =	sbr.rel .LBB2_2-.Ltmp7, $4  }
0x2c6: {  	v63 =	vshrl.u32 v0, $0x1;
	v0 =	vshll.u32 v0, $0x6  }
0x2c7: {  	[tilespmem:$0x1E4F0] =	vst v63;
	v0 =	vand.u32 $0x40, v0  }
0x2c8: {  	s31 =	simm.s32 $0x1E480;
	s1 =	simm.s32 $0xA400;
	s29 =	sadd.s32 $0x1, s29;
	[tilespmem:$0x1E770] =	vst v0  }
0x2c9: {  	[tilespmem:s1], [sflag:$0x2] =	stream.indirect.gather [hbm4b:s3+s10], $0x80, s31, s10, $0xb8;
	[tilespmem:$0x1EA00] =	vst v63  }
.LBB2_13:
0x2ca: {  	_ =	sfence.sel $0x180000  }
0x2cb: {  	[bflag:$0x0] =	sbarrier.arrive $0xFFFF  }
0x2cc: {  	_ =	strace $0x90000047  }
0x2cd: {  	s0 =	stileid.u32;
	[bflag:$0x2] =	sbarrier.arrive $0xFFFF  }
0x2ce: {  	p0 =	sne.s32 s0, $0x0;
	s0 =	rddreg [dreg:$0x2]  }
0x2cf: {  	s0 =	sadd.s32 @!p0 $0x100000, s0  }
0x2d0: {  	[sflag:s0] =	ssyncadd.tile.s32 @!p0 $0x1;
	_ =	shalt  }
.Lfunc_end2:
_tile_overlayer_lowered:
.L_overlay_start_2:
0x2d1: {  	(tag) =	ssettag $0x2  }
0x2d2: {  	s0 =	rddreg [dreg:$0x0];
	s2 =	stileid.u32  }
0x2d3: {  	s1 =	rddreg [dreg:$0x1];
	p0 =	sne.s32 s2, $0x0  }
0x2d4: {  	s3 =	rddreg [dreg:$0x2];
	[bflag:$0x3] =	sbarrier.arrive $0xFFFF;
	s2 =	simm.s32 @!p0 $0x1C07  }
0x2d5: {  	[timem:s3], [sflag:s2] =	dma.local @!p0 [hbm:s0], s1  }
0x2d6: {  	s0 =	simm.s32 @!p0 $0x7  }
0x2d7: {  	_ =	swait.ge @!p0 [sflag:s0], s1  }
0x2d8: {  	s1 =	ssub.s32 @!p0 $0x0, s1;
	[sflag:s0] =	ssyncset.done @!p0 $0x0  }
0x2d9: {  	[sflag:s0] =	ssyncadd.s32 @!p0 s1  }
0x2da: {  	[bflag:$0x3] =	sbarrier.arrive $0xFFFF  }
0x2db: {  	_ =	shalt  }

// kernel: sparse-core-data-format-call.cloned.1.call-start
scs
called_computation_lowered:
.L_overlay_start_0:
0x0: {  	s2 =	sld [smem:$0x3FD9]  }
0x1: {  	s3 =	sld [smem:$0x3FFE];
	_ =	sdelay $0x1  }
0x2: {  	s1 =	srdreg.scid  }
0x3: {  	s0 =	sand.u32 $0x1, s1  }
0x4: {  	s18 =	sshll.u32 s0, $0xA;
	s2 =	sadd.s32 s3, s2  }
0x5: {  	s2 =	sadd.s32 s2, s18  }
0x6: {  	[smem:$0x3FC6] =	sst s2  }
0x7: {  	_ = 	snop  }
0x8: {  	s2 =	sld [smem:$0x3FD0];
	(tm) =	ssettm $0x1  }
0x9: {  	s19 =	sld [smem:$0x3FFB];
	_ =	sdelay $0x3  }
0xa: {  	_ =	strace s19  }
0xb: {  	s3 =	sld [smem:$0x3FFC];
	_ =	sdelay $0x3  }
0xc: {  	_ =	strace s3  }
0xd: {  	s3 =	sld [smem:$0x3FFD];
	_ =	sdelay $0x3  }
0xe: {  	_ =	strace s3  }
0xf: {  	_ =	strace $0x8FFFFFFF  }
0x10: {  	s20 =	sld [smem:$0x3FDB];
	_ =	sdelay $0x1  }
0x11: {  	s4 =	simm.s32 $_scs_section_size  }
0x12: {  	s5 =	simm.s32 $_size__tile_overlayer_lowered;
	s6 =	simm.s32 $_tile_overlayer_lowered  }
0x13: {  	s23 =	simm.s32 $0x1BFF;
	s22 =	sshll.u32 s6, $0x1;
	s3 =	sadd.s32 s4, s20  }
0x14: {  	s7 =	simm.s32 $0x0;
	s21 =	sshll.u32 s5, $0x1;
	s5 =	sadd.s32 s22, s3  }
0x15: {  	[timem:s7], [sflag:s23] =	dma.local [hbm:s5], s21  }
0x16: {  	_ =	swait.ge [sflag:s23], s21  }
0x17: {  	s4 =	ssub.s32 $0x0, s21;
	[sflag:s23] =	ssyncset.done $0x0  }
0x18: {  	[sflag:s23] =	ssyncadd.s32 s4;
	_ =	sdelay $0x1  }
0x19: {  	s24 =	simm.s32 $0x1B8B  }
0x1a: {  	_ =	swait.ge [sflag:s24], $0x1  }
0x1b: {  	[sflag:s24] =	ssyncset.done $0x0  }
0x1c: {  	s26 =	simm.s32 $0x1B8E;
	s25 =	sld [smem:$0x3FFE];
	[sflag:s24] =	ssyncadd.s32 $0xFFFFFFFF  }
0x1d: {  	s27 =	simm.s32 $execute0_lowered;
	[smem:$0x3FD2] =	sst s26  }
0x1e: {  	s5 =	sshll.u32 s27, $0x1;
	_ =	strace $0x80000049;
	[dreg:$0x1] =	wrdreg $0xFFFFFFFF  }
0x1f: {  	s28 =	simm.s32 $_size_execute0_lowered;
	s3 =	sadd.s32 s3, s5;
	[dreg:$0x0] =	wrdreg $0x0  }
0x20: {  	s5 =	sshll.u32 s28, $0x1;
	[dreg:$0x2] =	wrdreg s3  }
0x21: {  	[dreg:$0x3] =	wrdreg s5  }
0x22: {  	[dreg:$0x4] =	wrdreg $0xC0  }
0x23: {  	_ =	task [dreg:s7], $0x5FFFF  }
0x24: {  	[dreg:$0x1] =	wrdreg $0xFFFFFFFF  }
0x25: {  	[dreg:$0x0] =	wrdreg $0x60  }
0x26: {  	[dreg:$0x2] =	wrdreg s25  }
0x27: {  	[dreg:$0x3] =	wrdreg s2  }
0x28: {  	[dreg:$0x4] =	wrdreg $0x9  }
0x29: {  	_ =	task.clear_ibuf [dreg:s7], $0x5FFFF;
	_ =	strace $0x90000049  }
0x2a: {  	s29 =	simm.s32 $0x9;
	_ =	strace $0x8000004B  }
0x2b: {  	_ =	swait.ge [sflag:s29], $0x1  }
0x2c: {  	[sflag:s29] =	ssyncadd.s32 $0xFFFFFFFF  }
0x2d: {  	_ =	strace $0x9000004B  }
0x2e: {  	_ =	sfence  }
0x2f: {  	s30 =	sld [smem:$0x0];
	_ =	sdelay $0x2  }
0x30: {  	s31 =	sshll.u32 s1, $0xD;
	s1 =	sshrl.u32 s1, $0x2  }
0x31: {  	s3 =	sand.u32 $0x4000, s31;
	s1 =	sadd.s32 s1, s30  }
0x32: {  	s0 =	sor.u32 s3, s0;
	s1 =	sshll.u32 s1, $0x11  }
0x33: {  	s0 =	sor.u32 s1, s0  }
0x34: {  	s0 =	sadd.s32 $0x8F2B, s0  }
0x35: {  	[sflag:s0] =	ssyncadd.remote.s32 $0x1  }
0x36: {  	_ =	sfence.sel $0xFFFF  }
0x37: {  	[dreg:$0x0] =	wrdreg $0xFFFFFFFF;
	(pc) =	sbr.abs _section_cstart, $3  }
0x38: {  	[dreg:$0x1] =	wrdreg $0xFFFFFFFF  }
0x39: {  	_ =	task.clear_ibuf [dreg:s7], $0x2FFFF;
	_ =	strace $0x9FFFFFFF  }
0x3a: {  	(tm) =	ssettm $0x7FFFFFFF  }
0x3b: {  	_ =	shalt  }
tec
execute0_lowered:
.L_overlay_start_1:
0x0: {  	(tag) =	ssettag $0x1  }
0x1: {  	s0 =	srdreg.scid  }
0x2: {  	s1 =	sshll.u32 s0, $0x4  }
0x3: {  	s0 =	stileid.u32;
	s1 =	sand.u32 $0x10, s1  }
0x4: {  	s1 =	sor.u32 s0, s1  }
0x5: {  	s6 =	rddreg [dreg:$0x0];
	s4 =	simm.s32 $0x1;
	s2 =	sshll.u32 s1, $0x7  }
0x6: {  	s7 =	simm.s32 $0x2;
	s12 =	simm.s32 $0x0;
	s1 =	ssub.s32 $0x1000, s2  }
0x7: {  	s8 =	simm.s32 $0x8000;
	s13 =	simm.s32 $0x0;
	s3 =	sand.u32 $0xF80, s1  }
0x8: {  	s9 =	simm.s32 $0x0;
	s5 =	sshrl.u32 s1, $0xC;
	p0 =	sne.s32 s3, $0x0  }
.Ltmp0:
0x9: {  	s1 =	rddreg [dreg:$0x2];
	s4 =	simm.s32 @!p0 $0x0;
	(pc) =	sbr.rel .LBB1_1-.Ltmp0, $4  }
0xa: {  	s11 =	simm.s32 $0x0;
	s3 =	rddreg [dreg:$0x1];
	s5 =	sadd.s32 s4, s5  }
0xb: {  	_ =	strace $0x8000004A;
	s4 =	simm.s32 $0x1;
	s5 =	smul.u32 $0xC8, s5  }
0xc: {  	s6 =	sadd.s32 $0xA00, s6;
	s10 =	smov.u32 s2;
	[sflag:s4] =	ssyncpa.u1 $0x0  }
0xd: {  	p0 =	por $0x0, $0x0;
	[sflag:s7] =	ssyncpa.u1 $0x0;
	s7 =	sor.u32 $0x1, s5  }
.LBB1_4:
0xe: {  	s16 =	sshll.u32 s13, $0x3;
	s17 =	sand.u32 $0x78, s13  }
0xf: {  	s30 =	sand.u32 $0x7E00, s13;
	s12 =	sshll.u32 s12, $0xF;
	s16 =	sand.u32 $0xC00, s16  }
0x10: {  	[tilespmem:s15+$0x810 ss:$0x81] =	vst.msk $0xffff, v2;
	s31 =	sand.u32 $0x7, s13;
	s16 =	sor.u32 s17, s16;
	s17 =	sadd.s32 s3, s30  }
0x11: {  	[tilespmem:s15+$0x1020 ss:$0x81] =	vst.msk $0xffff, v0;
	s13 =	sshll.u32 s31, $0x12;
	s12 =	sadd.s32 s12, s17;
	s16 =	sshrl.u32 s16, $0x3  }
0x12: {  	[tilespmem:s15+$0x0 ss:$0x81] =	vst.msk $0xffff, v1;
	s13 =	sor.u32 $0x400, s13;
	s12 =	sadd.s32 s16, s12  }
0x13: {  	[hbm4b:s12+s13] =	stream.strided.scatter [tilespmem:s14], [sflag:$0x2], $0x2000, s8, s13, $0x20;
	[tilespmem:$0x8080] =	vst v63  }
.LBB1_5:
0x14: {  	s14 =	sadd.s32 $0x1, s9  }
0x15: {  	s12 =	sadd.s32 $0x1000, s10;
	s16 =	smov.u32 s10;
	p2 =	sgt.s32 s14, $0xC7  }
0x16: {  	s16 =	smov.u32 @p2 s12  }
0x17: {  	s14 =	simm.s32 @p2 $0x0;
	p2 =	sgt.s32 s16, $0xFFF  }
0x18: {  	s16 =	smov.u32 @p2 s2;
	p2 =	sne.s32 s11, s7  }
.Ltmp1:
0x19: {  	p1 =	slt.u32 s11, $0x2;
	(pc) =	sbr.rel @!p2 .LBB1_6-.Ltmp1, $4  }
0x1a: {  	s15 =	simm.s32 @!p1 $0x2  }
0x1b: {  	s13 =	smov.u32 s10;
	p0 =	por !p0, !p0;
	_ =	swait.ge @!p1 [sflag:s15], $0x2000  }
0x1c: {  	s12 =	smov.u32 s9;
	[sflag:s15] =	ssyncset.done @!p1 $0x0;
	s9 =	smov.u32 s14  }
0x1d: {  	s11 =	sadd.s32 $0x1, s11;
	[sflag:s15] =	ssyncadd.s32 @!p1 $0xFFFFE000;
	s10 =	smov.u32 s16  }
.LBB1_1:
0x1e: {  	p1 =	sge.u32 s11, s5  }
0x1f: {  	s14 =	sand.u32 @!p1 $0x1FFFFFF, s9  }
0x20: {  	s15 =	smulhi.u32 @!p1 $0x147AE15, s14;
	_ =	sdelay $0x1  }
0x21: {  	s15 =	smul.u32 @!p1 $0xC8, s15  }
0x22: {  	s16 =	sxor.u32 @!p1 $0xFFFFFFFF, s11;
	s17 =	smul.u32 @!p1 $0xC80, s10  }
0x23: {  	s31 =	sadd.s32 $0xFFFFFFFF, s11;
	s16 =	sshll.u32 @!p1 s16, $0xD;
	s14 =	ssub.s32 @!p1 s14, s15  }
0x24: {  	s15 =	sand.u32 @!p1 $0x2000, s16;
	s16 =	sadd.s32 @!p1 s6, s17;
	s14 =	sshll.u32 @!p1 s14, $0x4  }
0x25: {  	s17 =	simm.s32 @!p1 $0x6400;
	s14 =	sadd.s32 @!p1 s14, s16;
	s16 =	simm.s32 @!p1 $0x40  }
0x26: {  	[tilespmem:s15], [sflag:$0x1] =	stream.strided.gather @!p1 [hbm4b:s14+s16], $0x2000, s17, s16, $0x38;
	[tilespmem:$0x8080] =	vst v63  }
0x27: {  	p1 =	sge.u32 s31, s5  }
.Ltmp2:
0x28: {  	_ = 	snop;
	(pc) =	sbr.rel @p1 .LBB1_5-.Ltmp2, $1  }
0x29: {  	_ =	sdelay $0x3  }
0x2a: {  	s14 =	simm.s32 $0x1  }
0x2b: {  	_ =	swait.ge [sflag:s4], $0x2000;
	s14 =	simm.s32 @!p0 $0x0  }
0x2c: {  	[sflag:s4] =	ssyncset.done $0x0;
	s15 =	sshll.u32 s14, $0xD  }
0x2d: {  	[sflag:s4] =	ssyncadd.s32 $0xFFFFE000;
	s18 =	sor.u32 $0x20, s15  }
0x2e: {  	s14 =	smul.u32 $0x8100, s14;
	v3 =	vld [tilespmem:s18+$0x10]  }
0x2f: {  	s30 =	sand.u32 $0x1, s11;
	v2 =	vld [tilespmem:s18+$0xFFFFFFF0]  }
0x30: {  	s15 =	smul.u32 $0x8100, s30;
	s14 =	sshrl.u32 s14, $0x2;
	v0 =	vld [tilespmem:s18+$0x0]  }
0x31: {  	v1 =	vld [tilespmem:s18+$0xFFFFFFE0];
	s16 =	sor.u32 $0x4000, s14  }
0x32: {  	s31 =	sshrl.u32 s15, $0x2;
	s15 =	sadd.s32 $0x0, s16  }
0x33: {  	s17 =	simm.s32 $0x4;
	s18 =	sadd.s32 $0x40, s18;
	s14 =	sor.u32 $0x4000, s31;
	[tilespmem:s15+$0x1830 ss:$0x81] =	vst.msk $0xffff, v3  }
.LBB1_3:
0x34: {  	v3 =	vld [tilespmem:s18+$0x10];
	p1 =	sne.s32 s17, $0x1FC;
	[tilespmem:s15+$0x810 ss:$0x81] =	vst.msk $0xffff, v2;
	s19 =	smov.u32 s17;
	s17 =	sadd.s32 $0x4, s17  }
.Ltmp3:
0x35: {  	v2 =	vld [tilespmem:s18+$0xFFFFFFF0];
	[tilespmem:s15+$0x1020 ss:$0x81] =	vst.msk $0xffff, v0;
	(pc) =	sbr.rel @p1 .LBB1_3-.Ltmp3, $4  }
0x36: {  	v0 =	vld [tilespmem:s18+$0x0];
	[tilespmem:s15+$0x0 ss:$0x81] =	vst.msk $0xffff, v1  }
0x37: {  	s15 =	sshra.s32 s19, $0x2;
	v1 =	vld [tilespmem:s18+$0xFFFFFFE0]  }
0x38: {  	s15 =	sadd.s32 s15, s16  }
0x39: {  	s18 =	sadd.s32 $0x40, s18;
	[tilespmem:s15+$0x1830 ss:$0x81] =	vst.msk $0xffff, v3  }
.Ltmp4:
0x3a: {  	_ = 	snop;
	(pc) =	sbr.rel .LBB1_4-.Ltmp4, $1  }
0x3b: {  	_ =	sdelay $0x3  }
.LBB1_6:
0x3c: {  	_ =	sfence.sel $0x180000  }
0x3d: {  	s2 =	simm.s32 $0x1;
	[bflag:$0x0] =	sbarrier.arrive $0xFFFF  }
0x3e: {  	s31 =	simm.s32 $0x2;
	[sflag:s2] =	ssyncpa.u1 $0x1  }
0x3f: {  	[sflag:s31] =	ssyncpa.u1 $0x1  }
0x40: {  	p0 =	sne.s32 s0, $0x0;
	_ =	strace $0x9000004A  }
0x41: {  	s0 =	sadd.s32 @!p0 $0x100000, s1;
	[bflag:$0x2] =	sbarrier.arrive $0xFFFF  }
0x42: {  	[sflag:s0] =	ssyncadd.tile.s32 @!p0 $0x1;
	_ =	shalt  }
.Lfunc_end1:
_tile_overlayer_lowered:
.L_overlay_start_2:
0x43: {  	(tag) =	ssettag $0x2  }
0x44: {  	s0 =	rddreg [dreg:$0x0];
	s2 =	stileid.u32  }
0x45: {  	s1 =	rddreg [dreg:$0x1];
	p0 =	sne.s32 s2, $0x0  }
0x46: {  	s3 =	rddreg [dreg:$0x2];
	[bflag:$0x3] =	sbarrier.arrive $0xFFFF;
	s2 =	simm.s32 @!p0 $0x1C01  }
0x47: {  	[timem:s3], [sflag:s2] =	dma.local @!p0 [hbm:s0], s1  }
0x48: {  	s0 =	simm.s32 @!p0 $0x1  }
0x49: {  	_ =	swait.ge @!p0 [sflag:s0], s1  }
0x4a: {  	s1 =	ssub.s32 @!p0 $0x0, s1;
	[sflag:s0] =	ssyncset.done @!p0 $0x0  }
0x4b: {  	[sflag:s0] =	ssyncadd.s32 @!p0 s1  }
0x4c: {  	[bflag:$0x3] =	sbarrier.arrive $0xFFFF  }
0x4d: {  	_ =	shalt  }

</sc_bundles>
